<compile_context>
chip_gen: v7x
topology: tpu7x:2x2x1
jax: 0.10.2.dev20260603
libtpu: 0.0.44.dev20260713+nightly
codegen_flags: <defaults>
</compile_context>

<pallas_src>
import functools

import jax
import jax.numpy as jnp
from jax import lax
from jax.experimental import pallas as pl
from jax.experimental.pallas import tpu as pltpu
from jax.experimental.pallas import tpu_sc as plsc

_N = 10000
_E = 320000
_EP = 322560
_F = 128
_H = 256

_NC = 2
_NS = 16
_NW = _NC * _NS

_EPW = _EP // _NW
_CH = 80
_NCHUNK = _EPW // _CH

_ESC = _EP // _NC
_EPT = _ESC // _NS
_CHS = 80
_NCH2 = _EPT // _CHS

_BE = 1024
_BEB = _BE // 128


def _sc_gather(x, px, py, pz, row, col):
    mesh = plsc.VectorSubcoreMesh(core_axis_name="c", subcore_axis_name="s")

    @functools.partial(
        pl.kernel,
        out_type=[
            jax.ShapeDtypeStruct((_EP, _F), jnp.float32),
            jax.ShapeDtypeStruct((_EP, _F), jnp.float32),
            jax.ShapeDtypeStruct((_EP,), jnp.float32),
            jax.ShapeDtypeStruct((_EP,), jnp.float32),
            jax.ShapeDtypeStruct((_EP,), jnp.float32),
            jax.ShapeDtypeStruct((_EP,), jnp.float32),
        ],
        mesh=mesh,
        scratch_types=[
            pltpu.VMEM((_EPW,), jnp.int32),
            pltpu.VMEM((_EPW,), jnp.int32),
            pltpu.VMEM((_N,), jnp.float32),
            pltpu.VMEM((_N,), jnp.float32),
            pltpu.VMEM((_N,), jnp.float32),
            pltpu.VMEM((_CH, _F), jnp.float32),
            pltpu.VMEM((_CH, _F), jnp.float32),
            pltpu.VMEM((_CH, _F), jnp.float32),
            pltpu.VMEM((_CH, _F), jnp.float32),
            pltpu.VMEM((_CH,), jnp.float32),
            pltpu.VMEM((_CH,), jnp.float32),
            pltpu.VMEM((_CH,), jnp.float32),
            pltpu.VMEM((_CH,), jnp.float32),
            pltpu.VMEM((_CH,), jnp.float32),
            pltpu.VMEM((_CH,), jnp.float32),
            pltpu.VMEM((_CH,), jnp.float32),
            pltpu.VMEM((_CH,), jnp.float32),
            pltpu.SemaphoreType.DMA,
            pltpu.SemaphoreType.DMA,
            pltpu.SemaphoreType.DMA,
            pltpu.SemaphoreType.DMA,
        ],
        compiler_params=pltpu.CompilerParams(needs_layout_passes=False),
    )
    def gk(x_hbm, px_hbm, py_hbm, pz_hbm, row_hbm, col_hbm,
           xr_hbm, xc_hbm, dx_hbm, dy_hbm, dz_hbm, d2_hbm,
           rbuf, cbuf, pxb, pyb, pzb,
           grb0, gcb0, grb1, gcb1,
           dxb0, dyb0, dzb0, d2b0, dxb1, dyb1, dzb1, d2b1,
           gs0, gs1, ws0, ws1):
        wid = lax.axis_index("s") * _NC + lax.axis_index("c")
        base = wid * _EPW
        pltpu.sync_copy(row_hbm.at[pl.ds(base, _EPW)], rbuf)
        pltpu.sync_copy(col_hbm.at[pl.ds(base, _EPW)], cbuf)
        pltpu.sync_copy(px_hbm, pxb)
        pltpu.sync_copy(py_hbm, pyb)
        pltpu.sync_copy(pz_hbm, pzb)

        bufs = ((grb0, gcb0, dxb0, dyb0, dzb0, d2b0, gs0, ws0),
                (grb1, gcb1, dxb1, dyb1, dzb1, d2b1, gs1, ws1))

        def issue_g(off, p):
            grb, gcb = bufs[p][0], bufs[p][1]
            pltpu.async_copy(x_hbm.at[rbuf.at[pl.ds(off, _CH)]], grb, bufs[p][6])
            pltpu.async_copy(x_hbm.at[cbuf.at[pl.ds(off, _CH)]], gcb, bufs[p][6])

        def wait_g(p):
            sem = bufs[p][6]
            pltpu.make_async_copy(x_hbm.at[pl.ds(0, _CH)], bufs[p][0], sem).wait()
            pltpu.make_async_copy(x_hbm.at[pl.ds(0, _CH)], bufs[p][1], sem).wait()

        def poswork(off, p):
            _, _, dxb, dyb, dzb, d2b, _, _ = bufs[p]
            for k in range(_CH // 16):
                i16r = rbuf[pl.ds(off + 16 * k, 16)]
                i16c = cbuf[pl.ds(off + 16 * k, 16)]
                dx = plsc.load_gather(pxb, [i16r]) - plsc.load_gather(pxb, [i16c])
                dy = plsc.load_gather(pyb, [i16r]) - plsc.load_gather(pyb, [i16c])
                dz = plsc.load_gather(pzb, [i16r]) - plsc.load_gather(pzb, [i16c])
                d2 = dx * dx + dy * dy + dz * dz
                dxb[pl.ds(16 * k, 16)] = dx
                dyb[pl.ds(16 * k, 16)] = dy
                dzb[pl.ds(16 * k, 16)] = dz
                d2b[pl.ds(16 * k, 16)] = d2

        def issue_w(off, p):
            grb, gcb, dxb, dyb, dzb, d2b, _, sem = bufs[p]
            pltpu.async_copy(grb, xr_hbm.at[pl.ds(base + off, _CH)], sem)
            pltpu.async_copy(gcb, xc_hbm.at[pl.ds(base + off, _CH)], sem)
            pltpu.async_copy(dxb, dx_hbm.at[pl.ds(base + off, _CH)], sem)
            pltpu.async_copy(dyb, dy_hbm.at[pl.ds(base + off, _CH)], sem)
            pltpu.async_copy(dzb, dz_hbm.at[pl.ds(base + off, _CH)], sem)
            pltpu.async_copy(d2b, d2_hbm.at[pl.ds(base + off, _CH)], sem)

        def wait_w(p):
            grb, gcb, dxb, dyb, dzb, d2b, _, sem = bufs[p]
            pltpu.make_async_copy(grb, xr_hbm.at[pl.ds(0, _CH)], sem).wait()
            pltpu.make_async_copy(gcb, xc_hbm.at[pl.ds(0, _CH)], sem).wait()
            pltpu.make_async_copy(dxb, dx_hbm.at[pl.ds(0, _CH)], sem).wait()
            pltpu.make_async_copy(dyb, dy_hbm.at[pl.ds(0, _CH)], sem).wait()
            pltpu.make_async_copy(dzb, dz_hbm.at[pl.ds(0, _CH)], sem).wait()
            pltpu.make_async_copy(d2b, d2_hbm.at[pl.ds(0, _CH)], sem).wait()

        issue_g(0, 0)

        def body(i2, carry):
            a_off = 2 * i2 * _CH
            b_off = a_off + _CH

            @pl.when(i2 > 0)
            def _():
                wait_w(1)

            issue_g(b_off, 1)
            wait_g(0)
            poswork(a_off, 0)
            issue_w(a_off, 0)
            wait_g(1)
            poswork(b_off, 1)

            @pl.when(i2 < _NCHUNK // 2 - 1)
            def _():
                wait_w(0)
                issue_g(a_off + 2 * _CH, 0)

            issue_w(b_off, 1)
            return carry

        lax.fori_loop(0, _NCHUNK // 2, body, 0)
        wait_w(0)
        wait_w(1)

    return gk(x, px, py, pz, row, col)


def _sc_scatter(v1x, v1y, v1z, v2x, v2y, v2z, col2d, zeros):
    mesh = plsc.VectorSubcoreMesh(core_axis_name="c", subcore_axis_name="s")

    @functools.partial(
        pl.kernel,
        out_type=jax.ShapeDtypeStruct((_NC, _N, 8), jnp.float32),
        mesh=mesh,
        scratch_types=[
            pltpu.VMEM((_NCH2, _CHS), jnp.int32),
            pltpu.VMEM((_EPT,), jnp.float32),
            pltpu.VMEM((_EPT,), jnp.float32),
            pltpu.VMEM((_EPT,), jnp.float32),
            pltpu.VMEM((_EPT,), jnp.float32),
            pltpu.VMEM((_EPT,), jnp.float32),
            pltpu.VMEM((_EPT,), jnp.float32),
            pltpu.VMEM((_CHS, 8), jnp.float32),
            pltpu.VMEM_SHARED((_N, 8), jnp.float32),
        ],
        compiler_params=pltpu.CompilerParams(use_tc_tiling_on_sc=False,
                                             needs_layout_passes=False),
    )
    def sk(v1x_hbm, v1y_hbm, v1z_hbm, v2x_hbm, v2y_hbm, v2z_hbm, col_hbm,
           z_hbm, out_hbm, idxb, b1x, b1y, b1z, b2x, b2y, b2z, rowb, acc):
        c = lax.axis_index("c")
        s = lax.axis_index("s")

        @pl.when(s == 0)
        def _():
            pltpu.sync_copy(z_hbm, acc)

        rowstart = c * (_ESC // _CHS) + s * _NCH2
        pltpu.sync_copy(col_hbm.at[pl.ds(rowstart, _NCH2)], idxb)
        base = c * _ESC + s * _EPT
        pltpu.sync_copy(v1x_hbm.at[pl.ds(base, _EPT)], b1x)
        pltpu.sync_copy(v1y_hbm.at[pl.ds(base, _EPT)], b1y)
        pltpu.sync_copy(v1z_hbm.at[pl.ds(base, _EPT)], b1z)
        pltpu.sync_copy(v2x_hbm.at[pl.ds(base, _EPT)], b2x)
        pltpu.sync_copy(v2y_hbm.at[pl.ds(base, _EPT)], b2y)
        pltpu.sync_copy(v2z_hbm.at[pl.ds(base, _EPT)], b2z)
        plsc.subcore_barrier()

        lanes = lax.iota(jnp.int32, 16)
        zero16 = jnp.zeros((16,), jnp.float32)
        for k in range(_CHS // 16):
            rows = lanes + 16 * k
            plsc.store_scatter(rowb, [rows, jnp.full((16,), 3, jnp.int32)], zero16)
            plsc.store_scatter(rowb, [rows, jnp.full((16,), 7, jnp.int32)], zero16)

        def body(j, carry):
            off = j * _CHS
            for k in range(_CHS // 16):
                sl = pl.ds(off + 16 * k, 16)
                rows = lanes + 16 * k
                plsc.store_scatter(rowb, [rows, jnp.full((16,), 0, jnp.int32)], b1x[sl])
                plsc.store_scatter(rowb, [rows, jnp.full((16,), 1, jnp.int32)], b1y[sl])
                plsc.store_scatter(rowb, [rows, jnp.full((16,), 2, jnp.int32)], b1z[sl])
                plsc.store_scatter(rowb, [rows, jnp.full((16,), 4, jnp.int32)], b2x[sl])
                plsc.store_scatter(rowb, [rows, jnp.full((16,), 5, jnp.int32)], b2y[sl])
                plsc.store_scatter(rowb, [rows, jnp.full((16,), 6, jnp.int32)], b2z[sl])
            pltpu.sync_copy(rowb, acc.at[idxb.at[j]], add=True)
            return carry

        lax.fori_loop(0, _NCH2, body, 0)
        plsc.subcore_barrier()

        @pl.when(s == 0)
        def _():
            pltpu.sync_copy(acc, out_hbm.at[c])

    return sk(v1x, v1y, v1z, v2x, v2y, v2z, col2d, zeros)


def _edge_body(xr_ref, xc_ref, dx_ref, dy_ref, dz_ref, d2_ref,
               wsrc_ref, wdst_ref, wd_ref, b_ref, wb_ref, bb_ref,
               e1_ref, e1t_ref, s_ref,
               o1x_ref, o1y_ref, o1z_ref, o2x_ref, o2y_ref, o2z_ref):
    d2p = d2_ref[...]
    distp = jnp.sqrt(d2p)
    sel = s_ref[...]
    m1 = jnp.dot(e1_ref[...], distp, preferred_element_type=jnp.float32)
    dist = jnp.sum(m1 * sel, axis=1, keepdims=True)
    h = jnp.dot(xr_ref[...], wsrc_ref[...], preferred_element_type=jnp.float32)
    h = h + jnp.dot(xc_ref[...], wdst_ref[...], preferred_element_type=jnp.float32)
    h = h + dist * wd_ref[...] + b_ref[...]
    sh = h * jax.nn.sigmoid(h)
    mes = jnp.dot(sh, wb_ref[...], preferred_element_type=jnp.float32) + bb_ref[...]
    m1p = jnp.dot(e1t_ref[...], mes[:, 0:1] * sel,
                  preferred_element_type=jnp.float32)
    m2p = jnp.dot(e1t_ref[...], mes[:, 1:2] * sel,
                  preferred_element_type=jnp.float32)
    r = distp * (1.0 / 4.5)
    r2 = r * r
    r5 = r2 * r2 * r
    coe = 1.0 - 21.0 * r5 + 35.0 * r5 * r - 15.0 * r5 * r2
    inv = coe / (distp + 1e-8)
    s1 = inv * m1p
    s2 = inv * m2p
    dxp = dx_ref[...]
    dyp = dy_ref[...]
    dzp = dz_ref[...]
    o1x_ref[...] = dxp * s1
    o1y_ref[...] = dyp * s1
    o1z_ref[...] = dzp * s1
    o2x_ref[...] = dxp * s2
    o2y_ref[...] = dyp * s2
    o2z_ref[...] = dzp * s2


def _tc_edge(xr, xc, dx, dy, dz, d2, wsrc, wdst, wd, bias, wb, bb,
             e1, e1t, sel):
    grid = (_EP // _BE,)
    full = lambda i: (0, 0)
    blk = lambda i: (i, 0)
    pshape = jax.ShapeDtypeStruct((_EP // 128, 128), jnp.float32)
    pspec = pl.BlockSpec((_BEB, 128), blk)
    return pl.pallas_call(
        _edge_body,
        grid=grid,
        in_specs=[
            pl.BlockSpec((_BE, _F), blk),
            pl.BlockSpec((_BE, _F), blk),
            pspec, pspec, pspec, pspec,
            pl.BlockSpec((_F, 2 * _H), full),
            pl.BlockSpec((_F, 2 * _H), full),
            pl.BlockSpec((1, 2 * _H), full),
            pl.BlockSpec((1, 2 * _H), full),
            pl.BlockSpec((2 * _H, 8), full),
            pl.BlockSpec((1, 8), full),
            pl.BlockSpec((_BE, _BEB), full),
            pl.BlockSpec((_BEB, _BE), full),
            pl.BlockSpec((_BE, 128), full),
        ],
        out_specs=[pspec] * 6,
        out_shape=[pshape] * 6,
    )(xr, xc, dx, dy, dz, d2, wsrc, wdst, wd, bias, wb, bb, e1, e1t, sel)


def _final_body(p0_ref, p1_ref, out_ref):
    v = p0_ref[...] + p1_ref[...]
    v1 = v[:, 0:4]
    v2 = v[:, 4:8]
    q1 = v1 * v1
    n1 = v1 / (jnp.sqrt(q1[:, 0:1] + q1[:, 1:2] + q1[:, 2:3]) + 1e-8)
    t = n1 * v2
    sdot = t[:, 0:1] + t[:, 1:2] + t[:, 2:3]
    n2p = v2 - sdot * n1
    q2 = n2p * n2p
    n2 = n2p / (jnp.sqrt(q2[:, 0:1] + q2[:, 1:2] + q2[:, 2:3]) + 1e-8)
    n3x = n1[:, 1:2] * n2[:, 2:3] - n1[:, 2:3] * n2[:, 1:2]
    n3y = n1[:, 2:3] * n2[:, 0:1] - n1[:, 0:1] * n2[:, 2:3]
    n3z = n1[:, 0:1] * n2[:, 1:2] - n1[:, 1:2] * n2[:, 0:1]
    out_ref[...] = jnp.concatenate(
        [n1[:, 0:3], n2[:, 0:3], n3x, n3y, n3z], axis=1)


def _tc_final(p0, p1):
    return pl.pallas_call(
        _final_body,
        out_shape=jax.ShapeDtypeStruct((_N, 9), jnp.float32),
    )(p0, p1)


def kernel(x, pos, W1a, b1a, W1b, b1b, W2a, b2a, W2b, b2b, edge_index):
    x = x.astype(jnp.float32)
    pos = pos.astype(jnp.float32)
    pad = ((0, _EP - _E),)
    row = jnp.pad(edge_index[0].astype(jnp.int32), pad)
    col = jnp.pad(edge_index[1].astype(jnp.int32), pad)

    wsrc = jnp.concatenate([W1a[:_F], W2a[:_F]], axis=1)
    wdst = jnp.concatenate([W1a[_F:2 * _F], W2a[_F:2 * _F]], axis=1)
    wd = jnp.concatenate([W1a[2 * _F], W2a[2 * _F]])[None, :]
    bias = jnp.concatenate([b1a, b2a])[None, :]
    wb = jnp.zeros((2 * _H, 8), jnp.float32)
    wb = wb.at[:_H, 0].set(W1b[:, 0]).at[_H:, 1].set(W2b[:, 0])
    bb = jnp.zeros((1, 8), jnp.float32).at[0, 0].set(b1b[0]).at[0, 1].set(b2b[0])

    xr, xc, dx, dy, dz, d2 = _sc_gather(
        x, pos[:, 0], pos[:, 1], pos[:, 2], row, col)
    eids = jnp.arange(_BE, dtype=jnp.int32)
    e1 = (eids[:, None] // 128 == jnp.arange(_BEB, dtype=jnp.int32)[None, :]
          ).astype(jnp.float32)
    sel = (eids[:, None] % 128 == jnp.arange(128, dtype=jnp.int32)[None, :]
           ).astype(jnp.float32)
    outs = _tc_edge(xr, xc,
                    dx.reshape(_EP // 128, 128), dy.reshape(_EP // 128, 128),
                    dz.reshape(_EP // 128, 128), d2.reshape(_EP // 128, 128),
                    wsrc, wdst, wd, bias, wb, bb, e1, e1.T, sel)
    flat = [o.reshape(_EP) for o in outs]
    part = _sc_scatter(*flat, col.reshape(_EP // _CHS, _CHS),
                       jnp.zeros((_N, 8), jnp.float32))
    out9 = _tc_final(part[0], part[1])
    return out9.reshape(_N, 3, 3)

# --- scband reference (transcript-rebuilt; emitter-appended) ---
"""Pipeline reference for scband-equivariant-layer-8864812499079 (READ-ONLY COPY).

The authoritative reference and input builder live on the scoring server;
editing this copy changes nothing except your own understanding.
"""

import jax, jax.numpy as jnp
import numpy as np

N = 10000
E = 320000
F = 128
H = 256


def _linear_params(key, fin, fout):
    kw, kb = jax.random.split(key)
    bound = 1.0 / np.sqrt(fin)
    W = jax.random.uniform(kw, (fin, fout), minval=-bound, maxval=bound, dtype=jnp.float32)
    b = jax.random.uniform(kb, (fout,), minval=-bound, maxval=bound, dtype=jnp.float32)
    return W, b


def setup_inputs(seed: int = 0) -> dict:
    key = jax.random.key(seed)
    ks = jax.random.split(key, 8)
    x = jax.random.normal(ks[0], (N, F), dtype=jnp.float32)
    pos = jax.random.normal(ks[1], (N, 3), dtype=jnp.float32)
    edge_index = jax.random.randint(ks[2], (2, E), 0, N)
    W1a, b1a = _linear_params(ks[3], 2 * F + 1, H)
    W1b, b1b = _linear_params(ks[4], H, 1)
    W2a, b2a = _linear_params(ks[5], 2 * F + 1, H)
    W2b, b2b = _linear_params(ks[6], H, 1)
    return {"x": x, "pos": pos, "W1a": W1a, "b1a": b1a, "W1b": W1b, "b1b": b1b,
            "W2a": W2a, "b2a": b2a, "W2b": W2b, "b2b": b2b, "edge_index": edge_index}


def _silu(a):
    return a * jax.nn.sigmoid(a)


def reference(x, pos, W1a, b1a, W1b, b1b, W2a, b2a, W2b, b2b, edge_index):
    row = edge_index[0]
    col = edge_index[1]
    d = pos[row] - pos[col]
    dist = jnp.linalg.norm(d, axis=-1, keepdims=True)
    x_ij = jnp.concatenate([x[row], x[col], dist], axis=-1)
    mes1 = _silu(x_ij @ W1a + b1a) @ W1b + b1b
    mes2 = _silu(x_ij @ W2a + b2a) @ W2b + b2b
    p = 5.0
    r_max = 4.5
    r = dist / r_max
    coe = 1.0 - (p + 1.0) * (p + 2.0) / 2.0 * r ** p + p * (p + 2.0) * r ** (p + 1.0) - p * (p + 1.0) / 2.0 * r ** (p + 2.0)
    norm_vec = d / (dist + 1e-8)
    vec1 = norm_vec * coe * mes1
    vec2 = norm_vec * coe * mes2
    v1 = jax.ops.segment_sum(vec1, col, num_segments=x.shape[0])
    v2 = jax.ops.segment_sum(vec2, col, num_segments=x.shape[0])
    n1 = v1 / (jnp.linalg.norm(v1, axis=-1, keepdims=True) + 1e-8)
    n2_prime = v2 - jnp.sum(n1 * v2, axis=-1, keepdims=True) * n1
    n2 = n2_prime / (jnp.linalg.norm(n2_prime, axis=-1, keepdims=True) + 1e-8)
    n3 = jnp.cross(n1, n2)
    return jnp.stack([n1, n2, n3], axis=-2)

if __name__ == "__main__":
    import jax
    _d = setup_inputs()
    print(jax.jit(kernel)(*tuple(_d.values())))

</pallas_src>

<mosaic_0001>
#map = affine_map<(d0, d1) -> (0)>
#map1 = affine_map<(d0, d1) -> (0, 0)>
#map2 = affine_map<(d0, d1) -> (0, 0, 0)>
module attributes {stable_mosaic.version = 14 : i64} {
  func.func @sk(%arg0: i32, %arg1: i32, %arg2: memref<322560xf32, #tpu.memory_space<hbm>>, %arg3: memref<322560xf32, #tpu.memory_space<hbm>>, %arg4: memref<322560xf32, #tpu.memory_space<hbm>>, %arg5: memref<322560xf32, #tpu.memory_space<hbm>>, %arg6: memref<322560xf32, #tpu.memory_space<hbm>>, %arg7: memref<322560xf32, #tpu.memory_space<hbm>>, %arg8: memref<4032x80xi32, #tpu.memory_space<hbm>>, %arg9: memref<10000x8xf32, #tpu.memory_space<hbm>>, %arg10: memref<2x10000x8xf32, #tpu.memory_space<hbm>>, %arg11: memref<126x80xi32, #tpu.memory_space<vmem>>, %arg12: memref<10080xf32, #tpu.memory_space<vmem>>, %arg13: memref<10080xf32, #tpu.memory_space<vmem>>, %arg14: memref<10080xf32, #tpu.memory_space<vmem>>, %arg15: memref<10080xf32, #tpu.memory_space<vmem>>, %arg16: memref<10080xf32, #tpu.memory_space<vmem>>, %arg17: memref<10080xf32, #tpu.memory_space<vmem>>, %arg18: memref<80x8xf32, #tpu.memory_space<vmem>>, %arg19: memref<10000x8xf32, #tpu.memory_space<vmem_shared>>) attributes {dimension_semantics = [#tpu.dimension_semantics<core_parallel>, #tpu.dimension_semantics<subcore_parallel>], iteration_bounds = array<i64: 2, 16>, scalar_prefetch = 0 : i64, scratch_operands = 9 : i64, tpu.core_type = #tpu.core_type<sc_vector_subcore>, window_params = [{transform_indices = #map}, {transform_indices = #map}, {transform_indices = #map}, {transform_indices = #map}, {transform_indices = #map}, {transform_indices = #map}, {transform_indices = #map1}, {transform_indices = #map1}, {transform_indices = #map2}]} {
    %eq3A = arith.constant 0 : i32
    %eq3A_0 = arith.cmpi eq, %arg1, %eq3A : i32
    %convert_element_type3A = arith.extui %eq3A_0 : i1 to i32
    %cond3A = arith.constant 0 : i32
    %cond3A_1 = arith.cmpi ne, %convert_element_type3A, %cond3A : i32
    scf.if %cond3A_1 {
      "tpu.region"() ({
        %run_scoped3A = tpu.sem_alloc : memref<!tpu.dma_semaphore, #tpu.memory_space<semaphore_mem>>
        tpu.enqueue_dma source(%arg9 : memref<10000x8xf32, #tpu.memory_space<hbm>>) target(%arg19 : memref<10000x8xf32, #tpu.memory_space<vmem_shared>>) target_semaphore(%run_scoped3A : memref<!tpu.dma_semaphore, #tpu.memory_space<semaphore_mem>>)
        tpu.wait_dma2 semaphore(%run_scoped3A : memref<!tpu.dma_semaphore, #tpu.memory_space<semaphore_mem>>) src(%arg9 : memref<10000x8xf32, #tpu.memory_space<hbm>>) dst(%arg19 : memref<10000x8xf32, #tpu.memory_space<vmem_shared>>)
        tpu.yield
      }) : () -> ()
    } else {
    }
    %mul3A = arith.constant 2016 : i32
    %mul3A_2 = arith.muli %arg0, %mul3A : i32
    %mul3A_3 = arith.constant 126 : i32
    %mul3A_4 = arith.muli %arg1, %mul3A_3 : i32
    %add3A = arith.addi %mul3A_2, %mul3A_4 : i32
    "tpu.region"() ({
      %run_scoped3A = tpu.sem_alloc : memref<!tpu.dma_semaphore, #tpu.memory_space<semaphore_mem>>
      %dma_start3A = arith.constant 0 : i32
      %dma_start3A_57 = tpu.memref_slice %arg8[%add3A, %dma_start3A] : memref<4032x80xi32, #tpu.memory_space<hbm>> -> memref<126x80xi32, #tpu.memory_space<hbm>>
      %dma_start3A_58 = arith.constant 0 : i32
      %dma_start3A_59 = tpu.memref_slice %arg8[%add3A, %dma_start3A_58] : memref<4032x80xi32, #tpu.memory_space<hbm>> -> memref<126x80xi32, #tpu.memory_space<hbm>>
      tpu.enqueue_dma source(%dma_start3A_59 : memref<126x80xi32, #tpu.memory_space<hbm>>) target(%arg11 : memref<126x80xi32, #tpu.memory_space<vmem>>) target_semaphore(%run_scoped3A : memref<!tpu.dma_semaphore, #tpu.memory_space<semaphore_mem>>)
      %dma_wait3A = arith.constant 0 : i32
      %dma_wait3A_60 = tpu.memref_slice %arg8[%add3A, %dma_wait3A] : memref<4032x80xi32, #tpu.memory_space<hbm>> -> memref<126x80xi32, #tpu.memory_space<hbm>>
      %dma_wait3A_61 = arith.constant 0 : i32
      %dma_wait3A_62 = tpu.memref_slice %arg8[%add3A, %dma_wait3A_61] : memref<4032x80xi32, #tpu.memory_space<hbm>> -> memref<126x80xi32, #tpu.memory_space<hbm>>
      tpu.wait_dma2 semaphore(%run_scoped3A : memref<!tpu.dma_semaphore, #tpu.memory_space<semaphore_mem>>) src(%dma_wait3A_62 : memref<126x80xi32, #tpu.memory_space<hbm>>) dst(%arg11 : memref<126x80xi32, #tpu.memory_space<vmem>>)
      tpu.yield
    }) : () -> ()
    %mul3A_5 = arith.constant 161280 : i32
    %mul3A_6 = arith.muli %arg0, %mul3A_5 : i32
    %mul3A_7 = arith.constant 10080 : i32
    %mul3A_8 = arith.muli %arg1, %mul3A_7 : i32
    %add3A_9 = arith.addi %mul3A_6, %mul3A_8 : i32
    "tpu.region"() ({
      %run_scoped3A = tpu.sem_alloc : memref<!tpu.dma_semaphore, #tpu.memory_space<semaphore_mem>>
      %dma_start3A = tpu.memref_slice %arg2[%add3A_9] : memref<322560xf32, #tpu.memory_space<hbm>> -> memref<10080xf32, #tpu.memory_space<hbm>>
      %dma_start3A_57 = tpu.memref_slice %arg2[%add3A_9] : memref<322560xf32, #tpu.memory_space<hbm>> -> memref<10080xf32, #tpu.memory_space<hbm>>
      tpu.enqueue_dma source(%dma_start3A_57 : memref<10080xf32, #tpu.memory_space<hbm>>) target(%arg12 : memref<10080xf32, #tpu.memory_space<vmem>>) target_semaphore(%run_scoped3A : memref<!tpu.dma_semaphore, #tpu.memory_space<semaphore_mem>>)
      %dma_wait3A = tpu.memref_slice %arg2[%add3A_9] : memref<322560xf32, #tpu.memory_space<hbm>> -> memref<10080xf32, #tpu.memory_space<hbm>>
      %dma_wait3A_58 = tpu.memref_slice %arg2[%add3A_9] : memref<322560xf32, #tpu.memory_space<hbm>> -> memref<10080xf32, #tpu.memory_space<hbm>>
      tpu.wait_dma2 semaphore(%run_scoped3A : memref<!tpu.dma_semaphore, #tpu.memory_space<semaphore_mem>>) src(%dma_wait3A_58 : memref<10080xf32, #tpu.memory_space<hbm>>) dst(%arg12 : memref<10080xf32, #tpu.memory_space<vmem>>)
      tpu.yield
    }) : () -> ()
    "tpu.region"() ({
      %run_scoped3A = tpu.sem_alloc : memref<!tpu.dma_semaphore, #tpu.memory_space<semaphore_mem>>
      %dma_start3A = tpu.memref_slice %arg3[%add3A_9] : memref<322560xf32, #tpu.memory_space<hbm>> -> memref<10080xf32, #tpu.memory_space<hbm>>
      %dma_start3A_57 = tpu.memref_slice %arg3[%add3A_9] : memref<322560xf32, #tpu.memory_space<hbm>> -> memref<10080xf32, #tpu.memory_space<hbm>>
      tpu.enqueue_dma source(%dma_start3A_57 : memref<10080xf32, #tpu.memory_space<hbm>>) target(%arg13 : memref<10080xf32, #tpu.memory_space<vmem>>) target_semaphore(%run_scoped3A : memref<!tpu.dma_semaphore, #tpu.memory_space<semaphore_mem>>)
      %dma_wait3A = tpu.memref_slice %arg3[%add3A_9] : memref<322560xf32, #tpu.memory_space<hbm>> -> memref<10080xf32, #tpu.memory_space<hbm>>
      %dma_wait3A_58 = tpu.memref_slice %arg3[%add3A_9] : memref<322560xf32, #tpu.memory_space<hbm>> -> memref<10080xf32, #tpu.memory_space<hbm>>
      tpu.wait_dma2 semaphore(%run_scoped3A : memref<!tpu.dma_semaphore, #tpu.memory_space<semaphore_mem>>) src(%dma_wait3A_58 : memref<10080xf32, #tpu.memory_space<hbm>>) dst(%arg13 : memref<10080xf32, #tpu.memory_space<vmem>>)
      tpu.yield
    }) : () -> ()
    "tpu.region"() ({
      %run_scoped3A = tpu.sem_alloc : memref<!tpu.dma_semaphore, #tpu.memory_space<semaphore_mem>>
      %dma_start3A = tpu.memref_slice %arg4[%add3A_9] : memref<322560xf32, #tpu.memory_space<hbm>> -> memref<10080xf32, #tpu.memory_space<hbm>>
      %dma_start3A_57 = tpu.memref_slice %arg4[%add3A_9] : memref<322560xf32, #tpu.memory_space<hbm>> -> memref<10080xf32, #tpu.memory_space<hbm>>
      tpu.enqueue_dma source(%dma_start3A_57 : memref<10080xf32, #tpu.memory_space<hbm>>) target(%arg14 : memref<10080xf32, #tpu.memory_space<vmem>>) target_semaphore(%run_scoped3A : memref<!tpu.dma_semaphore, #tpu.memory_space<semaphore_mem>>)
      %dma_wait3A = tpu.memref_slice %arg4[%add3A_9] : memref<322560xf32, #tpu.memory_space<hbm>> -> memref<10080xf32, #tpu.memory_space<hbm>>
      %dma_wait3A_58 = tpu.memref_slice %arg4[%add3A_9] : memref<322560xf32, #tpu.memory_space<hbm>> -> memref<10080xf32, #tpu.memory_space<hbm>>
      tpu.wait_dma2 semaphore(%run_scoped3A : memref<!tpu.dma_semaphore, #tpu.memory_space<semaphore_mem>>) src(%dma_wait3A_58 : memref<10080xf32, #tpu.memory_space<hbm>>) dst(%arg14 : memref<10080xf32, #tpu.memory_space<vmem>>)
      tpu.yield
    }) : () -> ()
    "tpu.region"() ({
      %run_scoped3A = tpu.sem_alloc : memref<!tpu.dma_semaphore, #tpu.memory_space<semaphore_mem>>
      %dma_start3A = tpu.memref_slice %arg5[%add3A_9] : memref<322560xf32, #tpu.memory_space<hbm>> -> memref<10080xf32, #tpu.memory_space<hbm>>
      %dma_start3A_57 = tpu.memref_slice %arg5[%add3A_9] : memref<322560xf32, #tpu.memory_space<hbm>> -> memref<10080xf32, #tpu.memory_space<hbm>>
      tpu.enqueue_dma source(%dma_start3A_57 : memref<10080xf32, #tpu.memory_space<hbm>>) target(%arg15 : memref<10080xf32, #tpu.memory_space<vmem>>) target_semaphore(%run_scoped3A : memref<!tpu.dma_semaphore, #tpu.memory_space<semaphore_mem>>)
      %dma_wait3A = tpu.memref_slice %arg5[%add3A_9] : memref<322560xf32, #tpu.memory_space<hbm>> -> memref<10080xf32, #tpu.memory_space<hbm>>
      %dma_wait3A_58 = tpu.memref_slice %arg5[%add3A_9] : memref<322560xf32, #tpu.memory_space<hbm>> -> memref<10080xf32, #tpu.memory_space<hbm>>
      tpu.wait_dma2 semaphore(%run_scoped3A : memref<!tpu.dma_semaphore, #tpu.memory_space<semaphore_mem>>) src(%dma_wait3A_58 : memref<10080xf32, #tpu.memory_space<hbm>>) dst(%arg15 : memref<10080xf32, #tpu.memory_space<vmem>>)
      tpu.yield
    }) : () -> ()
    "tpu.region"() ({
      %run_scoped3A = tpu.sem_alloc : memref<!tpu.dma_semaphore, #tpu.memory_space<semaphore_mem>>
      %dma_start3A = tpu.memref_slice %arg6[%add3A_9] : memref<322560xf32, #tpu.memory_space<hbm>> -> memref<10080xf32, #tpu.memory_space<hbm>>
      %dma_start3A_57 = tpu.memref_slice %arg6[%add3A_9] : memref<322560xf32, #tpu.memory_space<hbm>> -> memref<10080xf32, #tpu.memory_space<hbm>>
      tpu.enqueue_dma source(%dma_start3A_57 : memref<10080xf32, #tpu.memory_space<hbm>>) target(%arg16 : memref<10080xf32, #tpu.memory_space<vmem>>) target_semaphore(%run_scoped3A : memref<!tpu.dma_semaphore, #tpu.memory_space<semaphore_mem>>)
      %dma_wait3A = tpu.memref_slice %arg6[%add3A_9] : memref<322560xf32, #tpu.memory_space<hbm>> -> memref<10080xf32, #tpu.memory_space<hbm>>
      %dma_wait3A_58 = tpu.memref_slice %arg6[%add3A_9] : memref<322560xf32, #tpu.memory_space<hbm>> -> memref<10080xf32, #tpu.memory_space<hbm>>
      tpu.wait_dma2 semaphore(%run_scoped3A : memref<!tpu.dma_semaphore, #tpu.memory_space<semaphore_mem>>) src(%dma_wait3A_58 : memref<10080xf32, #tpu.memory_space<hbm>>) dst(%arg16 : memref<10080xf32, #tpu.memory_space<vmem>>)
      tpu.yield
    }) : () -> ()
    "tpu.region"() ({
      %run_scoped3A = tpu.sem_alloc : memref<!tpu.dma_semaphore, #tpu.memory_space<semaphore_mem>>
      %dma_start3A = tpu.memref_slice %arg7[%add3A_9] : memref<322560xf32, #tpu.memory_space<hbm>> -> memref<10080xf32, #tpu.memory_space<hbm>>
      %dma_start3A_57 = tpu.memref_slice %arg7[%add3A_9] : memref<322560xf32, #tpu.memory_space<hbm>> -> memref<10080xf32, #tpu.memory_space<hbm>>
      tpu.enqueue_dma source(%dma_start3A_57 : memref<10080xf32, #tpu.memory_space<hbm>>) target(%arg17 : memref<10080xf32, #tpu.memory_space<vmem>>) target_semaphore(%run_scoped3A : memref<!tpu.dma_semaphore, #tpu.memory_space<semaphore_mem>>)
      %dma_wait3A = tpu.memref_slice %arg7[%add3A_9] : memref<322560xf32, #tpu.memory_space<hbm>> -> memref<10080xf32, #tpu.memory_space<hbm>>
      %dma_wait3A_58 = tpu.memref_slice %arg7[%add3A_9] : memref<322560xf32, #tpu.memory_space<hbm>> -> memref<10080xf32, #tpu.memory_space<hbm>>
      tpu.wait_dma2 semaphore(%run_scoped3A : memref<!tpu.dma_semaphore, #tpu.memory_space<semaphore_mem>>) src(%dma_wait3A_58 : memref<10080xf32, #tpu.memory_space<hbm>>) dst(%arg17 : memref<10080xf32, #tpu.memory_space<vmem>>)
      tpu.yield
    }) : () -> ()
    %barrier3A = arith.constant 0 : index
    tpu.barrier barrier_id(%barrier3A)
    %iota3A = tpu.iota {dimensions = array<i32: 0>} : vector<16xi32>
    %broadcast_in_dim3A = arith.constant 0.000000e+00 : f32
    %broadcast_in_dim3A_10 = vector.broadcast %broadcast_in_dim3A : f32 to vector<16xf32>
    %add3A_11 = arith.constant 0 : i32
    %add3A_12 = vector.broadcast %add3A_11 : i32 to vector<16xi32>
    %add3A_13 = arith.addi %iota3A, %add3A_12 : vector<16xi32>
    %broadcast_in_dim3A_14 = arith.constant 3 : i32
    %broadcast_in_dim3A_15 = vector.broadcast %broadcast_in_dim3A_14 : i32 to vector<16xi32>
    tpu.vector_store_idx %arg18[%add3A_13, %broadcast_in_dim3A_15], %broadcast_in_dim3A_10 : memref<80x8xf32, #tpu.memory_space<vmem>>[vector<16xi32>, vector<16xi32>], vector<16xf32>,
    %broadcast_in_dim3A_16 = arith.constant 7 : i32
    %broadcast_in_dim3A_17 = vector.broadcast %broadcast_in_dim3A_16 : i32 to vector<16xi32>
    tpu.vector_store_idx %arg18[%add3A_13, %broadcast_in_dim3A_17], %broadcast_in_dim3A_10 : memref<80x8xf32, #tpu.memory_space<vmem>>[vector<16xi32>, vector<16xi32>], vector<16xf32>,
    %add3A_18 = arith.constant 16 : i32
    %add3A_19 = vector.broadcast %add3A_18 : i32 to vector<16xi32>
    %add3A_20 = arith.addi %iota3A, %add3A_19 : vector<16xi32>
    %broadcast_in_dim3A_21 = arith.constant 3 : i32
    %broadcast_in_dim3A_22 = vector.broadcast %broadcast_in_dim3A_21 : i32 to vector<16xi32>
    tpu.vector_store_idx %arg18[%add3A_20, %broadcast_in_dim3A_22], %broadcast_in_dim3A_10 : memref<80x8xf32, #tpu.memory_space<vmem>>[vector<16xi32>, vector<16xi32>], vector<16xf32>,
    %broadcast_in_dim3A_23 = arith.constant 7 : i32
    %broadcast_in_dim3A_24 = vector.broadcast %broadcast_in_dim3A_23 : i32 to vector<16xi32>
    tpu.vector_store_idx %arg18[%add3A_20, %broadcast_in_dim3A_24], %broadcast_in_dim3A_10 : memref<80x8xf32, #tpu.memory_space<vmem>>[vector<16xi32>, vector<16xi32>], vector<16xf32>,
    %add3A_25 = arith.constant 32 : i32
    %add3A_26 = vector.broadcast %add3A_25 : i32 to vector<16xi32>
    %add3A_27 = arith.addi %iota3A, %add3A_26 : vector<16xi32>
    %broadcast_in_dim3A_28 = arith.constant 3 : i32
    %broadcast_in_dim3A_29 = vector.broadcast %broadcast_in_dim3A_28 : i32 to vector<16xi32>
    tpu.vector_store_idx %arg18[%add3A_27, %broadcast_in_dim3A_29], %broadcast_in_dim3A_10 : memref<80x8xf32, #tpu.memory_space<vmem>>[vector<16xi32>, vector<16xi32>], vector<16xf32>,
    %broadcast_in_dim3A_30 = arith.constant 7 : i32
    %broadcast_in_dim3A_31 = vector.broadcast %broadcast_in_dim3A_30 : i32 to vector<16xi32>
    tpu.vector_store_idx %arg18[%add3A_27, %broadcast_in_dim3A_31], %broadcast_in_dim3A_10 : memref<80x8xf32, #tpu.memory_space<vmem>>[vector<16xi32>, vector<16xi32>], vector<16xf32>,
    %add3A_32 = arith.constant 48 : i32
    %add3A_33 = vector.broadcast %add3A_32 : i32 to vector<16xi32>
    %add3A_34 = arith.addi %iota3A, %add3A_33 : vector<16xi32>
    %broadcast_in_dim3A_35 = arith.constant 3 : i32
    %broadcast_in_dim3A_36 = vector.broadcast %broadcast_in_dim3A_35 : i32 to vector<16xi32>
    tpu.vector_store_idx %arg18[%add3A_34, %broadcast_in_dim3A_36], %broadcast_in_dim3A_10 : memref<80x8xf32, #tpu.memory_space<vmem>>[vector<16xi32>, vector<16xi32>], vector<16xf32>,
    %broadcast_in_dim3A_37 = arith.constant 7 : i32
    %broadcast_in_dim3A_38 = vector.broadcast %broadcast_in_dim3A_37 : i32 to vector<16xi32>
    tpu.vector_store_idx %arg18[%add3A_34, %broadcast_in_dim3A_38], %broadcast_in_dim3A_10 : memref<80x8xf32, #tpu.memory_space<vmem>>[vector<16xi32>, vector<16xi32>], vector<16xf32>,
    %add3A_39 = arith.constant 64 : i32
    %add3A_40 = vector.broadcast %add3A_39 : i32 to vector<16xi32>
    %add3A_41 = arith.addi %iota3A, %add3A_40 : vector<16xi32>
    %broadcast_in_dim3A_42 = arith.constant 3 : i32
    %broadcast_in_dim3A_43 = vector.broadcast %broadcast_in_dim3A_42 : i32 to vector<16xi32>
    tpu.vector_store_idx %arg18[%add3A_41, %broadcast_in_dim3A_43], %broadcast_in_dim3A_10 : memref<80x8xf32, #tpu.memory_space<vmem>>[vector<16xi32>, vector<16xi32>], vector<16xf32>,
    %broadcast_in_dim3A_44 = arith.constant 7 : i32
    %broadcast_in_dim3A_45 = vector.broadcast %broadcast_in_dim3A_44 : i32 to vector<16xi32>
    tpu.vector_store_idx %arg18[%add3A_41, %broadcast_in_dim3A_45], %broadcast_in_dim3A_10 : memref<80x8xf32, #tpu.memory_space<vmem>>[vector<16xi32>, vector<16xi32>], vector<16xf32>,
    %scan3A = arith.constant 0 : i32
    %scan3A_46 = arith.constant 0 : i32
    %scan3A_47 = arith.constant 126 : i32
    %scan3A_48 = arith.addi %scan3A_46, %scan3A_47 : i32
    %scan3A_49 = arith.constant 1 : i32
    scf.for %scan3A_57 = %scan3A_46 to %scan3A_48 step %scan3A_49  : i32 {
      %mul3A_58 = arith.constant 80 : i32
      %mul3A_59 = arith.muli %scan3A_57, %mul3A_58 : i32
      %add3A_60 = arith.constant 0 : i32
      %add3A_61 = arith.addi %mul3A_59, %add3A_60 : i32
      %add3A_62 = arith.constant 0 : i32
      %add3A_63 = vector.broadcast %add3A_62 : i32 to vector<16xi32>
      %add3A_64 = arith.addi %iota3A, %add3A_63 : vector<16xi32>
      %broadcast_in_dim3A_65 = arith.constant 0 : i32
      %broadcast_in_dim3A_66 = vector.broadcast %broadcast_in_dim3A_65 : i32 to vector<16xi32>
      %get3A = arith.index_cast %add3A_61 : i32 to index
      %get3A_67 = tpu.vector_load %arg12[%get3A] {strides = array<i32>} : memref<10080xf32, #tpu.memory_space<vmem>>, vector<16xf32>,
      tpu.vector_store_idx %arg18[%add3A_64, %broadcast_in_dim3A_66], %get3A_67 : memref<80x8xf32, #tpu.memory_space<vmem>>[vector<16xi32>, vector<16xi32>], vector<16xf32>,
      %broadcast_in_dim3A_68 = arith.constant 1 : i32
      %broadcast_in_dim3A_69 = vector.broadcast %broadcast_in_dim3A_68 : i32 to vector<16xi32>
      %get3A_70 = arith.index_cast %add3A_61 : i32 to index
      %get3A_71 = tpu.vector_load %arg13[%get3A_70] {strides = array<i32>} : memref<10080xf32, #tpu.memory_space<vmem>>, vector<16xf32>,
      tpu.vector_store_idx %arg18[%add3A_64, %broadcast_in_dim3A_69], %get3A_71 : memref<80x8xf32, #tpu.memory_space<vmem>>[vector<16xi32>, vector<16xi32>], vector<16xf32>,
      %broadcast_in_dim3A_72 = arith.constant 2 : i32
      %broadcast_in_dim3A_73 = vector.broadcast %broadcast_in_dim3A_72 : i32 to vector<16xi32>
      %get3A_74 = arith.index_cast %add3A_61 : i32 to index
      %get3A_75 = tpu.vector_load %arg14[%get3A_74] {strides = array<i32>} : memref<10080xf32, #tpu.memory_space<vmem>>, vector<16xf32>,
      tpu.vector_store_idx %arg18[%add3A_64, %broadcast_in_dim3A_73], %get3A_75 : memref<80x8xf32, #tpu.memory_space<vmem>>[vector<16xi32>, vector<16xi32>], vector<16xf32>,
      %broadcast_in_dim3A_76 = arith.constant 4 : i32
      %broadcast_in_dim3A_77 = vector.broadcast %broadcast_in_dim3A_76 : i32 to vector<16xi32>
      %get3A_78 = arith.index_cast %add3A_61 : i32 to index
      %get3A_79 = tpu.vector_load %arg15[%get3A_78] {strides = array<i32>} : memref<10080xf32, #tpu.memory_space<vmem>>, vector<16xf32>,
      tpu.vector_store_idx %arg18[%add3A_64, %broadcast_in_dim3A_77], %get3A_79 : memref<80x8xf32, #tpu.memory_space<vmem>>[vector<16xi32>, vector<16xi32>], vector<16xf32>,
      %broadcast_in_dim3A_80 = arith.constant 5 : i32
      %broadcast_in_dim3A_81 = vector.broadcast %broadcast_in_dim3A_80 : i32 to vector<16xi32>
      %get3A_82 = arith.index_cast %add3A_61 : i32 to index
      %get3A_83 = tpu.vector_load %arg16[%get3A_82] {strides = array<i32>} : memref<10080xf32, #tpu.memory_space<vmem>>, vector<16xf32>,
      tpu.vector_store_idx %arg18[%add3A_64, %broadcast_in_dim3A_81], %get3A_83 : memref<80x8xf32, #tpu.memory_space<vmem>>[vector<16xi32>, vector<16xi32>], vector<16xf32>,
      %broadcast_in_dim3A_84 = arith.constant 6 : i32
      %broadcast_in_dim3A_85 = vector.broadcast %broadcast_in_dim3A_84 : i32 to vector<16xi32>
      %get3A_86 = arith.index_cast %add3A_61 : i32 to index
      %get3A_87 = tpu.vector_load %arg17[%get3A_86] {strides = array<i32>} : memref<10080xf32, #tpu.memory_space<vmem>>, vector<16xf32>,
      tpu.vector_store_idx %arg18[%add3A_64, %broadcast_in_dim3A_85], %get3A_87 : memref<80x8xf32, #tpu.memory_space<vmem>>[vector<16xi32>, vector<16xi32>], vector<16xf32>,
      %add3A_88 = arith.constant 16 : i32
      %add3A_89 = arith.addi %mul3A_59, %add3A_88 : i32
      %add3A_90 = arith.constant 16 : i32
      %add3A_91 = vector.broadcast %add3A_90 : i32 to vector<16xi32>
      %add3A_92 = arith.addi %iota3A, %add3A_91 : vector<16xi32>
      %broadcast_in_dim3A_93 = arith.constant 0 : i32
      %broadcast_in_dim3A_94 = vector.broadcast %broadcast_in_dim3A_93 : i32 to vector<16xi32>
      %get3A_95 = arith.index_cast %add3A_89 : i32 to index
      %get3A_96 = tpu.vector_load %arg12[%get3A_95] {strides = array<i32>} : memref<10080xf32, #tpu.memory_space<vmem>>, vector<16xf32>,
      tpu.vector_store_idx %arg18[%add3A_92, %broadcast_in_dim3A_94], %get3A_96 : memref<80x8xf32, #tpu.memory_space<vmem>>[vector<16xi32>, vector<16xi32>], vector<16xf32>,
      %broadcast_in_dim3A_97 = arith.constant 1 : i32
      %broadcast_in_dim3A_98 = vector.broadcast %broadcast_in_dim3A_97 : i32 to vector<16xi32>
      %get3A_99 = arith.index_cast %add3A_89 : i32 to index
      %get3A_100 = tpu.vector_load %arg13[%get3A_99] {strides = array<i32>} : memref<10080xf32, #tpu.memory_space<vmem>>, vector<16xf32>,
      tpu.vector_store_idx %arg18[%add3A_92, %broadcast_in_dim3A_98], %get3A_100 : memref<80x8xf32, #tpu.memory_space<vmem>>[vector<16xi32>, vector<16xi32>], vector<16xf32>,
      %broadcast_in_dim3A_101 = arith.constant 2 : i32
      %broadcast_in_dim3A_102 = vector.broadcast %broadcast_in_dim3A_101 : i32 to vector<16xi32>
      %get3A_103 = arith.index_cast %add3A_89 : i32 to index
      %get3A_104 = tpu.vector_load %arg14[%get3A_103] {strides = array<i32>} : memref<10080xf32, #tpu.memory_space<vmem>>, vector<16xf32>,
      tpu.vector_store_idx %arg18[%add3A_92, %broadcast_in_dim3A_102], %get3A_104 : memref<80x8xf32, #tpu.memory_space<vmem>>[vector<16xi32>, vector<16xi32>], vector<16xf32>,
      %broadcast_in_dim3A_105 = arith.constant 4 : i32
      %broadcast_in_dim3A_106 = vector.broadcast %broadcast_in_dim3A_105 : i32 to vector<16xi32>
      %get3A_107 = arith.index_cast %add3A_89 : i32 to index
      %get3A_108 = tpu.vector_load %arg15[%get3A_107] {strides = array<i32>} : memref<10080xf32, #tpu.memory_space<vmem>>, vector<16xf32>,
      tpu.vector_store_idx %arg18[%add3A_92, %broadcast_in_dim3A_106], %get3A_108 : memref<80x8xf32, #tpu.memory_space<vmem>>[vector<16xi32>, vector<16xi32>], vector<16xf32>,
      %broadcast_in_dim3A_109 = arith.constant 5 : i32
      %broadcast_in_dim3A_110 = vector.broadcast %broadcast_in_dim3A_109 : i32 to vector<16xi32>
      %get3A_111 = arith.index_cast %add3A_89 : i32 to index
      %get3A_112 = tpu.vector_load %arg16[%get3A_111] {strides = array<i32>} : memref<10080xf32, #tpu.memory_space<vmem>>, vector<16xf32>,
      tpu.vector_store_idx %arg18[%add3A_92, %broadcast_in_dim3A_110], %get3A_112 : memref<80x8xf32, #tpu.memory_space<vmem>>[vector<16xi32>, vector<16xi32>], vector<16xf32>,
      %broadcast_in_dim3A_113 = arith.constant 6 : i32
      %broadcast_in_dim3A_114 = vector.broadcast %broadcast_in_dim3A_113 : i32 to vector<16xi32>
      %get3A_115 = arith.index_cast %add3A_89 : i32 to index
      %get3A_116 = tpu.vector_load %arg17[%get3A_115] {strides = array<i32>} : memref<10080xf32, #tpu.memory_space<vmem>>, vector<16xf32>,
      tpu.vector_store_idx %arg18[%add3A_92, %broadcast_in_dim3A_114], %get3A_116 : memref<80x8xf32, #tpu.memory_space<vmem>>[vector<16xi32>, vector<16xi32>], vector<16xf32>,
      %add3A_117 = arith.constant 32 : i32
      %add3A_118 = arith.addi %mul3A_59, %add3A_117 : i32
      %add3A_119 = arith.constant 32 : i32
      %add3A_120 = vector.broadcast %add3A_119 : i32 to vector<16xi32>
      %add3A_121 = arith.addi %iota3A, %add3A_120 : vector<16xi32>
      %broadcast_in_dim3A_122 = arith.constant 0 : i32
      %broadcast_in_dim3A_123 = vector.broadcast %broadcast_in_dim3A_122 : i32 to vector<16xi32>
      %get3A_124 = arith.index_cast %add3A_118 : i32 to index
      %get3A_125 = tpu.vector_load %arg12[%get3A_124] {strides = array<i32>} : memref<10080xf32, #tpu.memory_space<vmem>>, vector<16xf32>,
      tpu.vector_store_idx %arg18[%add3A_121, %broadcast_in_dim3A_123], %get3A_125 : memref<80x8xf32, #tpu.memory_space<vmem>>[vector<16xi32>, vector<16xi32>], vector<16xf32>,
      %broadcast_in_dim3A_126 = arith.constant 1 : i32
      %broadcast_in_dim3A_127 = vector.broadcast %broadcast_in_dim3A_126 : i32 to vector<16xi32>
      %get3A_128 = arith.index_cast %add3A_118 : i32 to index
      %get3A_129 = tpu.vector_load %arg13[%get3A_128] {strides = array<i32>} : memref<10080xf32, #tpu.memory_space<vmem>>, vector<16xf32>,
      tpu.vector_store_idx %arg18[%add3A_121, %broadcast_in_dim3A_127], %get3A_129 : memref<80x8xf32, #tpu.memory_space<vmem>>[vector<16xi32>, vector<16xi32>], vector<16xf32>,
      %broadcast_in_dim3A_130 = arith.constant 2 : i32
      %broadcast_in_dim3A_131 = vector.broadcast %broadcast_in_dim3A_130 : i32 to vector<16xi32>
      %get3A_132 = arith.index_cast %add3A_118 : i32 to index
      %get3A_133 = tpu.vector_load %arg14[%get3A_132] {strides = array<i32>} : memref<10080xf32, #tpu.memory_space<vmem>>, vector<16xf32>,
      tpu.vector_store_idx %arg18[%add3A_121, %broadcast_in_dim3A_131], %get3A_133 : memref<80x8xf32, #tpu.memory_space<vmem>>[vector<16xi32>, vector<16xi32>], vector<16xf32>,
      %broadcast_in_dim3A_134 = arith.constant 4 : i32
      %broadcast_in_dim3A_135 = vector.broadcast %broadcast_in_dim3A_134 : i32 to vector<16xi32>
      %get3A_136 = arith.index_cast %add3A_118 : i32 to index
      %get3A_137 = tpu.vector_load %arg15[%get3A_136] {strides = array<i32>} : memref<10080xf32, #tpu.memory_space<vmem>>, vector<16xf32>,
      tpu.vector_store_idx %arg18[%add3A_121, %broadcast_in_dim3A_135], %get3A_137 : memref<80x8xf32, #tpu.memory_space<vmem>>[vector<16xi32>, vector<16xi32>], vector<16xf32>,
      %broadcast_in_dim3A_138 = arith.constant 5 : i32
      %broadcast_in_dim3A_139 = vector.broadcast %broadcast_in_dim3A_138 : i32 to vector<16xi32>
      %get3A_140 = arith.index_cast %add3A_118 : i32 to index
      %get3A_141 = tpu.vector_load %arg16[%get3A_140] {strides = array<i32>} : memref<10080xf32, #tpu.memory_space<vmem>>, vector<16xf32>,
      tpu.vector_store_idx %arg18[%add3A_121, %broadcast_in_dim3A_139], %get3A_141 : memref<80x8xf32, #tpu.memory_space<vmem>>[vector<16xi32>, vector<16xi32>], vector<16xf32>,
      %broadcast_in_dim3A_142 = arith.constant 6 : i32
      %broadcast_in_dim3A_143 = vector.broadcast %broadcast_in_dim3A_142 : i32 to vector<16xi32>
      %get3A_144 = arith.index_cast %add3A_118 : i32 to index
      %get3A_145 = tpu.vector_load %arg17[%get3A_144] {strides = array<i32>} : memref<10080xf32, #tpu.memory_space<vmem>>, vector<16xf32>,
      tpu.vector_store_idx %arg18[%add3A_121, %broadcast_in_dim3A_143], %get3A_145 : memref<80x8xf32, #tpu.memory_space<vmem>>[vector<16xi32>, vector<16xi32>], vector<16xf32>,
      %add3A_146 = arith.constant 48 : i32
      %add3A_147 = arith.addi %mul3A_59, %add3A_146 : i32
      %add3A_148 = arith.constant 48 : i32
      %add3A_149 = vector.broadcast %add3A_148 : i32 to vector<16xi32>
      %add3A_150 = arith.addi %iota3A, %add3A_149 : vector<16xi32>
      %broadcast_in_dim3A_151 = arith.constant 0 : i32
      %broadcast_in_dim3A_152 = vector.broadcast %broadcast_in_dim3A_151 : i32 to vector<16xi32>
      %get3A_153 = arith.index_cast %add3A_147 : i32 to index
      %get3A_154 = tpu.vector_load %arg12[%get3A_153] {strides = array<i32>} : memref<10080xf32, #tpu.memory_space<vmem>>, vector<16xf32>,
      tpu.vector_store_idx %arg18[%add3A_150, %broadcast_in_dim3A_152], %get3A_154 : memref<80x8xf32, #tpu.memory_space<vmem>>[vector<16xi32>, vector<16xi32>], vector<16xf32>,
      %broadcast_in_dim3A_155 = arith.constant 1 : i32
      %broadcast_in_dim3A_156 = vector.broadcast %broadcast_in_dim3A_155 : i32 to vector<16xi32>
      %get3A_157 = arith.index_cast %add3A_147 : i32 to index
      %get3A_158 = tpu.vector_load %arg13[%get3A_157] {strides = array<i32>} : memref<10080xf32, #tpu.memory_space<vmem>>, vector<16xf32>,
      tpu.vector_store_idx %arg18[%add3A_150, %broadcast_in_dim3A_156], %get3A_158 : memref<80x8xf32, #tpu.memory_space<vmem>>[vector<16xi32>, vector<16xi32>], vector<16xf32>,
      %broadcast_in_dim3A_159 = arith.constant 2 : i32
      %broadcast_in_dim3A_160 = vector.broadcast %broadcast_in_dim3A_159 : i32 to vector<16xi32>
      %get3A_161 = arith.index_cast %add3A_147 : i32 to index
      %get3A_162 = tpu.vector_load %arg14[%get3A_161] {strides = array<i32>} : memref<10080xf32, #tpu.memory_space<vmem>>, vector<16xf32>,
      tpu.vector_store_idx %arg18[%add3A_150, %broadcast_in_dim3A_160], %get3A_162 : memref<80x8xf32, #tpu.memory_space<vmem>>[vector<16xi32>, vector<16xi32>], vector<16xf32>,
      %broadcast_in_dim3A_163 = arith.constant 4 : i32
      %broadcast_in_dim3A_164 = vector.broadcast %broadcast_in_dim3A_163 : i32 to vector<16xi32>
      %get3A_165 = arith.index_cast %add3A_147 : i32 to index
      %get3A_166 = tpu.vector_load %arg15[%get3A_165] {strides = array<i32>} : memref<10080xf32, #tpu.memory_space<vmem>>, vector<16xf32>,
      tpu.vector_store_idx %arg18[%add3A_150, %broadcast_in_dim3A_164], %get3A_166 : memref<80x8xf32, #tpu.memory_space<vmem>>[vector<16xi32>, vector<16xi32>], vector<16xf32>,
      %broadcast_in_dim3A_167 = arith.constant 5 : i32
      %broadcast_in_dim3A_168 = vector.broadcast %broadcast_in_dim3A_167 : i32 to vector<16xi32>
      %get3A_169 = arith.index_cast %add3A_147 : i32 to index
      %get3A_170 = tpu.vector_load %arg16[%get3A_169] {strides = array<i32>} : memref<10080xf32, #tpu.memory_space<vmem>>, vector<16xf32>,
      tpu.vector_store_idx %arg18[%add3A_150, %broadcast_in_dim3A_168], %get3A_170 : memref<80x8xf32, #tpu.memory_space<vmem>>[vector<16xi32>, vector<16xi32>], vector<16xf32>,
      %broadcast_in_dim3A_171 = arith.constant 6 : i32
      %broadcast_in_dim3A_172 = vector.broadcast %broadcast_in_dim3A_171 : i32 to vector<16xi32>
      %get3A_173 = arith.index_cast %add3A_147 : i32 to index
      %get3A_174 = tpu.vector_load %arg17[%get3A_173] {strides = array<i32>} : memref<10080xf32, #tpu.memory_space<vmem>>, vector<16xf32>,
      tpu.vector_store_idx %arg18[%add3A_150, %broadcast_in_dim3A_172], %get3A_174 : memref<80x8xf32, #tpu.memory_space<vmem>>[vector<16xi32>, vector<16xi32>], vector<16xf32>,
      %add3A_175 = arith.constant 64 : i32
      %add3A_176 = arith.addi %mul3A_59, %add3A_175 : i32
      %add3A_177 = arith.constant 64 : i32
      %add3A_178 = vector.broadcast %add3A_177 : i32 to vector<16xi32>
      %add3A_179 = arith.addi %iota3A, %add3A_178 : vector<16xi32>
      %broadcast_in_dim3A_180 = arith.constant 0 : i32
      %broadcast_in_dim3A_181 = vector.broadcast %broadcast_in_dim3A_180 : i32 to vector<16xi32>
      %get3A_182 = arith.index_cast %add3A_176 : i32 to index
      %get3A_183 = tpu.vector_load %arg12[%get3A_182] {strides = array<i32>} : memref<10080xf32, #tpu.memory_space<vmem>>, vector<16xf32>,
      tpu.vector_store_idx %arg18[%add3A_179, %broadcast_in_dim3A_181], %get3A_183 : memref<80x8xf32, #tpu.memory_space<vmem>>[vector<16xi32>, vector<16xi32>], vector<16xf32>,
      %broadcast_in_dim3A_184 = arith.constant 1 : i32
      %broadcast_in_dim3A_185 = vector.broadcast %broadcast_in_dim3A_184 : i32 to vector<16xi32>
      %get3A_186 = arith.index_cast %add3A_176 : i32 to index
      %get3A_187 = tpu.vector_load %arg13[%get3A_186] {strides = array<i32>} : memref<10080xf32, #tpu.memory_space<vmem>>, vector<16xf32>,
      tpu.vector_store_idx %arg18[%add3A_179, %broadcast_in_dim3A_185], %get3A_187 : memref<80x8xf32, #tpu.memory_space<vmem>>[vector<16xi32>, vector<16xi32>], vector<16xf32>,
      %broadcast_in_dim3A_188 = arith.constant 2 : i32
      %broadcast_in_dim3A_189 = vector.broadcast %broadcast_in_dim3A_188 : i32 to vector<16xi32>
      %get3A_190 = arith.index_cast %add3A_176 : i32 to index
      %get3A_191 = tpu.vector_load %arg14[%get3A_190] {strides = array<i32>} : memref<10080xf32, #tpu.memory_space<vmem>>, vector<16xf32>,
      tpu.vector_store_idx %arg18[%add3A_179, %broadcast_in_dim3A_189], %get3A_191 : memref<80x8xf32, #tpu.memory_space<vmem>>[vector<16xi32>, vector<16xi32>], vector<16xf32>,
      %broadcast_in_dim3A_192 = arith.constant 4 : i32
      %broadcast_in_dim3A_193 = vector.broadcast %broadcast_in_dim3A_192 : i32 to vector<16xi32>
      %get3A_194 = arith.index_cast %add3A_176 : i32 to index
      %get3A_195 = tpu.vector_load %arg15[%get3A_194] {strides = array<i32>} : memref<10080xf32, #tpu.memory_space<vmem>>, vector<16xf32>,
      tpu.vector_store_idx %arg18[%add3A_179, %broadcast_in_dim3A_193], %get3A_195 : memref<80x8xf32, #tpu.memory_space<vmem>>[vector<16xi32>, vector<16xi32>], vector<16xf32>,
      %broadcast_in_dim3A_196 = arith.constant 5 : i32
      %broadcast_in_dim3A_197 = vector.broadcast %broadcast_in_dim3A_196 : i32 to vector<16xi32>
      %get3A_198 = arith.index_cast %add3A_176 : i32 to index
      %get3A_199 = tpu.vector_load %arg16[%get3A_198] {strides = array<i32>} : memref<10080xf32, #tpu.memory_space<vmem>>, vector<16xf32>,
      tpu.vector_store_idx %arg18[%add3A_179, %broadcast_in_dim3A_197], %get3A_199 : memref<80x8xf32, #tpu.memory_space<vmem>>[vector<16xi32>, vector<16xi32>], vector<16xf32>,
      %broadcast_in_dim3A_200 = arith.constant 6 : i32
      %broadcast_in_dim3A_201 = vector.broadcast %broadcast_in_dim3A_200 : i32 to vector<16xi32>
      %get3A_202 = arith.index_cast %add3A_176 : i32 to index
      %get3A_203 = tpu.vector_load %arg17[%get3A_202] {strides = array<i32>} : memref<10080xf32, #tpu.memory_space<vmem>>, vector<16xf32>,
      tpu.vector_store_idx %arg18[%add3A_179, %broadcast_in_dim3A_201], %get3A_203 : memref<80x8xf32, #tpu.memory_space<vmem>>[vector<16xi32>, vector<16xi32>], vector<16xf32>,
      "tpu.region"() ({
        %run_scoped3A = tpu.sem_alloc : memref<!tpu.dma_semaphore, #tpu.memory_space<semaphore_mem>>
        %dma_start3A = arith.constant 0 : i32
        %dma_start3A_204 = tpu.memref_slice %arg11[%scan3A_57, %dma_start3A] : memref<126x80xi32, #tpu.memory_space<vmem>> -> memref<1x80xi32, #tpu.memory_space<vmem>>
        %dma_start3A_205 = tpu.memref_squeeze %dma_start3A_204 : memref<1x80xi32, #tpu.memory_space<vmem>> -> memref<80xi32, #tpu.memory_space<vmem>>
        %dma_start3A_206 = arith.constant 0 : i32
        %dma_start3A_207 = arith.constant 0 : i32
        %dma_start3A_208 = tpu.memref_slice %arg19[%dma_start3A_206, %dma_start3A_207] : memref<10000x8xf32, #tpu.memory_space<vmem_shared>> -> memref<10000x8xf32, #tpu.memory_space<vmem_shared>>
        tpu.enqueue_indirect_dma source(%arg18 : memref<80x8xf32, #tpu.memory_space<vmem>>) target(%dma_start3A_208 : memref<10000x8xf32, #tpu.memory_space<vmem_shared>>) offsets(%dma_start3A_205 : memref<80xi32, #tpu.memory_space<vmem>>) semaphore(%run_scoped3A : memref<!tpu.dma_semaphore, #tpu.memory_space<semaphore_mem>>) {add = true}
        %dma_wait3A = arith.constant 0 : i32
        %dma_wait3A_209 = tpu.memref_slice %arg11[%scan3A_57, %dma_wait3A] : memref<126x80xi32, #tpu.memory_space<vmem>> -> memref<1x80xi32, #tpu.memory_space<vmem>>
        %dma_wait3A_210 = tpu.memref_squeeze %dma_wait3A_209 : memref<1x80xi32, #tpu.memory_space<vmem>> -> memref<80xi32, #tpu.memory_space<vmem>>
        %dma_wait3A_211 = arith.constant 0 : i32
        %dma_wait3A_212 = arith.constant 0 : i32
        %dma_wait3A_213 = tpu.memref_slice %arg19[%dma_wait3A_211, %dma_wait3A_212] : memref<10000x8xf32, #tpu.memory_space<vmem_shared>> -> memref<10000x8xf32, #tpu.memory_space<vmem_shared>>
        tpu.wait_indirect_dma semaphore(%run_scoped3A : memref<!tpu.dma_semaphore, #tpu.memory_space<semaphore_mem>>) src(%arg18 : memref<80x8xf32, #tpu.memory_space<vmem>>) dst(%dma_wait3A_213 : memref<10000x8xf32, #tpu.memory_space<vmem_shared>>)
        tpu.yield
      }) : () -> ()
    }
    %scan3A_50 = arith.constant 126 : i32
    %barrier3A_51 = arith.constant 0 : index
    tpu.barrier barrier_id(%barrier3A_51)
    %eq3A_52 = arith.constant 0 : i32
    %eq3A_53 = arith.cmpi eq, %arg1, %eq3A_52 : i32
    %convert_element_type3A_54 = arith.extui %eq3A_53 : i1 to i32
    %cond3A_55 = arith.constant 0 : i32
    %cond3A_56 = arith.cmpi ne, %convert_element_type3A_54, %cond3A_55 : i32
    scf.if %cond3A_56 {
      "tpu.region"() ({
        %run_scoped3A = tpu.sem_alloc : memref<!tpu.dma_semaphore, #tpu.memory_space<semaphore_mem>>
        %dma_start3A = arith.constant 0 : i32
        %dma_start3A_57 = arith.constant 0 : i32
        %dma_start3A_58 = tpu.memref_slice %arg10[%arg0, %dma_start3A, %dma_start3A_57] : memref<2x10000x8xf32, #tpu.memory_space<hbm>> -> memref<1x10000x8xf32, #tpu.memory_space<hbm>>
        %dma_start3A_59 = tpu.memref_squeeze %dma_start3A_58 : memref<1x10000x8xf32, #tpu.memory_space<hbm>> -> memref<10000x8xf32, #tpu.memory_space<hbm>>
        tpu.enqueue_dma source(%arg19 : memref<10000x8xf32, #tpu.memory_space<vmem_shared>>) target(%dma_start3A_59 : memref<10000x8xf32, #tpu.memory_space<hbm>>) target_semaphore(%run_scoped3A : memref<!tpu.dma_semaphore, #tpu.memory_space<semaphore_mem>>)
        %dma_wait3A = arith.constant 0 : i32
        %dma_wait3A_60 = arith.constant 0 : i32
        %dma_wait3A_61 = tpu.memref_slice %arg10[%arg0, %dma_wait3A, %dma_wait3A_60] : memref<2x10000x8xf32, #tpu.memory_space<hbm>> -> memref<1x10000x8xf32, #tpu.memory_space<hbm>>
        %dma_wait3A_62 = tpu.memref_squeeze %dma_wait3A_61 : memref<1x10000x8xf32, #tpu.memory_space<hbm>> -> memref<10000x8xf32, #tpu.memory_space<hbm>>
        tpu.wait_dma2 semaphore(%run_scoped3A : memref<!tpu.dma_semaphore, #tpu.memory_space<semaphore_mem>>) src(%arg19 : memref<10000x8xf32, #tpu.memory_space<vmem_shared>>) dst(%dma_wait3A_62 : memref<10000x8xf32, #tpu.memory_space<hbm>>)
        tpu.yield
      }) : () -> ()
    } else {
    }
    return
  }
}

#map = affine_map<(d0, d1) -> (0, 0)>
#map1 = affine_map<(d0, d1) -> (0)>
module attributes {stable_mosaic.version = 14 : i64} {
  func.func @gk(%arg0: i32, %arg1: i32, %arg2: memref<10000x128xf32, #tpu.memory_space<hbm>>, %arg3: memref<10000xf32, #tpu.memory_space<hbm>>, %arg4: memref<10000xf32, #tpu.memory_space<hbm>>, %arg5: memref<10000xf32, #tpu.memory_space<hbm>>, %arg6: memref<322560xi32, #tpu.memory_space<hbm>>, %arg7: memref<322560xi32, #tpu.memory_space<hbm>>, %arg8: memref<322560x128xf32, #tpu.memory_space<hbm>>, %arg9: memref<322560x128xf32, #tpu.memory_space<hbm>>, %arg10: memref<322560xf32, #tpu.memory_space<hbm>>, %arg11: memref<322560xf32, #tpu.memory_space<hbm>>, %arg12: memref<322560xf32, #tpu.memory_space<hbm>>, %arg13: memref<322560xf32, #tpu.memory_space<hbm>>, %arg14: memref<10080xi32, #tpu.memory_space<vmem>>, %arg15: memref<10080xi32, #tpu.memory_space<vmem>>, %arg16: memref<10000xf32, #tpu.memory_space<vmem>>, %arg17: memref<10000xf32, #tpu.memory_space<vmem>>, %arg18: memref<10000xf32, #tpu.memory_space<vmem>>, %arg19: memref<80x128xf32, #tpu.memory_space<vmem>>, %arg20: memref<80x128xf32, #tpu.memory_space<vmem>>, %arg21: memref<80x128xf32, #tpu.memory_space<vmem>>, %arg22: memref<80x128xf32, #tpu.memory_space<vmem>>, %arg23: memref<80xf32, #tpu.memory_space<vmem>>, %arg24: memref<80xf32, #tpu.memory_space<vmem>>, %arg25: memref<80xf32, #tpu.memory_space<vmem>>, %arg26: memref<80xf32, #tpu.memory_space<vmem>>, %arg27: memref<80xf32, #tpu.memory_space<vmem>>, %arg28: memref<80xf32, #tpu.memory_space<vmem>>, %arg29: memref<80xf32, #tpu.memory_space<vmem>>, %arg30: memref<80xf32, #tpu.memory_space<vmem>>, %arg31: memref<!tpu.dma_semaphore, #tpu.memory_space<semaphore_mem>>, %arg32: memref<!tpu.dma_semaphore, #tpu.memory_space<semaphore_mem>>, %arg33: memref<!tpu.dma_semaphore, #tpu.memory_space<semaphore_mem>>, %arg34: memref<!tpu.dma_semaphore, #tpu.memory_space<semaphore_mem>>) attributes {dimension_semantics = [#tpu.dimension_semantics<core_parallel>, #tpu.dimension_semantics<subcore_parallel>], iteration_bounds = array<i64: 2, 16>, scalar_prefetch = 0 : i64, scratch_operands = 21 : i64, tpu.core_type = #tpu.core_type<sc_vector_subcore>, window_params = [{transform_indices = #map}, {transform_indices = #map1}, {transform_indices = #map1}, {transform_indices = #map1}, {transform_indices = #map1}, {transform_indices = #map1}, {transform_indices = #map}, {transform_indices = #map}, {transform_indices = #map1}, {transform_indices = #map1}, {transform_indices = #map1}, {transform_indices = #map1}]} {
    %mul3A = arith.constant 2 : i32
    %mul3A_0 = arith.muli %arg1, %mul3A : i32
    %add3A = arith.addi %mul3A_0, %arg0 : i32
    %mul3A_1 = arith.constant 10080 : i32
    %mul3A_2 = arith.muli %add3A, %mul3A_1 : i32
    "tpu.region"() ({
      %run_scoped3A = tpu.sem_alloc : memref<!tpu.dma_semaphore, #tpu.memory_space<semaphore_mem>>
      %dma_start3A_72 = tpu.memref_slice %arg6[%mul3A_2] : memref<322560xi32, #tpu.memory_space<hbm>> -> memref<10080xi32, #tpu.memory_space<hbm>>
      %dma_start3A_73 = tpu.memref_slice %arg6[%mul3A_2] : memref<322560xi32, #tpu.memory_space<hbm>> -> memref<10080xi32, #tpu.memory_space<hbm>>
      tpu.enqueue_dma source(%dma_start3A_73 : memref<10080xi32, #tpu.memory_space<hbm>>) target(%arg14 : memref<10080xi32, #tpu.memory_space<vmem>>) target_semaphore(%run_scoped3A : memref<!tpu.dma_semaphore, #tpu.memory_space<semaphore_mem>>)
      %dma_wait3A_74 = tpu.memref_slice %arg6[%mul3A_2] : memref<322560xi32, #tpu.memory_space<hbm>> -> memref<10080xi32, #tpu.memory_space<hbm>>
      %dma_wait3A_75 = tpu.memref_slice %arg6[%mul3A_2] : memref<322560xi32, #tpu.memory_space<hbm>> -> memref<10080xi32, #tpu.memory_space<hbm>>
      tpu.wait_dma2 semaphore(%run_scoped3A : memref<!tpu.dma_semaphore, #tpu.memory_space<semaphore_mem>>) src(%dma_wait3A_75 : memref<10080xi32, #tpu.memory_space<hbm>>) dst(%arg14 : memref<10080xi32, #tpu.memory_space<vmem>>)
      tpu.yield
    }) : () -> ()
    "tpu.region"() ({
      %run_scoped3A = tpu.sem_alloc : memref<!tpu.dma_semaphore, #tpu.memory_space<semaphore_mem>>
      %dma_start3A_72 = tpu.memref_slice %arg7[%mul3A_2] : memref<322560xi32, #tpu.memory_space<hbm>> -> memref<10080xi32, #tpu.memory_space<hbm>>
      %dma_start3A_73 = tpu.memref_slice %arg7[%mul3A_2] : memref<322560xi32, #tpu.memory_space<hbm>> -> memref<10080xi32, #tpu.memory_space<hbm>>
      tpu.enqueue_dma source(%dma_start3A_73 : memref<10080xi32, #tpu.memory_space<hbm>>) target(%arg15 : memref<10080xi32, #tpu.memory_space<vmem>>) target_semaphore(%run_scoped3A : memref<!tpu.dma_semaphore, #tpu.memory_space<semaphore_mem>>)
      %dma_wait3A_74 = tpu.memref_slice %arg7[%mul3A_2] : memref<322560xi32, #tpu.memory_space<hbm>> -> memref<10080xi32, #tpu.memory_space<hbm>>
      %dma_wait3A_75 = tpu.memref_slice %arg7[%mul3A_2] : memref<322560xi32, #tpu.memory_space<hbm>> -> memref<10080xi32, #tpu.memory_space<hbm>>
      tpu.wait_dma2 semaphore(%run_scoped3A : memref<!tpu.dma_semaphore, #tpu.memory_space<semaphore_mem>>) src(%dma_wait3A_75 : memref<10080xi32, #tpu.memory_space<hbm>>) dst(%arg15 : memref<10080xi32, #tpu.memory_space<vmem>>)
      tpu.yield
    }) : () -> ()
    "tpu.region"() ({
      %run_scoped3A = tpu.sem_alloc : memref<!tpu.dma_semaphore, #tpu.memory_space<semaphore_mem>>
      tpu.enqueue_dma source(%arg3 : memref<10000xf32, #tpu.memory_space<hbm>>) target(%arg16 : memref<10000xf32, #tpu.memory_space<vmem>>) target_semaphore(%run_scoped3A : memref<!tpu.dma_semaphore, #tpu.memory_space<semaphore_mem>>)
      tpu.wait_dma2 semaphore(%run_scoped3A : memref<!tpu.dma_semaphore, #tpu.memory_space<semaphore_mem>>) src(%arg3 : memref<10000xf32, #tpu.memory_space<hbm>>) dst(%arg16 : memref<10000xf32, #tpu.memory_space<vmem>>)
      tpu.yield
    }) : () -> ()
    "tpu.region"() ({
      %run_scoped3A = tpu.sem_alloc : memref<!tpu.dma_semaphore, #tpu.memory_space<semaphore_mem>>
      tpu.enqueue_dma source(%arg4 : memref<10000xf32, #tpu.memory_space<hbm>>) target(%arg17 : memref<10000xf32, #tpu.memory_space<vmem>>) target_semaphore(%run_scoped3A : memref<!tpu.dma_semaphore, #tpu.memory_space<semaphore_mem>>)
      tpu.wait_dma2 semaphore(%run_scoped3A : memref<!tpu.dma_semaphore, #tpu.memory_space<semaphore_mem>>) src(%arg4 : memref<10000xf32, #tpu.memory_space<hbm>>) dst(%arg17 : memref<10000xf32, #tpu.memory_space<vmem>>)
      tpu.yield
    }) : () -> ()
    "tpu.region"() ({
      %run_scoped3A = tpu.sem_alloc : memref<!tpu.dma_semaphore, #tpu.memory_space<semaphore_mem>>
      tpu.enqueue_dma source(%arg5 : memref<10000xf32, #tpu.memory_space<hbm>>) target(%arg18 : memref<10000xf32, #tpu.memory_space<vmem>>) target_semaphore(%run_scoped3A : memref<!tpu.dma_semaphore, #tpu.memory_space<semaphore_mem>>)
      tpu.wait_dma2 semaphore(%run_scoped3A : memref<!tpu.dma_semaphore, #tpu.memory_space<semaphore_mem>>) src(%arg5 : memref<10000xf32, #tpu.memory_space<hbm>>) dst(%arg18 : memref<10000xf32, #tpu.memory_space<vmem>>)
      tpu.yield
    }) : () -> ()
    %dma_start3A = arith.constant 0 : i32
    %dma_start3A_3 = tpu.memref_slice %arg14[%dma_start3A] : memref<10080xi32, #tpu.memory_space<vmem>> -> memref<80xi32, #tpu.memory_space<vmem>>
    %dma_start3A_4 = arith.constant 0 : i32
    %dma_start3A_5 = arith.constant 0 : i32
    %dma_start3A_6 = tpu.memref_slice %arg2[%dma_start3A_4, %dma_start3A_5] : memref<10000x128xf32, #tpu.memory_space<hbm>> -> memref<10000x128xf32, #tpu.memory_space<hbm>>
    tpu.enqueue_indirect_dma source(%dma_start3A_6 : memref<10000x128xf32, #tpu.memory_space<hbm>>) target(%arg19 : memref<80x128xf32, #tpu.memory_space<vmem>>) offsets(%dma_start3A_3 : memref<80xi32, #tpu.memory_space<vmem>>) semaphore(%arg31 : memref<!tpu.dma_semaphore, #tpu.memory_space<semaphore_mem>>)
    %dma_start3A_7 = arith.constant 0 : i32
    %dma_start3A_8 = tpu.memref_slice %arg15[%dma_start3A_7] : memref<10080xi32, #tpu.memory_space<vmem>> -> memref<80xi32, #tpu.memory_space<vmem>>
    %dma_start3A_9 = arith.constant 0 : i32
    %dma_start3A_10 = arith.constant 0 : i32
    %dma_start3A_11 = tpu.memref_slice %arg2[%dma_start3A_9, %dma_start3A_10] : memref<10000x128xf32, #tpu.memory_space<hbm>> -> memref<10000x128xf32, #tpu.memory_space<hbm>>
    tpu.enqueue_indirect_dma source(%dma_start3A_11 : memref<10000x128xf32, #tpu.memory_space<hbm>>) target(%arg20 : memref<80x128xf32, #tpu.memory_space<vmem>>) offsets(%dma_start3A_8 : memref<80xi32, #tpu.memory_space<vmem>>) semaphore(%arg31 : memref<!tpu.dma_semaphore, #tpu.memory_space<semaphore_mem>>)
    %scan3A = arith.constant 0 : i32
    %scan3A_12 = arith.constant 0 : i32
    %scan3A_13 = arith.constant 63 : i32
    %scan3A_14 = arith.addi %scan3A_12, %scan3A_13 : i32
    %scan3A_15 = arith.constant 1 : i32
    scf.for %scan3A_72 = %scan3A_12 to %scan3A_14 step %scan3A_15  : i32 {
      %mul3A_73 = arith.constant 2 : i32
      %mul3A_74 = arith.muli %mul3A_73, %scan3A_72 : i32
      %mul3A_75 = arith.constant 80 : i32
      %mul3A_76 = arith.muli %mul3A_74, %mul3A_75 : i32
      %add3A_77 = arith.constant 80 : i32
      %add3A_78 = arith.addi %mul3A_76, %add3A_77 : i32
      %gt3A = arith.constant 0 : i32
      %gt3A_79 = arith.cmpi sgt, %scan3A_72, %gt3A : i32
      %convert_element_type3A = arith.extui %gt3A_79 : i1 to i32
      %cond3A = arith.constant 0 : i32
      %cond3A_80 = arith.cmpi ne, %convert_element_type3A, %cond3A : i32
      scf.if %cond3A_80 {
        %dma_wait3A_457 = arith.constant 0 : i32
        %dma_wait3A_458 = arith.constant 0 : i32
        %dma_wait3A_459 = tpu.memref_slice %arg8[%dma_wait3A_457, %dma_wait3A_458] : memref<322560x128xf32, #tpu.memory_space<hbm>> -> memref<80x128xf32, #tpu.memory_space<hbm>>
        %dma_wait3A_460 = arith.constant 0 : i32
        %dma_wait3A_461 = arith.constant 0 : i32
        %dma_wait3A_462 = tpu.memref_slice %arg8[%dma_wait3A_460, %dma_wait3A_461] : memref<322560x128xf32, #tpu.memory_space<hbm>> -> memref<80x128xf32, #tpu.memory_space<hbm>>
        tpu.wait_dma2 semaphore(%arg34 : memref<!tpu.dma_semaphore, #tpu.memory_space<semaphore_mem>>) src(%arg21 : memref<80x128xf32, #tpu.memory_space<vmem>>) dst(%dma_wait3A_462 : memref<80x128xf32, #tpu.memory_space<hbm>>)
        %dma_wait3A_463 = arith.constant 0 : i32
        %dma_wait3A_464 = arith.constant 0 : i32
        %dma_wait3A_465 = tpu.memref_slice %arg9[%dma_wait3A_463, %dma_wait3A_464] : memref<322560x128xf32, #tpu.memory_space<hbm>> -> memref<80x128xf32, #tpu.memory_space<hbm>>
        %dma_wait3A_466 = arith.constant 0 : i32
        %dma_wait3A_467 = arith.constant 0 : i32
        %dma_wait3A_468 = tpu.memref_slice %arg9[%dma_wait3A_466, %dma_wait3A_467] : memref<322560x128xf32, #tpu.memory_space<hbm>> -> memref<80x128xf32, #tpu.memory_space<hbm>>
        tpu.wait_dma2 semaphore(%arg34 : memref<!tpu.dma_semaphore, #tpu.memory_space<semaphore_mem>>) src(%arg22 : memref<80x128xf32, #tpu.memory_space<vmem>>) dst(%dma_wait3A_468 : memref<80x128xf32, #tpu.memory_space<hbm>>)
        %dma_wait3A_469 = arith.constant 0 : i32
        %dma_wait3A_470 = tpu.memref_slice %arg10[%dma_wait3A_469] : memref<322560xf32, #tpu.memory_space<hbm>> -> memref<80xf32, #tpu.memory_space<hbm>>
        %dma_wait3A_471 = arith.constant 0 : i32
        %dma_wait3A_472 = tpu.memref_slice %arg10[%dma_wait3A_471] : memref<322560xf32, #tpu.memory_space<hbm>> -> memref<80xf32, #tpu.memory_space<hbm>>
        tpu.wait_dma2 semaphore(%arg34 : memref<!tpu.dma_semaphore, #tpu.memory_space<semaphore_mem>>) src(%arg27 : memref<80xf32, #tpu.memory_space<vmem>>) dst(%dma_wait3A_472 : memref<80xf32, #tpu.memory_space<hbm>>)
        %dma_wait3A_473 = arith.constant 0 : i32
        %dma_wait3A_474 = tpu.memref_slice %arg11[%dma_wait3A_473] : memref<322560xf32, #tpu.memory_space<hbm>> -> memref<80xf32, #tpu.memory_space<hbm>>
        %dma_wait3A_475 = arith.constant 0 : i32
        %dma_wait3A_476 = tpu.memref_slice %arg11[%dma_wait3A_475] : memref<322560xf32, #tpu.memory_space<hbm>> -> memref<80xf32, #tpu.memory_space<hbm>>
        tpu.wait_dma2 semaphore(%arg34 : memref<!tpu.dma_semaphore, #tpu.memory_space<semaphore_mem>>) src(%arg28 : memref<80xf32, #tpu.memory_space<vmem>>) dst(%dma_wait3A_476 : memref<80xf32, #tpu.memory_space<hbm>>)
        %dma_wait3A_477 = arith.constant 0 : i32
        %dma_wait3A_478 = tpu.memref_slice %arg12[%dma_wait3A_477] : memref<322560xf32, #tpu.memory_space<hbm>> -> memref<80xf32, #tpu.memory_space<hbm>>
        %dma_wait3A_479 = arith.constant 0 : i32
        %dma_wait3A_480 = tpu.memref_slice %arg12[%dma_wait3A_479] : memref<322560xf32, #tpu.memory_space<hbm>> -> memref<80xf32, #tpu.memory_space<hbm>>
        tpu.wait_dma2 semaphore(%arg34 : memref<!tpu.dma_semaphore, #tpu.memory_space<semaphore_mem>>) src(%arg29 : memref<80xf32, #tpu.memory_space<vmem>>) dst(%dma_wait3A_480 : memref<80xf32, #tpu.memory_space<hbm>>)
        %dma_wait3A_481 = arith.constant 0 : i32
        %dma_wait3A_482 = tpu.memref_slice %arg13[%dma_wait3A_481] : memref<322560xf32, #tpu.memory_space<hbm>> -> memref<80xf32, #tpu.memory_space<hbm>>
        %dma_wait3A_483 = arith.constant 0 : i32
        %dma_wait3A_484 = tpu.memref_slice %arg13[%dma_wait3A_483] : memref<322560xf32, #tpu.memory_space<hbm>> -> memref<80xf32, #tpu.memory_space<hbm>>
        tpu.wait_dma2 semaphore(%arg34 : memref<!tpu.dma_semaphore, #tpu.memory_space<semaphore_mem>>) src(%arg30 : memref<80xf32, #tpu.memory_space<vmem>>) dst(%dma_wait3A_484 : memref<80xf32, #tpu.memory_space<hbm>>)
      } else {
      }
      %dma_start3A_81 = tpu.memref_slice %arg14[%add3A_78] : memref<10080xi32, #tpu.memory_space<vmem>> -> memref<80xi32, #tpu.memory_space<vmem>>
      %dma_start3A_82 = arith.constant 0 : i32
      %dma_start3A_83 = arith.constant 0 : i32
      %dma_start3A_84 = tpu.memref_slice %arg2[%dma_start3A_82, %dma_start3A_83] : memref<10000x128xf32, #tpu.memory_space<hbm>> -> memref<10000x128xf32, #tpu.memory_space<hbm>>
      tpu.enqueue_indirect_dma source(%dma_start3A_84 : memref<10000x128xf32, #tpu.memory_space<hbm>>) target(%arg21 : memref<80x128xf32, #tpu.memory_space<vmem>>) offsets(%dma_start3A_81 : memref<80xi32, #tpu.memory_space<vmem>>) semaphore(%arg32 : memref<!tpu.dma_semaphore, #tpu.memory_space<semaphore_mem>>)
      %dma_start3A_85 = tpu.memref_slice %arg15[%add3A_78] : memref<10080xi32, #tpu.memory_space<vmem>> -> memref<80xi32, #tpu.memory_space<vmem>>
      %dma_start3A_86 = arith.constant 0 : i32
      %dma_start3A_87 = arith.constant 0 : i32
      %dma_start3A_88 = tpu.memref_slice %arg2[%dma_start3A_86, %dma_start3A_87] : memref<10000x128xf32, #tpu.memory_space<hbm>> -> memref<10000x128xf32, #tpu.memory_space<hbm>>
      tpu.enqueue_indirect_dma source(%dma_start3A_88 : memref<10000x128xf32, #tpu.memory_space<hbm>>) target(%arg22 : memref<80x128xf32, #tpu.memory_space<vmem>>) offsets(%dma_start3A_85 : memref<80xi32, #tpu.memory_space<vmem>>) semaphore(%arg32 : memref<!tpu.dma_semaphore, #tpu.memory_space<semaphore_mem>>)
      %dma_wait3A_89 = arith.constant 0 : i32
      %dma_wait3A_90 = arith.constant 0 : i32
      %dma_wait3A_91 = tpu.memref_slice %arg2[%dma_wait3A_89, %dma_wait3A_90] : memref<10000x128xf32, #tpu.memory_space<hbm>> -> memref<80x128xf32, #tpu.memory_space<hbm>>
      %dma_wait3A_92 = arith.constant 0 : i32
      %dma_wait3A_93 = arith.constant 0 : i32
      %dma_wait3A_94 = tpu.memref_slice %arg2[%dma_wait3A_92, %dma_wait3A_93] : memref<10000x128xf32, #tpu.memory_space<hbm>> -> memref<80x128xf32, #tpu.memory_space<hbm>>
      tpu.wait_dma2 semaphore(%arg31 : memref<!tpu.dma_semaphore, #tpu.memory_space<semaphore_mem>>) src(%dma_wait3A_94 : memref<80x128xf32, #tpu.memory_space<hbm>>) dst(%arg19 : memref<80x128xf32, #tpu.memory_space<vmem>>)
      %dma_wait3A_95 = arith.constant 0 : i32
      %dma_wait3A_96 = arith.constant 0 : i32
      %dma_wait3A_97 = tpu.memref_slice %arg2[%dma_wait3A_95, %dma_wait3A_96] : memref<10000x128xf32, #tpu.memory_space<hbm>> -> memref<80x128xf32, #tpu.memory_space<hbm>>
      %dma_wait3A_98 = arith.constant 0 : i32
      %dma_wait3A_99 = arith.constant 0 : i32
      %dma_wait3A_100 = tpu.memref_slice %arg2[%dma_wait3A_98, %dma_wait3A_99] : memref<10000x128xf32, #tpu.memory_space<hbm>> -> memref<80x128xf32, #tpu.memory_space<hbm>>
      tpu.wait_dma2 semaphore(%arg31 : memref<!tpu.dma_semaphore, #tpu.memory_space<semaphore_mem>>) src(%dma_wait3A_100 : memref<80x128xf32, #tpu.memory_space<hbm>>) dst(%arg20 : memref<80x128xf32, #tpu.memory_space<vmem>>)
      %add3A_101 = arith.constant 0 : i32
      %add3A_102 = arith.addi %mul3A_76, %add3A_101 : i32
      %get3A = arith.index_cast %add3A_102 : i32 to index
      %get3A_103 = tpu.vector_load %arg14[%get3A] {strides = array<i32>} : memref<10080xi32, #tpu.memory_space<vmem>>, vector<16xi32>,
      %add3A_104 = arith.constant 0 : i32
      %add3A_105 = arith.addi %mul3A_76, %add3A_104 : i32
      %get3A_106 = arith.index_cast %add3A_105 : i32 to index
      %get3A_107 = tpu.vector_load %arg15[%get3A_106] {strides = array<i32>} : memref<10080xi32, #tpu.memory_space<vmem>>, vector<16xi32>,
      %gather3A = tpu.vector_load_idx %arg16[%get3A_103] : memref<10000xf32, #tpu.memory_space<vmem>>[vector<16xi32>], vector<16xf32>,
      %gather3A_108 = tpu.vector_load_idx %arg16[%get3A_107] : memref<10000xf32, #tpu.memory_space<vmem>>[vector<16xi32>], vector<16xf32>,
      %sub3A = arith.subf %gather3A, %gather3A_108 : vector<16xf32>
      %gather3A_109 = tpu.vector_load_idx %arg17[%get3A_103] : memref<10000xf32, #tpu.memory_space<vmem>>[vector<16xi32>], vector<16xf32>,
      %gather3A_110 = tpu.vector_load_idx %arg17[%get3A_107] : memref<10000xf32, #tpu.memory_space<vmem>>[vector<16xi32>], vector<16xf32>,
      %sub3A_111 = arith.subf %gather3A_109, %gather3A_110 : vector<16xf32>
      %gather3A_112 = tpu.vector_load_idx %arg18[%get3A_103] : memref<10000xf32, #tpu.memory_space<vmem>>[vector<16xi32>], vector<16xf32>,
      %gather3A_113 = tpu.vector_load_idx %arg18[%get3A_107] : memref<10000xf32, #tpu.memory_space<vmem>>[vector<16xi32>], vector<16xf32>,
      %sub3A_114 = arith.subf %gather3A_112, %gather3A_113 : vector<16xf32>
      %mul3A_115 = arith.mulf %sub3A, %sub3A : vector<16xf32>
      %mul3A_116 = arith.mulf %sub3A_111, %sub3A_111 : vector<16xf32>
      %add3A_117 = arith.addf %mul3A_115, %mul3A_116 : vector<16xf32>
      %mul3A_118 = arith.mulf %sub3A_114, %sub3A_114 : vector<16xf32>
      %add3A_119 = arith.addf %add3A_117, %mul3A_118 : vector<16xf32>
      %swap3A = arith.constant 0 : index
      %swap3A_120 = tpu.vector_load %arg23[%swap3A] {strides = array<i32>} : memref<80xf32, #tpu.memory_space<vmem>>, vector<16xf32>,
      tpu.vector_store %arg23[%swap3A], %sub3A {strides = array<i32>} : memref<80xf32, #tpu.memory_space<vmem>>, vector<16xf32>,
      %swap3A_121 = arith.constant 0 : index
      %swap3A_122 = tpu.vector_load %arg24[%swap3A_121] {strides = array<i32>} : memref<80xf32, #tpu.memory_space<vmem>>, vector<16xf32>,
      tpu.vector_store %arg24[%swap3A_121], %sub3A_111 {strides = array<i32>} : memref<80xf32, #tpu.memory_space<vmem>>, vector<16xf32>,
      %swap3A_123 = arith.constant 0 : index
      %swap3A_124 = tpu.vector_load %arg25[%swap3A_123] {strides = array<i32>} : memref<80xf32, #tpu.memory_space<vmem>>, vector<16xf32>,
      tpu.vector_store %arg25[%swap3A_123], %sub3A_114 {strides = array<i32>} : memref<80xf32, #tpu.memory_space<vmem>>, vector<16xf32>,
      %swap3A_125 = arith.constant 0 : index
      %swap3A_126 = tpu.vector_load %arg26[%swap3A_125] {strides = array<i32>} : memref<80xf32, #tpu.memory_space<vmem>>, vector<16xf32>,
      tpu.vector_store %arg26[%swap3A_125], %add3A_119 {strides = array<i32>} : memref<80xf32, #tpu.memory_space<vmem>>, vector<16xf32>,
      %add3A_127 = arith.constant 16 : i32
      %add3A_128 = arith.addi %mul3A_76, %add3A_127 : i32
      %get3A_129 = arith.index_cast %add3A_128 : i32 to index
      %get3A_130 = tpu.vector_load %arg14[%get3A_129] {strides = array<i32>} : memref<10080xi32, #tpu.memory_space<vmem>>, vector<16xi32>,
      %add3A_131 = arith.constant 16 : i32
      %add3A_132 = arith.addi %mul3A_76, %add3A_131 : i32
      %get3A_133 = arith.index_cast %add3A_132 : i32 to index
      %get3A_134 = tpu.vector_load %arg15[%get3A_133] {strides = array<i32>} : memref<10080xi32, #tpu.memory_space<vmem>>, vector<16xi32>,
      %gather3A_135 = tpu.vector_load_idx %arg16[%get3A_130] : memref<10000xf32, #tpu.memory_space<vmem>>[vector<16xi32>], vector<16xf32>,
      %gather3A_136 = tpu.vector_load_idx %arg16[%get3A_134] : memref<10000xf32, #tpu.memory_space<vmem>>[vector<16xi32>], vector<16xf32>,
      %sub3A_137 = arith.subf %gather3A_135, %gather3A_136 : vector<16xf32>
      %gather3A_138 = tpu.vector_load_idx %arg17[%get3A_130] : memref<10000xf32, #tpu.memory_space<vmem>>[vector<16xi32>], vector<16xf32>,
      %gather3A_139 = tpu.vector_load_idx %arg17[%get3A_134] : memref<10000xf32, #tpu.memory_space<vmem>>[vector<16xi32>], vector<16xf32>,
      %sub3A_140 = arith.subf %gather3A_138, %gather3A_139 : vector<16xf32>
      %gather3A_141 = tpu.vector_load_idx %arg18[%get3A_130] : memref<10000xf32, #tpu.memory_space<vmem>>[vector<16xi32>], vector<16xf32>,
      %gather3A_142 = tpu.vector_load_idx %arg18[%get3A_134] : memref<10000xf32, #tpu.memory_space<vmem>>[vector<16xi32>], vector<16xf32>,
      %sub3A_143 = arith.subf %gather3A_141, %gather3A_142 : vector<16xf32>
      %mul3A_144 = arith.mulf %sub3A_137, %sub3A_137 : vector<16xf32>
      %mul3A_145 = arith.mulf %sub3A_140, %sub3A_140 : vector<16xf32>
      %add3A_146 = arith.addf %mul3A_144, %mul3A_145 : vector<16xf32>
      %mul3A_147 = arith.mulf %sub3A_143, %sub3A_143 : vector<16xf32>
      %add3A_148 = arith.addf %add3A_146, %mul3A_147 : vector<16xf32>
      %swap3A_149 = arith.constant 16 : index
      %swap3A_150 = tpu.vector_load %arg23[%swap3A_149] {strides = array<i32>} : memref<80xf32, #tpu.memory_space<vmem>>, vector<16xf32>,
      tpu.vector_store %arg23[%swap3A_149], %sub3A_137 {strides = array<i32>} : memref<80xf32, #tpu.memory_space<vmem>>, vector<16xf32>,
      %swap3A_151 = arith.constant 16 : index
      %swap3A_152 = tpu.vector_load %arg24[%swap3A_151] {strides = array<i32>} : memref<80xf32, #tpu.memory_space<vmem>>, vector<16xf32>,
      tpu.vector_store %arg24[%swap3A_151], %sub3A_140 {strides = array<i32>} : memref<80xf32, #tpu.memory_space<vmem>>, vector<16xf32>,
      %swap3A_153 = arith.constant 16 : index
      %swap3A_154 = tpu.vector_load %arg25[%swap3A_153] {strides = array<i32>} : memref<80xf32, #tpu.memory_space<vmem>>, vector<16xf32>,
      tpu.vector_store %arg25[%swap3A_153], %sub3A_143 {strides = array<i32>} : memref<80xf32, #tpu.memory_space<vmem>>, vector<16xf32>,
      %swap3A_155 = arith.constant 16 : index
      %swap3A_156 = tpu.vector_load %arg26[%swap3A_155] {strides = array<i32>} : memref<80xf32, #tpu.memory_space<vmem>>, vector<16xf32>,
      tpu.vector_store %arg26[%swap3A_155], %add3A_148 {strides = array<i32>} : memref<80xf32, #tpu.memory_space<vmem>>, vector<16xf32>,
      %add3A_157 = arith.constant 32 : i32
      %add3A_158 = arith.addi %mul3A_76, %add3A_157 : i32
      %get3A_159 = arith.index_cast %add3A_158 : i32 to index
      %get3A_160 = tpu.vector_load %arg14[%get3A_159] {strides = array<i32>} : memref<10080xi32, #tpu.memory_space<vmem>>, vector<16xi32>,
      %add3A_161 = arith.constant 32 : i32
      %add3A_162 = arith.addi %mul3A_76, %add3A_161 : i32
      %get3A_163 = arith.index_cast %add3A_162 : i32 to index
      %get3A_164 = tpu.vector_load %arg15[%get3A_163] {strides = array<i32>} : memref<10080xi32, #tpu.memory_space<vmem>>, vector<16xi32>,
      %gather3A_165 = tpu.vector_load_idx %arg16[%get3A_160] : memref<10000xf32, #tpu.memory_space<vmem>>[vector<16xi32>], vector<16xf32>,
      %gather3A_166 = tpu.vector_load_idx %arg16[%get3A_164] : memref<10000xf32, #tpu.memory_space<vmem>>[vector<16xi32>], vector<16xf32>,
      %sub3A_167 = arith.subf %gather3A_165, %gather3A_166 : vector<16xf32>
      %gather3A_168 = tpu.vector_load_idx %arg17[%get3A_160] : memref<10000xf32, #tpu.memory_space<vmem>>[vector<16xi32>], vector<16xf32>,
      %gather3A_169 = tpu.vector_load_idx %arg17[%get3A_164] : memref<10000xf32, #tpu.memory_space<vmem>>[vector<16xi32>], vector<16xf32>,
      %sub3A_170 = arith.subf %gather3A_168, %gather3A_169 : vector<16xf32>
      %gather3A_171 = tpu.vector_load_idx %arg18[%get3A_160] : memref<10000xf32, #tpu.memory_space<vmem>>[vector<16xi32>], vector<16xf32>,
      %gather3A_172 = tpu.vector_load_idx %arg18[%get3A_164] : memref<10000xf32, #tpu.memory_space<vmem>>[vector<16xi32>], vector<16xf32>,
      %sub3A_173 = arith.subf %gather3A_171, %gather3A_172 : vector<16xf32>
      %mul3A_174 = arith.mulf %sub3A_167, %sub3A_167 : vector<16xf32>
      %mul3A_175 = arith.mulf %sub3A_170, %sub3A_170 : vector<16xf32>
      %add3A_176 = arith.addf %mul3A_174, %mul3A_175 : vector<16xf32>
      %mul3A_177 = arith.mulf %sub3A_173, %sub3A_173 : vector<16xf32>
      %add3A_178 = arith.addf %add3A_176, %mul3A_177 : vector<16xf32>
      %swap3A_179 = arith.constant 32 : index
      %swap3A_180 = tpu.vector_load %arg23[%swap3A_179] {strides = array<i32>} : memref<80xf32, #tpu.memory_space<vmem>>, vector<16xf32>,
      tpu.vector_store %arg23[%swap3A_179], %sub3A_167 {strides = array<i32>} : memref<80xf32, #tpu.memory_space<vmem>>, vector<16xf32>,
      %swap3A_181 = arith.constant 32 : index
      %swap3A_182 = tpu.vector_load %arg24[%swap3A_181] {strides = array<i32>} : memref<80xf32, #tpu.memory_space<vmem>>, vector<16xf32>,
      tpu.vector_store %arg24[%swap3A_181], %sub3A_170 {strides = array<i32>} : memref<80xf32, #tpu.memory_space<vmem>>, vector<16xf32>,
      %swap3A_183 = arith.constant 32 : index
      %swap3A_184 = tpu.vector_load %arg25[%swap3A_183] {strides = array<i32>} : memref<80xf32, #tpu.memory_space<vmem>>, vector<16xf32>,
      tpu.vector_store %arg25[%swap3A_183], %sub3A_173 {strides = array<i32>} : memref<80xf32, #tpu.memory_space<vmem>>, vector<16xf32>,
      %swap3A_185 = arith.constant 32 : index
      %swap3A_186 = tpu.vector_load %arg26[%swap3A_185] {strides = array<i32>} : memref<80xf32, #tpu.memory_space<vmem>>, vector<16xf32>,
      tpu.vector_store %arg26[%swap3A_185], %add3A_178 {strides = array<i32>} : memref<80xf32, #tpu.memory_space<vmem>>, vector<16xf32>,
      %add3A_187 = arith.constant 48 : i32
      %add3A_188 = arith.addi %mul3A_76, %add3A_187 : i32
      %get3A_189 = arith.index_cast %add3A_188 : i32 to index
      %get3A_190 = tpu.vector_load %arg14[%get3A_189] {strides = array<i32>} : memref<10080xi32, #tpu.memory_space<vmem>>, vector<16xi32>,
      %add3A_191 = arith.constant 48 : i32
      %add3A_192 = arith.addi %mul3A_76, %add3A_191 : i32
      %get3A_193 = arith.index_cast %add3A_192 : i32 to index
      %get3A_194 = tpu.vector_load %arg15[%get3A_193] {strides = array<i32>} : memref<10080xi32, #tpu.memory_space<vmem>>, vector<16xi32>,
      %gather3A_195 = tpu.vector_load_idx %arg16[%get3A_190] : memref<10000xf32, #tpu.memory_space<vmem>>[vector<16xi32>], vector<16xf32>,
      %gather3A_196 = tpu.vector_load_idx %arg16[%get3A_194] : memref<10000xf32, #tpu.memory_space<vmem>>[vector<16xi32>], vector<16xf32>,
      %sub3A_197 = arith.subf %gather3A_195, %gather3A_196 : vector<16xf32>
      %gather3A_198 = tpu.vector_load_idx %arg17[%get3A_190] : memref<10000xf32, #tpu.memory_space<vmem>>[vector<16xi32>], vector<16xf32>,
      %gather3A_199 = tpu.vector_load_idx %arg17[%get3A_194] : memref<10000xf32, #tpu.memory_space<vmem>>[vector<16xi32>], vector<16xf32>,
      %sub3A_200 = arith.subf %gather3A_198, %gather3A_199 : vector<16xf32>
      %gather3A_201 = tpu.vector_load_idx %arg18[%get3A_190] : memref<10000xf32, #tpu.memory_space<vmem>>[vector<16xi32>], vector<16xf32>,
      %gather3A_202 = tpu.vector_load_idx %arg18[%get3A_194] : memref<10000xf32, #tpu.memory_space<vmem>>[vector<16xi32>], vector<16xf32>,
      %sub3A_203 = arith.subf %gather3A_201, %gather3A_202 : vector<16xf32>
      %mul3A_204 = arith.mulf %sub3A_197, %sub3A_197 : vector<16xf32>
      %mul3A_205 = arith.mulf %sub3A_200, %sub3A_200 : vector<16xf32>
      %add3A_206 = arith.addf %mul3A_204, %mul3A_205 : vector<16xf32>
      %mul3A_207 = arith.mulf %sub3A_203, %sub3A_203 : vector<16xf32>
      %add3A_208 = arith.addf %add3A_206, %mul3A_207 : vector<16xf32>
      %swap3A_209 = arith.constant 48 : index
      %swap3A_210 = tpu.vector_load %arg23[%swap3A_209] {strides = array<i32>} : memref<80xf32, #tpu.memory_space<vmem>>, vector<16xf32>,
      tpu.vector_store %arg23[%swap3A_209], %sub3A_197 {strides = array<i32>} : memref<80xf32, #tpu.memory_space<vmem>>, vector<16xf32>,
      %swap3A_211 = arith.constant 48 : index
      %swap3A_212 = tpu.vector_load %arg24[%swap3A_211] {strides = array<i32>} : memref<80xf32, #tpu.memory_space<vmem>>, vector<16xf32>,
      tpu.vector_store %arg24[%swap3A_211], %sub3A_200 {strides = array<i32>} : memref<80xf32, #tpu.memory_space<vmem>>, vector<16xf32>,
      %swap3A_213 = arith.constant 48 : index
      %swap3A_214 = tpu.vector_load %arg25[%swap3A_213] {strides = array<i32>} : memref<80xf32, #tpu.memory_space<vmem>>, vector<16xf32>,
      tpu.vector_store %arg25[%swap3A_213], %sub3A_203 {strides = array<i32>} : memref<80xf32, #tpu.memory_space<vmem>>, vector<16xf32>,
      %swap3A_215 = arith.constant 48 : index
      %swap3A_216 = tpu.vector_load %arg26[%swap3A_215] {strides = array<i32>} : memref<80xf32, #tpu.memory_space<vmem>>, vector<16xf32>,
      tpu.vector_store %arg26[%swap3A_215], %add3A_208 {strides = array<i32>} : memref<80xf32, #tpu.memory_space<vmem>>, vector<16xf32>,
      %add3A_217 = arith.constant 64 : i32
      %add3A_218 = arith.addi %mul3A_76, %add3A_217 : i32
      %get3A_219 = arith.index_cast %add3A_218 : i32 to index
      %get3A_220 = tpu.vector_load %arg14[%get3A_219] {strides = array<i32>} : memref<10080xi32, #tpu.memory_space<vmem>>, vector<16xi32>,
      %add3A_221 = arith.constant 64 : i32
      %add3A_222 = arith.addi %mul3A_76, %add3A_221 : i32
      %get3A_223 = arith.index_cast %add3A_222 : i32 to index
      %get3A_224 = tpu.vector_load %arg15[%get3A_223] {strides = array<i32>} : memref<10080xi32, #tpu.memory_space<vmem>>, vector<16xi32>,
      %gather3A_225 = tpu.vector_load_idx %arg16[%get3A_220] : memref<10000xf32, #tpu.memory_space<vmem>>[vector<16xi32>], vector<16xf32>,
      %gather3A_226 = tpu.vector_load_idx %arg16[%get3A_224] : memref<10000xf32, #tpu.memory_space<vmem>>[vector<16xi32>], vector<16xf32>,
      %sub3A_227 = arith.subf %gather3A_225, %gather3A_226 : vector<16xf32>
      %gather3A_228 = tpu.vector_load_idx %arg17[%get3A_220] : memref<10000xf32, #tpu.memory_space<vmem>>[vector<16xi32>], vector<16xf32>,
      %gather3A_229 = tpu.vector_load_idx %arg17[%get3A_224] : memref<10000xf32, #tpu.memory_space<vmem>>[vector<16xi32>], vector<16xf32>,
      %sub3A_230 = arith.subf %gather3A_228, %gather3A_229 : vector<16xf32>
      %gather3A_231 = tpu.vector_load_idx %arg18[%get3A_220] : memref<10000xf32, #tpu.memory_space<vmem>>[vector<16xi32>], vector<16xf32>,
      %gather3A_232 = tpu.vector_load_idx %arg18[%get3A_224] : memref<10000xf32, #tpu.memory_space<vmem>>[vector<16xi32>], vector<16xf32>,
      %sub3A_233 = arith.subf %gather3A_231, %gather3A_232 : vector<16xf32>
      %mul3A_234 = arith.mulf %sub3A_227, %sub3A_227 : vector<16xf32>
      %mul3A_235 = arith.mulf %sub3A_230, %sub3A_230 : vector<16xf32>
      %add3A_236 = arith.addf %mul3A_234, %mul3A_235 : vector<16xf32>
      %mul3A_237 = arith.mulf %sub3A_233, %sub3A_233 : vector<16xf32>
      %add3A_238 = arith.addf %add3A_236, %mul3A_237 : vector<16xf32>
      %swap3A_239 = arith.constant 64 : index
      %swap3A_240 = tpu.vector_load %arg23[%swap3A_239] {strides = array<i32>} : memref<80xf32, #tpu.memory_space<vmem>>, vector<16xf32>,
      tpu.vector_store %arg23[%swap3A_239], %sub3A_227 {strides = array<i32>} : memref<80xf32, #tpu.memory_space<vmem>>, vector<16xf32>,
      %swap3A_241 = arith.constant 64 : index
      %swap3A_242 = tpu.vector_load %arg24[%swap3A_241] {strides = array<i32>} : memref<80xf32, #tpu.memory_space<vmem>>, vector<16xf32>,
      tpu.vector_store %arg24[%swap3A_241], %sub3A_230 {strides = array<i32>} : memref<80xf32, #tpu.memory_space<vmem>>, vector<16xf32>,
      %swap3A_243 = arith.constant 64 : index
      %swap3A_244 = tpu.vector_load %arg25[%swap3A_243] {strides = array<i32>} : memref<80xf32, #tpu.memory_space<vmem>>, vector<16xf32>,
      tpu.vector_store %arg25[%swap3A_243], %sub3A_233 {strides = array<i32>} : memref<80xf32, #tpu.memory_space<vmem>>, vector<16xf32>,
      %swap3A_245 = arith.constant 64 : index
      %swap3A_246 = tpu.vector_load %arg26[%swap3A_245] {strides = array<i32>} : memref<80xf32, #tpu.memory_space<vmem>>, vector<16xf32>,
      tpu.vector_store %arg26[%swap3A_245], %add3A_238 {strides = array<i32>} : memref<80xf32, #tpu.memory_space<vmem>>, vector<16xf32>,
      %add3A_247 = arith.addi %mul3A_2, %mul3A_76 : i32
      %dma_start3A_248 = arith.constant 0 : i32
      %dma_start3A_249 = tpu.memref_slice %arg8[%add3A_247, %dma_start3A_248] : memref<322560x128xf32, #tpu.memory_space<hbm>> -> memref<80x128xf32, #tpu.memory_space<hbm>>
      %dma_start3A_250 = arith.constant 0 : i32
      %dma_start3A_251 = tpu.memref_slice %arg8[%add3A_247, %dma_start3A_250] : memref<322560x128xf32, #tpu.memory_space<hbm>> -> memref<80x128xf32, #tpu.memory_space<hbm>>
      tpu.enqueue_dma source(%arg19 : memref<80x128xf32, #tpu.memory_space<vmem>>) target(%dma_start3A_251 : memref<80x128xf32, #tpu.memory_space<hbm>>) target_semaphore(%arg33 : memref<!tpu.dma_semaphore, #tpu.memory_space<semaphore_mem>>)
      %add3A_252 = arith.addi %mul3A_2, %mul3A_76 : i32
      %dma_start3A_253 = arith.constant 0 : i32
      %dma_start3A_254 = tpu.memref_slice %arg9[%add3A_252, %dma_start3A_253] : memref<322560x128xf32, #tpu.memory_space<hbm>> -> memref<80x128xf32, #tpu.memory_space<hbm>>
      %dma_start3A_255 = arith.constant 0 : i32
      %dma_start3A_256 = tpu.memref_slice %arg9[%add3A_252, %dma_start3A_255] : memref<322560x128xf32, #tpu.memory_space<hbm>> -> memref<80x128xf32, #tpu.memory_space<hbm>>
      tpu.enqueue_dma source(%arg20 : memref<80x128xf32, #tpu.memory_space<vmem>>) target(%dma_start3A_256 : memref<80x128xf32, #tpu.memory_space<hbm>>) target_semaphore(%arg33 : memref<!tpu.dma_semaphore, #tpu.memory_space<semaphore_mem>>)
      %add3A_257 = arith.addi %mul3A_2, %mul3A_76 : i32
      %dma_start3A_258 = tpu.memref_slice %arg10[%add3A_257] : memref<322560xf32, #tpu.memory_space<hbm>> -> memref<80xf32, #tpu.memory_space<hbm>>
      %dma_start3A_259 = tpu.memref_slice %arg10[%add3A_257] : memref<322560xf32, #tpu.memory_space<hbm>> -> memref<80xf32, #tpu.memory_space<hbm>>
      tpu.enqueue_dma source(%arg23 : memref<80xf32, #tpu.memory_space<vmem>>) target(%dma_start3A_259 : memref<80xf32, #tpu.memory_space<hbm>>) target_semaphore(%arg33 : memref<!tpu.dma_semaphore, #tpu.memory_space<semaphore_mem>>)
      %add3A_260 = arith.addi %mul3A_2, %mul3A_76 : i32
      %dma_start3A_261 = tpu.memref_slice %arg11[%add3A_260] : memref<322560xf32, #tpu.memory_space<hbm>> -> memref<80xf32, #tpu.memory_space<hbm>>
      %dma_start3A_262 = tpu.memref_slice %arg11[%add3A_260] : memref<322560xf32, #tpu.memory_space<hbm>> -> memref<80xf32, #tpu.memory_space<hbm>>
      tpu.enqueue_dma source(%arg24 : memref<80xf32, #tpu.memory_space<vmem>>) target(%dma_start3A_262 : memref<80xf32, #tpu.memory_space<hbm>>) target_semaphore(%arg33 : memref<!tpu.dma_semaphore, #tpu.memory_space<semaphore_mem>>)
      %add3A_263 = arith.addi %mul3A_2, %mul3A_76 : i32
      %dma_start3A_264 = tpu.memref_slice %arg12[%add3A_263] : memref<322560xf32, #tpu.memory_space<hbm>> -> memref<80xf32, #tpu.memory_space<hbm>>
      %dma_start3A_265 = tpu.memref_slice %arg12[%add3A_263] : memref<322560xf32, #tpu.memory_space<hbm>> -> memref<80xf32, #tpu.memory_space<hbm>>
      tpu.enqueue_dma source(%arg25 : memref<80xf32, #tpu.memory_space<vmem>>) target(%dma_start3A_265 : memref<80xf32, #tpu.memory_space<hbm>>) target_semaphore(%arg33 : memref<!tpu.dma_semaphore, #tpu.memory_space<semaphore_mem>>)
      %add3A_266 = arith.addi %mul3A_2, %mul3A_76 : i32
      %dma_start3A_267 = tpu.memref_slice %arg13[%add3A_266] : memref<322560xf32, #tpu.memory_space<hbm>> -> memref<80xf32, #tpu.memory_space<hbm>>
      %dma_start3A_268 = tpu.memref_slice %arg13[%add3A_266] : memref<322560xf32, #tpu.memory_space<hbm>> -> memref<80xf32, #tpu.memory_space<hbm>>
      tpu.enqueue_dma source(%arg26 : memref<80xf32, #tpu.memory_space<vmem>>) target(%dma_start3A_268 : memref<80xf32, #tpu.memory_space<hbm>>) target_semaphore(%arg33 : memref<!tpu.dma_semaphore, #tpu.memory_space<semaphore_mem>>)
      %dma_wait3A_269 = arith.constant 0 : i32
      %dma_wait3A_270 = arith.constant 0 : i32
      %dma_wait3A_271 = tpu.memref_slice %arg2[%dma_wait3A_269, %dma_wait3A_270] : memref<10000x128xf32, #tpu.memory_space<hbm>> -> memref<80x128xf32, #tpu.memory_space<hbm>>
      %dma_wait3A_272 = arith.constant 0 : i32
      %dma_wait3A_273 = arith.constant 0 : i32
      %dma_wait3A_274 = tpu.memref_slice %arg2[%dma_wait3A_272, %dma_wait3A_273] : memref<10000x128xf32, #tpu.memory_space<hbm>> -> memref<80x128xf32, #tpu.memory_space<hbm>>
      tpu.wait_dma2 semaphore(%arg32 : memref<!tpu.dma_semaphore, #tpu.memory_space<semaphore_mem>>) src(%dma_wait3A_274 : memref<80x128xf32, #tpu.memory_space<hbm>>) dst(%arg21 : memref<80x128xf32, #tpu.memory_space<vmem>>)
      %dma_wait3A_275 = arith.constant 0 : i32
      %dma_wait3A_276 = arith.constant 0 : i32
      %dma_wait3A_277 = tpu.memref_slice %arg2[%dma_wait3A_275, %dma_wait3A_276] : memref<10000x128xf32, #tpu.memory_space<hbm>> -> memref<80x128xf32, #tpu.memory_space<hbm>>
      %dma_wait3A_278 = arith.constant 0 : i32
      %dma_wait3A_279 = arith.constant 0 : i32
      %dma_wait3A_280 = tpu.memref_slice %arg2[%dma_wait3A_278, %dma_wait3A_279] : memref<10000x128xf32, #tpu.memory_space<hbm>> -> memref<80x128xf32, #tpu.memory_space<hbm>>
      tpu.wait_dma2 semaphore(%arg32 : memref<!tpu.dma_semaphore, #tpu.memory_space<semaphore_mem>>) src(%dma_wait3A_280 : memref<80x128xf32, #tpu.memory_space<hbm>>) dst(%arg22 : memref<80x128xf32, #tpu.memory_space<vmem>>)
      %add3A_281 = arith.constant 0 : i32
      %add3A_282 = arith.addi %add3A_78, %add3A_281 : i32
      %get3A_283 = arith.index_cast %add3A_282 : i32 to index
      %get3A_284 = tpu.vector_load %arg14[%get3A_283] {strides = array<i32>} : memref<10080xi32, #tpu.memory_space<vmem>>, vector<16xi32>,
      %add3A_285 = arith.constant 0 : i32
      %add3A_286 = arith.addi %add3A_78, %add3A_285 : i32
      %get3A_287 = arith.index_cast %add3A_286 : i32 to index
      %get3A_288 = tpu.vector_load %arg15[%get3A_287] {strides = array<i32>} : memref<10080xi32, #tpu.memory_space<vmem>>, vector<16xi32>,
      %gather3A_289 = tpu.vector_load_idx %arg16[%get3A_284] : memref<10000xf32, #tpu.memory_space<vmem>>[vector<16xi32>], vector<16xf32>,
      %gather3A_290 = tpu.vector_load_idx %arg16[%get3A_288] : memref<10000xf32, #tpu.memory_space<vmem>>[vector<16xi32>], vector<16xf32>,
      %sub3A_291 = arith.subf %gather3A_289, %gather3A_290 : vector<16xf32>
      %gather3A_292 = tpu.vector_load_idx %arg17[%get3A_284] : memref<10000xf32, #tpu.memory_space<vmem>>[vector<16xi32>], vector<16xf32>,
      %gather3A_293 = tpu.vector_load_idx %arg17[%get3A_288] : memref<10000xf32, #tpu.memory_space<vmem>>[vector<16xi32>], vector<16xf32>,
      %sub3A_294 = arith.subf %gather3A_292, %gather3A_293 : vector<16xf32>
      %gather3A_295 = tpu.vector_load_idx %arg18[%get3A_284] : memref<10000xf32, #tpu.memory_space<vmem>>[vector<16xi32>], vector<16xf32>,
      %gather3A_296 = tpu.vector_load_idx %arg18[%get3A_288] : memref<10000xf32, #tpu.memory_space<vmem>>[vector<16xi32>], vector<16xf32>,
      %sub3A_297 = arith.subf %gather3A_295, %gather3A_296 : vector<16xf32>
      %mul3A_298 = arith.mulf %sub3A_291, %sub3A_291 : vector<16xf32>
      %mul3A_299 = arith.mulf %sub3A_294, %sub3A_294 : vector<16xf32>
      %add3A_300 = arith.addf %mul3A_298, %mul3A_299 : vector<16xf32>
      %mul3A_301 = arith.mulf %sub3A_297, %sub3A_297 : vector<16xf32>
      %add3A_302 = arith.addf %add3A_300, %mul3A_301 : vector<16xf32>
      %swap3A_303 = arith.constant 0 : index
      %swap3A_304 = tpu.vector_load %arg27[%swap3A_303] {strides = array<i32>} : memref<80xf32, #tpu.memory_space<vmem>>, vector<16xf32>,
      tpu.vector_store %arg27[%swap3A_303], %sub3A_291 {strides = array<i32>} : memref<80xf32, #tpu.memory_space<vmem>>, vector<16xf32>,
      %swap3A_305 = arith.constant 0 : index
      %swap3A_306 = tpu.vector_load %arg28[%swap3A_305] {strides = array<i32>} : memref<80xf32, #tpu.memory_space<vmem>>, vector<16xf32>,
      tpu.vector_store %arg28[%swap3A_305], %sub3A_294 {strides = array<i32>} : memref<80xf32, #tpu.memory_space<vmem>>, vector<16xf32>,
      %swap3A_307 = arith.constant 0 : index
      %swap3A_308 = tpu.vector_load %arg29[%swap3A_307] {strides = array<i32>} : memref<80xf32, #tpu.memory_space<vmem>>, vector<16xf32>,
      tpu.vector_store %arg29[%swap3A_307], %sub3A_297 {strides = array<i32>} : memref<80xf32, #tpu.memory_space<vmem>>, vector<16xf32>,
      %swap3A_309 = arith.constant 0 : index
      %swap3A_310 = tpu.vector_load %arg30[%swap3A_309] {strides = array<i32>} : memref<80xf32, #tpu.memory_space<vmem>>, vector<16xf32>,
      tpu.vector_store %arg30[%swap3A_309], %add3A_302 {strides = array<i32>} : memref<80xf32, #tpu.memory_space<vmem>>, vector<16xf32>,
      %add3A_311 = arith.constant 16 : i32
      %add3A_312 = arith.addi %add3A_78, %add3A_311 : i32
      %get3A_313 = arith.index_cast %add3A_312 : i32 to index
      %get3A_314 = tpu.vector_load %arg14[%get3A_313] {strides = array<i32>} : memref<10080xi32, #tpu.memory_space<vmem>>, vector<16xi32>,
      %add3A_315 = arith.constant 16 : i32
      %add3A_316 = arith.addi %add3A_78, %add3A_315 : i32
      %get3A_317 = arith.index_cast %add3A_316 : i32 to index
      %get3A_318 = tpu.vector_load %arg15[%get3A_317] {strides = array<i32>} : memref<10080xi32, #tpu.memory_space<vmem>>, vector<16xi32>,
      %gather3A_319 = tpu.vector_load_idx %arg16[%get3A_314] : memref<10000xf32, #tpu.memory_space<vmem>>[vector<16xi32>], vector<16xf32>,
      %gather3A_320 = tpu.vector_load_idx %arg16[%get3A_318] : memref<10000xf32, #tpu.memory_space<vmem>>[vector<16xi32>], vector<16xf32>,
      %sub3A_321 = arith.subf %gather3A_319, %gather3A_320 : vector<16xf32>
      %gather3A_322 = tpu.vector_load_idx %arg17[%get3A_314] : memref<10000xf32, #tpu.memory_space<vmem>>[vector<16xi32>], vector<16xf32>,
      %gather3A_323 = tpu.vector_load_idx %arg17[%get3A_318] : memref<10000xf32, #tpu.memory_space<vmem>>[vector<16xi32>], vector<16xf32>,
      %sub3A_324 = arith.subf %gather3A_322, %gather3A_323 : vector<16xf32>
      %gather3A_325 = tpu.vector_load_idx %arg18[%get3A_314] : memref<10000xf32, #tpu.memory_space<vmem>>[vector<16xi32>], vector<16xf32>,
      %gather3A_326 = tpu.vector_load_idx %arg18[%get3A_318] : memref<10000xf32, #tpu.memory_space<vmem>>[vector<16xi32>], vector<16xf32>,
      %sub3A_327 = arith.subf %gather3A_325, %gather3A_326 : vector<16xf32>
      %mul3A_328 = arith.mulf %sub3A_321, %sub3A_321 : vector<16xf32>
      %mul3A_329 = arith.mulf %sub3A_324, %sub3A_324 : vector<16xf32>
      %add3A_330 = arith.addf %mul3A_328, %mul3A_329 : vector<16xf32>
      %mul3A_331 = arith.mulf %sub3A_327, %sub3A_327 : vector<16xf32>
      %add3A_332 = arith.addf %add3A_330, %mul3A_331 : vector<16xf32>
      %swap3A_333 = arith.constant 16 : index
      %swap3A_334 = tpu.vector_load %arg27[%swap3A_333] {strides = array<i32>} : memref<80xf32, #tpu.memory_space<vmem>>, vector<16xf32>,
      tpu.vector_store %arg27[%swap3A_333], %sub3A_321 {strides = array<i32>} : memref<80xf32, #tpu.memory_space<vmem>>, vector<16xf32>,
      %swap3A_335 = arith.constant 16 : index
      %swap3A_336 = tpu.vector_load %arg28[%swap3A_335] {strides = array<i32>} : memref<80xf32, #tpu.memory_space<vmem>>, vector<16xf32>,
      tpu.vector_store %arg28[%swap3A_335], %sub3A_324 {strides = array<i32>} : memref<80xf32, #tpu.memory_space<vmem>>, vector<16xf32>,
      %swap3A_337 = arith.constant 16 : index
      %swap3A_338 = tpu.vector_load %arg29[%swap3A_337] {strides = array<i32>} : memref<80xf32, #tpu.memory_space<vmem>>, vector<16xf32>,
      tpu.vector_store %arg29[%swap3A_337], %sub3A_327 {strides = array<i32>} : memref<80xf32, #tpu.memory_space<vmem>>, vector<16xf32>,
      %swap3A_339 = arith.constant 16 : index
      %swap3A_340 = tpu.vector_load %arg30[%swap3A_339] {strides = array<i32>} : memref<80xf32, #tpu.memory_space<vmem>>, vector<16xf32>,
      tpu.vector_store %arg30[%swap3A_339], %add3A_332 {strides = array<i32>} : memref<80xf32, #tpu.memory_space<vmem>>, vector<16xf32>,
      %add3A_341 = arith.constant 32 : i32
      %add3A_342 = arith.addi %add3A_78, %add3A_341 : i32
      %get3A_343 = arith.index_cast %add3A_342 : i32 to index
      %get3A_344 = tpu.vector_load %arg14[%get3A_343] {strides = array<i32>} : memref<10080xi32, #tpu.memory_space<vmem>>, vector<16xi32>,
      %add3A_345 = arith.constant 32 : i32
      %add3A_346 = arith.addi %add3A_78, %add3A_345 : i32
      %get3A_347 = arith.index_cast %add3A_346 : i32 to index
      %get3A_348 = tpu.vector_load %arg15[%get3A_347] {strides = array<i32>} : memref<10080xi32, #tpu.memory_space<vmem>>, vector<16xi32>,
      %gather3A_349 = tpu.vector_load_idx %arg16[%get3A_344] : memref<10000xf32, #tpu.memory_space<vmem>>[vector<16xi32>], vector<16xf32>,
      %gather3A_350 = tpu.vector_load_idx %arg16[%get3A_348] : memref<10000xf32, #tpu.memory_space<vmem>>[vector<16xi32>], vector<16xf32>,
      %sub3A_351 = arith.subf %gather3A_349, %gather3A_350 : vector<16xf32>
      %gather3A_352 = tpu.vector_load_idx %arg17[%get3A_344] : memref<10000xf32, #tpu.memory_space<vmem>>[vector<16xi32>], vector<16xf32>,
      %gather3A_353 = tpu.vector_load_idx %arg17[%get3A_348] : memref<10000xf32, #tpu.memory_space<vmem>>[vector<16xi32>], vector<16xf32>,
      %sub3A_354 = arith.subf %gather3A_352, %gather3A_353 : vector<16xf32>
      %gather3A_355 = tpu.vector_load_idx %arg18[%get3A_344] : memref<10000xf32, #tpu.memory_space<vmem>>[vector<16xi32>], vector<16xf32>,
      %gather3A_356 = tpu.vector_load_idx %arg18[%get3A_348] : memref<10000xf32, #tpu.memory_space<vmem>>[vector<16xi32>], vector<16xf32>,
      %sub3A_357 = arith.subf %gather3A_355, %gather3A_356 : vector<16xf32>
      %mul3A_358 = arith.mulf %sub3A_351, %sub3A_351 : vector<16xf32>
      %mul3A_359 = arith.mulf %sub3A_354, %sub3A_354 : vector<16xf32>
      %add3A_360 = arith.addf %mul3A_358, %mul3A_359 : vector<16xf32>
      %mul3A_361 = arith.mulf %sub3A_357, %sub3A_357 : vector<16xf32>
      %add3A_362 = arith.addf %add3A_360, %mul3A_361 : vector<16xf32>
      %swap3A_363 = arith.constant 32 : index
      %swap3A_364 = tpu.vector_load %arg27[%swap3A_363] {strides = array<i32>} : memref<80xf32, #tpu.memory_space<vmem>>, vector<16xf32>,
      tpu.vector_store %arg27[%swap3A_363], %sub3A_351 {strides = array<i32>} : memref<80xf32, #tpu.memory_space<vmem>>, vector<16xf32>,
      %swap3A_365 = arith.constant 32 : index
      %swap3A_366 = tpu.vector_load %arg28[%swap3A_365] {strides = array<i32>} : memref<80xf32, #tpu.memory_space<vmem>>, vector<16xf32>,
      tpu.vector_store %arg28[%swap3A_365], %sub3A_354 {strides = array<i32>} : memref<80xf32, #tpu.memory_space<vmem>>, vector<16xf32>,
      %swap3A_367 = arith.constant 32 : index
      %swap3A_368 = tpu.vector_load %arg29[%swap3A_367] {strides = array<i32>} : memref<80xf32, #tpu.memory_space<vmem>>, vector<16xf32>,
      tpu.vector_store %arg29[%swap3A_367], %sub3A_357 {strides = array<i32>} : memref<80xf32, #tpu.memory_space<vmem>>, vector<16xf32>,
      %swap3A_369 = arith.constant 32 : index
      %swap3A_370 = tpu.vector_load %arg30[%swap3A_369] {strides = array<i32>} : memref<80xf32, #tpu.memory_space<vmem>>, vector<16xf32>,
      tpu.vector_store %arg30[%swap3A_369], %add3A_362 {strides = array<i32>} : memref<80xf32, #tpu.memory_space<vmem>>, vector<16xf32>,
      %add3A_371 = arith.constant 48 : i32
      %add3A_372 = arith.addi %add3A_78, %add3A_371 : i32
      %get3A_373 = arith.index_cast %add3A_372 : i32 to index
      %get3A_374 = tpu.vector_load %arg14[%get3A_373] {strides = array<i32>} : memref<10080xi32, #tpu.memory_space<vmem>>, vector<16xi32>,
      %add3A_375 = arith.constant 48 : i32
      %add3A_376 = arith.addi %add3A_78, %add3A_375 : i32
      %get3A_377 = arith.index_cast %add3A_376 : i32 to index
      %get3A_378 = tpu.vector_load %arg15[%get3A_377] {strides = array<i32>} : memref<10080xi32, #tpu.memory_space<vmem>>, vector<16xi32>,
      %gather3A_379 = tpu.vector_load_idx %arg16[%get3A_374] : memref<10000xf32, #tpu.memory_space<vmem>>[vector<16xi32>], vector<16xf32>,
      %gather3A_380 = tpu.vector_load_idx %arg16[%get3A_378] : memref<10000xf32, #tpu.memory_space<vmem>>[vector<16xi32>], vector<16xf32>,
      %sub3A_381 = arith.subf %gather3A_379, %gather3A_380 : vector<16xf32>
      %gather3A_382 = tpu.vector_load_idx %arg17[%get3A_374] : memref<10000xf32, #tpu.memory_space<vmem>>[vector<16xi32>], vector<16xf32>,
      %gather3A_383 = tpu.vector_load_idx %arg17[%get3A_378] : memref<10000xf32, #tpu.memory_space<vmem>>[vector<16xi32>], vector<16xf32>,
      %sub3A_384 = arith.subf %gather3A_382, %gather3A_383 : vector<16xf32>
      %gather3A_385 = tpu.vector_load_idx %arg18[%get3A_374] : memref<10000xf32, #tpu.memory_space<vmem>>[vector<16xi32>], vector<16xf32>,
      %gather3A_386 = tpu.vector_load_idx %arg18[%get3A_378] : memref<10000xf32, #tpu.memory_space<vmem>>[vector<16xi32>], vector<16xf32>,
      %sub3A_387 = arith.subf %gather3A_385, %gather3A_386 : vector<16xf32>
      %mul3A_388 = arith.mulf %sub3A_381, %sub3A_381 : vector<16xf32>
      %mul3A_389 = arith.mulf %sub3A_384, %sub3A_384 : vector<16xf32>
      %add3A_390 = arith.addf %mul3A_388, %mul3A_389 : vector<16xf32>
      %mul3A_391 = arith.mulf %sub3A_387, %sub3A_387 : vector<16xf32>
      %add3A_392 = arith.addf %add3A_390, %mul3A_391 : vector<16xf32>
      %swap3A_393 = arith.constant 48 : index
      %swap3A_394 = tpu.vector_load %arg27[%swap3A_393] {strides = array<i32>} : memref<80xf32, #tpu.memory_space<vmem>>, vector<16xf32>,
      tpu.vector_store %arg27[%swap3A_393], %sub3A_381 {strides = array<i32>} : memref<80xf32, #tpu.memory_space<vmem>>, vector<16xf32>,
      %swap3A_395 = arith.constant 48 : index
      %swap3A_396 = tpu.vector_load %arg28[%swap3A_395] {strides = array<i32>} : memref<80xf32, #tpu.memory_space<vmem>>, vector<16xf32>,
      tpu.vector_store %arg28[%swap3A_395], %sub3A_384 {strides = array<i32>} : memref<80xf32, #tpu.memory_space<vmem>>, vector<16xf32>,
      %swap3A_397 = arith.constant 48 : index
      %swap3A_398 = tpu.vector_load %arg29[%swap3A_397] {strides = array<i32>} : memref<80xf32, #tpu.memory_space<vmem>>, vector<16xf32>,
      tpu.vector_store %arg29[%swap3A_397], %sub3A_387 {strides = array<i32>} : memref<80xf32, #tpu.memory_space<vmem>>, vector<16xf32>,
      %swap3A_399 = arith.constant 48 : index
      %swap3A_400 = tpu.vector_load %arg30[%swap3A_399] {strides = array<i32>} : memref<80xf32, #tpu.memory_space<vmem>>, vector<16xf32>,
      tpu.vector_store %arg30[%swap3A_399], %add3A_392 {strides = array<i32>} : memref<80xf32, #tpu.memory_space<vmem>>, vector<16xf32>,
      %add3A_401 = arith.constant 64 : i32
      %add3A_402 = arith.addi %add3A_78, %add3A_401 : i32
      %get3A_403 = arith.index_cast %add3A_402 : i32 to index
      %get3A_404 = tpu.vector_load %arg14[%get3A_403] {strides = array<i32>} : memref<10080xi32, #tpu.memory_space<vmem>>, vector<16xi32>,
      %add3A_405 = arith.constant 64 : i32
      %add3A_406 = arith.addi %add3A_78, %add3A_405 : i32
      %get3A_407 = arith.index_cast %add3A_406 : i32 to index
      %get3A_408 = tpu.vector_load %arg15[%get3A_407] {strides = array<i32>} : memref<10080xi32, #tpu.memory_space<vmem>>, vector<16xi32>,
      %gather3A_409 = tpu.vector_load_idx %arg16[%get3A_404] : memref<10000xf32, #tpu.memory_space<vmem>>[vector<16xi32>], vector<16xf32>,
      %gather3A_410 = tpu.vector_load_idx %arg16[%get3A_408] : memref<10000xf32, #tpu.memory_space<vmem>>[vector<16xi32>], vector<16xf32>,
      %sub3A_411 = arith.subf %gather3A_409, %gather3A_410 : vector<16xf32>
      %gather3A_412 = tpu.vector_load_idx %arg17[%get3A_404] : memref<10000xf32, #tpu.memory_space<vmem>>[vector<16xi32>], vector<16xf32>,
      %gather3A_413 = tpu.vector_load_idx %arg17[%get3A_408] : memref<10000xf32, #tpu.memory_space<vmem>>[vector<16xi32>], vector<16xf32>,
      %sub3A_414 = arith.subf %gather3A_412, %gather3A_413 : vector<16xf32>
      %gather3A_415 = tpu.vector_load_idx %arg18[%get3A_404] : memref<10000xf32, #tpu.memory_space<vmem>>[vector<16xi32>], vector<16xf32>,
      %gather3A_416 = tpu.vector_load_idx %arg18[%get3A_408] : memref<10000xf32, #tpu.memory_space<vmem>>[vector<16xi32>], vector<16xf32>,
      %sub3A_417 = arith.subf %gather3A_415, %gather3A_416 : vector<16xf32>
      %mul3A_418 = arith.mulf %sub3A_411, %sub3A_411 : vector<16xf32>
      %mul3A_419 = arith.mulf %sub3A_414, %sub3A_414 : vector<16xf32>
      %add3A_420 = arith.addf %mul3A_418, %mul3A_419 : vector<16xf32>
      %mul3A_421 = arith.mulf %sub3A_417, %sub3A_417 : vector<16xf32>
      %add3A_422 = arith.addf %add3A_420, %mul3A_421 : vector<16xf32>
      %swap3A_423 = arith.constant 64 : index
      %swap3A_424 = tpu.vector_load %arg27[%swap3A_423] {strides = array<i32>} : memref<80xf32, #tpu.memory_space<vmem>>, vector<16xf32>,
      tpu.vector_store %arg27[%swap3A_423], %sub3A_411 {strides = array<i32>} : memref<80xf32, #tpu.memory_space<vmem>>, vector<16xf32>,
      %swap3A_425 = arith.constant 64 : index
      %swap3A_426 = tpu.vector_load %arg28[%swap3A_425] {strides = array<i32>} : memref<80xf32, #tpu.memory_space<vmem>>, vector<16xf32>,
      tpu.vector_store %arg28[%swap3A_425], %sub3A_414 {strides = array<i32>} : memref<80xf32, #tpu.memory_space<vmem>>, vector<16xf32>,
      %swap3A_427 = arith.constant 64 : index
      %swap3A_428 = tpu.vector_load %arg29[%swap3A_427] {strides = array<i32>} : memref<80xf32, #tpu.memory_space<vmem>>, vector<16xf32>,
      tpu.vector_store %arg29[%swap3A_427], %sub3A_417 {strides = array<i32>} : memref<80xf32, #tpu.memory_space<vmem>>, vector<16xf32>,
      %swap3A_429 = arith.constant 64 : index
      %swap3A_430 = tpu.vector_load %arg30[%swap3A_429] {strides = array<i32>} : memref<80xf32, #tpu.memory_space<vmem>>, vector<16xf32>,
      tpu.vector_store %arg30[%swap3A_429], %add3A_422 {strides = array<i32>} : memref<80xf32, #tpu.memory_space<vmem>>, vector<16xf32>,
      %lt3A = arith.constant 62 : i32
      %lt3A_431 = arith.cmpi slt, %scan3A_72, %lt3A : i32
      %convert_element_type3A_432 = arith.extui %lt3A_431 : i1 to i32
      %cond3A_433 = arith.constant 0 : i32
      %cond3A_434 = arith.cmpi ne, %convert_element_type3A_432, %cond3A_433 : i32
      scf.if %cond3A_434 {
        %dma_wait3A_457 = arith.constant 0 : i32
        %dma_wait3A_458 = arith.constant 0 : i32
        %dma_wait3A_459 = tpu.memref_slice %arg8[%dma_wait3A_457, %dma_wait3A_458] : memref<322560x128xf32, #tpu.memory_space<hbm>> -> memref<80x128xf32, #tpu.memory_space<hbm>>
        %dma_wait3A_460 = arith.constant 0 : i32
        %dma_wait3A_461 = arith.constant 0 : i32
        %dma_wait3A_462 = tpu.memref_slice %arg8[%dma_wait3A_460, %dma_wait3A_461] : memref<322560x128xf32, #tpu.memory_space<hbm>> -> memref<80x128xf32, #tpu.memory_space<hbm>>
        tpu.wait_dma2 semaphore(%arg33 : memref<!tpu.dma_semaphore, #tpu.memory_space<semaphore_mem>>) src(%arg19 : memref<80x128xf32, #tpu.memory_space<vmem>>) dst(%dma_wait3A_462 : memref<80x128xf32, #tpu.memory_space<hbm>>)
        %dma_wait3A_463 = arith.constant 0 : i32
        %dma_wait3A_464 = arith.constant 0 : i32
        %dma_wait3A_465 = tpu.memref_slice %arg9[%dma_wait3A_463, %dma_wait3A_464] : memref<322560x128xf32, #tpu.memory_space<hbm>> -> memref<80x128xf32, #tpu.memory_space<hbm>>
        %dma_wait3A_466 = arith.constant 0 : i32
        %dma_wait3A_467 = arith.constant 0 : i32
        %dma_wait3A_468 = tpu.memref_slice %arg9[%dma_wait3A_466, %dma_wait3A_467] : memref<322560x128xf32, #tpu.memory_space<hbm>> -> memref<80x128xf32, #tpu.memory_space<hbm>>
        tpu.wait_dma2 semaphore(%arg33 : memref<!tpu.dma_semaphore, #tpu.memory_space<semaphore_mem>>) src(%arg20 : memref<80x128xf32, #tpu.memory_space<vmem>>) dst(%dma_wait3A_468 : memref<80x128xf32, #tpu.memory_space<hbm>>)
        %dma_wait3A_469 = arith.constant 0 : i32
        %dma_wait3A_470 = tpu.memref_slice %arg10[%dma_wait3A_469] : memref<322560xf32, #tpu.memory_space<hbm>> -> memref<80xf32, #tpu.memory_space<hbm>>
        %dma_wait3A_471 = arith.constant 0 : i32
        %dma_wait3A_472 = tpu.memref_slice %arg10[%dma_wait3A_471] : memref<322560xf32, #tpu.memory_space<hbm>> -> memref<80xf32, #tpu.memory_space<hbm>>
        tpu.wait_dma2 semaphore(%arg33 : memref<!tpu.dma_semaphore, #tpu.memory_space<semaphore_mem>>) src(%arg23 : memref<80xf32, #tpu.memory_space<vmem>>) dst(%dma_wait3A_472 : memref<80xf32, #tpu.memory_space<hbm>>)
        %dma_wait3A_473 = arith.constant 0 : i32
        %dma_wait3A_474 = tpu.memref_slice %arg11[%dma_wait3A_473] : memref<322560xf32, #tpu.memory_space<hbm>> -> memref<80xf32, #tpu.memory_space<hbm>>
        %dma_wait3A_475 = arith.constant 0 : i32
        %dma_wait3A_476 = tpu.memref_slice %arg11[%dma_wait3A_475] : memref<322560xf32, #tpu.memory_space<hbm>> -> memref<80xf32, #tpu.memory_space<hbm>>
        tpu.wait_dma2 semaphore(%arg33 : memref<!tpu.dma_semaphore, #tpu.memory_space<semaphore_mem>>) src(%arg24 : memref<80xf32, #tpu.memory_space<vmem>>) dst(%dma_wait3A_476 : memref<80xf32, #tpu.memory_space<hbm>>)
        %dma_wait3A_477 = arith.constant 0 : i32
        %dma_wait3A_478 = tpu.memref_slice %arg12[%dma_wait3A_477] : memref<322560xf32, #tpu.memory_space<hbm>> -> memref<80xf32, #tpu.memory_space<hbm>>
        %dma_wait3A_479 = arith.constant 0 : i32
        %dma_wait3A_480 = tpu.memref_slice %arg12[%dma_wait3A_479] : memref<322560xf32, #tpu.memory_space<hbm>> -> memref<80xf32, #tpu.memory_space<hbm>>
        tpu.wait_dma2 semaphore(%arg33 : memref<!tpu.dma_semaphore, #tpu.memory_space<semaphore_mem>>) src(%arg25 : memref<80xf32, #tpu.memory_space<vmem>>) dst(%dma_wait3A_480 : memref<80xf32, #tpu.memory_space<hbm>>)
        %dma_wait3A_481 = arith.constant 0 : i32
        %dma_wait3A_482 = tpu.memref_slice %arg13[%dma_wait3A_481] : memref<322560xf32, #tpu.memory_space<hbm>> -> memref<80xf32, #tpu.memory_space<hbm>>
        %dma_wait3A_483 = arith.constant 0 : i32
        %dma_wait3A_484 = tpu.memref_slice %arg13[%dma_wait3A_483] : memref<322560xf32, #tpu.memory_space<hbm>> -> memref<80xf32, #tpu.memory_space<hbm>>
        tpu.wait_dma2 semaphore(%arg33 : memref<!tpu.dma_semaphore, #tpu.memory_space<semaphore_mem>>) src(%arg26 : memref<80xf32, #tpu.memory_space<vmem>>) dst(%dma_wait3A_484 : memref<80xf32, #tpu.memory_space<hbm>>)
        %add3A_485 = arith.constant 160 : i32
        %add3A_486 = arith.addi %mul3A_76, %add3A_485 : i32
        %dma_start3A_487 = tpu.memref_slice %arg14[%add3A_486] : memref<10080xi32, #tpu.memory_space<vmem>> -> memref<80xi32, #tpu.memory_space<vmem>>
        %dma_start3A_488 = arith.constant 0 : i32
        %dma_start3A_489 = arith.constant 0 : i32
        %dma_start3A_490 = tpu.memref_slice %arg2[%dma_start3A_488, %dma_start3A_489] : memref<10000x128xf32, #tpu.memory_space<hbm>> -> memref<10000x128xf32, #tpu.memory_space<hbm>>
        tpu.enqueue_indirect_dma source(%dma_start3A_490 : memref<10000x128xf32, #tpu.memory_space<hbm>>) target(%arg19 : memref<80x128xf32, #tpu.memory_space<vmem>>) offsets(%dma_start3A_487 : memref<80xi32, #tpu.memory_space<vmem>>) semaphore(%arg31 : memref<!tpu.dma_semaphore, #tpu.memory_space<semaphore_mem>>)
        %dma_start3A_491 = tpu.memref_slice %arg15[%add3A_486] : memref<10080xi32, #tpu.memory_space<vmem>> -> memref<80xi32, #tpu.memory_space<vmem>>
        %dma_start3A_492 = arith.constant 0 : i32
        %dma_start3A_493 = arith.constant 0 : i32
        %dma_start3A_494 = tpu.memref_slice %arg2[%dma_start3A_492, %dma_start3A_493] : memref<10000x128xf32, #tpu.memory_space<hbm>> -> memref<10000x128xf32, #tpu.memory_space<hbm>>
        tpu.enqueue_indirect_dma source(%dma_start3A_494 : memref<10000x128xf32, #tpu.memory_space<hbm>>) target(%arg20 : memref<80x128xf32, #tpu.memory_space<vmem>>) offsets(%dma_start3A_491 : memref<80xi32, #tpu.memory_space<vmem>>) semaphore(%arg31 : memref<!tpu.dma_semaphore, #tpu.memory_space<semaphore_mem>>)
      } else {
      }
      %add3A_435 = arith.addi %mul3A_2, %add3A_78 : i32
      %dma_start3A_436 = arith.constant 0 : i32
      %dma_start3A_437 = tpu.memref_slice %arg8[%add3A_435, %dma_start3A_436] : memref<322560x128xf32, #tpu.memory_space<hbm>> -> memref<80x128xf32, #tpu.memory_space<hbm>>
      %dma_start3A_438 = arith.constant 0 : i32
      %dma_start3A_439 = tpu.memref_slice %arg8[%add3A_435, %dma_start3A_438] : memref<322560x128xf32, #tpu.memory_space<hbm>> -> memref<80x128xf32, #tpu.memory_space<hbm>>
      tpu.enqueue_dma source(%arg21 : memref<80x128xf32, #tpu.memory_space<vmem>>) target(%dma_start3A_439 : memref<80x128xf32, #tpu.memory_space<hbm>>) target_semaphore(%arg34 : memref<!tpu.dma_semaphore, #tpu.memory_space<semaphore_mem>>)
      %add3A_440 = arith.addi %mul3A_2, %add3A_78 : i32
      %dma_start3A_441 = arith.constant 0 : i32
      %dma_start3A_442 = tpu.memref_slice %arg9[%add3A_440, %dma_start3A_441] : memref<322560x128xf32, #tpu.memory_space<hbm>> -> memref<80x128xf32, #tpu.memory_space<hbm>>
      %dma_start3A_443 = arith.constant 0 : i32
      %dma_start3A_444 = tpu.memref_slice %arg9[%add3A_440, %dma_start3A_443] : memref<322560x128xf32, #tpu.memory_space<hbm>> -> memref<80x128xf32, #tpu.memory_space<hbm>>
      tpu.enqueue_dma source(%arg22 : memref<80x128xf32, #tpu.memory_space<vmem>>) target(%dma_start3A_444 : memref<80x128xf32, #tpu.memory_space<hbm>>) target_semaphore(%arg34 : memref<!tpu.dma_semaphore, #tpu.memory_space<semaphore_mem>>)
      %add3A_445 = arith.addi %mul3A_2, %add3A_78 : i32
      %dma_start3A_446 = tpu.memref_slice %arg10[%add3A_445] : memref<322560xf32, #tpu.memory_space<hbm>> -> memref<80xf32, #tpu.memory_space<hbm>>
      %dma_start3A_447 = tpu.memref_slice %arg10[%add3A_445] : memref<322560xf32, #tpu.memory_space<hbm>> -> memref<80xf32, #tpu.memory_space<hbm>>
      tpu.enqueue_dma source(%arg27 : memref<80xf32, #tpu.memory_space<vmem>>) target(%dma_start3A_447 : memref<80xf32, #tpu.memory_space<hbm>>) target_semaphore(%arg34 : memref<!tpu.dma_semaphore, #tpu.memory_space<semaphore_mem>>)
      %add3A_448 = arith.addi %mul3A_2, %add3A_78 : i32
      %dma_start3A_449 = tpu.memref_slice %arg11[%add3A_448] : memref<322560xf32, #tpu.memory_space<hbm>> -> memref<80xf32, #tpu.memory_space<hbm>>
      %dma_start3A_450 = tpu.memref_slice %arg11[%add3A_448] : memref<322560xf32, #tpu.memory_space<hbm>> -> memref<80xf32, #tpu.memory_space<hbm>>
      tpu.enqueue_dma source(%arg28 : memref<80xf32, #tpu.memory_space<vmem>>) target(%dma_start3A_450 : memref<80xf32, #tpu.memory_space<hbm>>) target_semaphore(%arg34 : memref<!tpu.dma_semaphore, #tpu.memory_space<semaphore_mem>>)
      %add3A_451 = arith.addi %mul3A_2, %add3A_78 : i32
      %dma_start3A_452 = tpu.memref_slice %arg12[%add3A_451] : memref<322560xf32, #tpu.memory_space<hbm>> -> memref<80xf32, #tpu.memory_space<hbm>>
      %dma_start3A_453 = tpu.memref_slice %arg12[%add3A_451] : memref<322560xf32, #tpu.memory_space<hbm>> -> memref<80xf32, #tpu.memory_space<hbm>>
      tpu.enqueue_dma source(%arg29 : memref<80xf32, #tpu.memory_space<vmem>>) target(%dma_start3A_453 : memref<80xf32, #tpu.memory_space<hbm>>) target_semaphore(%arg34 : memref<!tpu.dma_semaphore, #tpu.memory_space<semaphore_mem>>)
      %add3A_454 = arith.addi %mul3A_2, %add3A_78 : i32
      %dma_start3A_455 = tpu.memref_slice %arg13[%add3A_454] : memref<322560xf32, #tpu.memory_space<hbm>> -> memref<80xf32, #tpu.memory_space<hbm>>
      %dma_start3A_456 = tpu.memref_slice %arg13[%add3A_454] : memref<322560xf32, #tpu.memory_space<hbm>> -> memref<80xf32, #tpu.memory_space<hbm>>
      tpu.enqueue_dma source(%arg30 : memref<80xf32, #tpu.memory_space<vmem>>) target(%dma_start3A_456 : memref<80xf32, #tpu.memory_space<hbm>>) target_semaphore(%arg34 : memref<!tpu.dma_semaphore, #tpu.memory_space<semaphore_mem>>)
    }
    %scan3A_16 = arith.constant 63 : i32
    %dma_wait3A = arith.constant 0 : i32
    %dma_wait3A_17 = arith.constant 0 : i32
    %dma_wait3A_18 = tpu.memref_slice %arg8[%dma_wait3A, %dma_wait3A_17] : memref<322560x128xf32, #tpu.memory_space<hbm>> -> memref<80x128xf32, #tpu.memory_space<hbm>>
    %dma_wait3A_19 = arith.constant 0 : i32
    %dma_wait3A_20 = arith.constant 0 : i32
    %dma_wait3A_21 = tpu.memref_slice %arg8[%dma_wait3A_19, %dma_wait3A_20] : memref<322560x128xf32, #tpu.memory_space<hbm>> -> memref<80x128xf32, #tpu.memory_space<hbm>>
    tpu.wait_dma2 semaphore(%arg33 : memref<!tpu.dma_semaphore, #tpu.memory_space<semaphore_mem>>) src(%arg19 : memref<80x128xf32, #tpu.memory_space<vmem>>) dst(%dma_wait3A_21 : memref<80x128xf32, #tpu.memory_space<hbm>>)
    %dma_wait3A_22 = arith.constant 0 : i32
    %dma_wait3A_23 = arith.constant 0 : i32
    %dma_wait3A_24 = tpu.memref_slice %arg9[%dma_wait3A_22, %dma_wait3A_23] : memref<322560x128xf32, #tpu.memory_space<hbm>> -> memref<80x128xf32, #tpu.memory_space<hbm>>
    %dma_wait3A_25 = arith.constant 0 : i32
    %dma_wait3A_26 = arith.constant 0 : i32
    %dma_wait3A_27 = tpu.memref_slice %arg9[%dma_wait3A_25, %dma_wait3A_26] : memref<322560x128xf32, #tpu.memory_space<hbm>> -> memref<80x128xf32, #tpu.memory_space<hbm>>
    tpu.wait_dma2 semaphore(%arg33 : memref<!tpu.dma_semaphore, #tpu.memory_space<semaphore_mem>>) src(%arg20 : memref<80x128xf32, #tpu.memory_space<vmem>>) dst(%dma_wait3A_27 : memref<80x128xf32, #tpu.memory_space<hbm>>)
    %dma_wait3A_28 = arith.constant 0 : i32
    %dma_wait3A_29 = tpu.memref_slice %arg10[%dma_wait3A_28] : memref<322560xf32, #tpu.memory_space<hbm>> -> memref<80xf32, #tpu.memory_space<hbm>>
    %dma_wait3A_30 = arith.constant 0 : i32
    %dma_wait3A_31 = tpu.memref_slice %arg10[%dma_wait3A_30] : memref<322560xf32, #tpu.memory_space<hbm>> -> memref<80xf32, #tpu.memory_space<hbm>>
    tpu.wait_dma2 semaphore(%arg33 : memref<!tpu.dma_semaphore, #tpu.memory_space<semaphore_mem>>) src(%arg23 : memref<80xf32, #tpu.memory_space<vmem>>) dst(%dma_wait3A_31 : memref<80xf32, #tpu.memory_space<hbm>>)
    %dma_wait3A_32 = arith.constant 0 : i32
    %dma_wait3A_33 = tpu.memref_slice %arg11[%dma_wait3A_32] : memref<322560xf32, #tpu.memory_space<hbm>> -> memref<80xf32, #tpu.memory_space<hbm>>
    %dma_wait3A_34 = arith.constant 0 : i32
    %dma_wait3A_35 = tpu.memref_slice %arg11[%dma_wait3A_34] : memref<322560xf32, #tpu.memory_space<hbm>> -> memref<80xf32, #tpu.memory_space<hbm>>
    tpu.wait_dma2 semaphore(%arg33 : memref<!tpu.dma_semaphore, #tpu.memory_space<semaphore_mem>>) src(%arg24 : memref<80xf32, #tpu.memory_space<vmem>>) dst(%dma_wait3A_35 : memref<80xf32, #tpu.memory_space<hbm>>)
    %dma_wait3A_36 = arith.constant 0 : i32
    %dma_wait3A_37 = tpu.memref_slice %arg12[%dma_wait3A_36] : memref<322560xf32, #tpu.memory_space<hbm>> -> memref<80xf32, #tpu.memory_space<hbm>>
    %dma_wait3A_38 = arith.constant 0 : i32
    %dma_wait3A_39 = tpu.memref_slice %arg12[%dma_wait3A_38] : memref<322560xf32, #tpu.memory_space<hbm>> -> memref<80xf32, #tpu.memory_space<hbm>>
    tpu.wait_dma2 semaphore(%arg33 : memref<!tpu.dma_semaphore, #tpu.memory_space<semaphore_mem>>) src(%arg25 : memref<80xf32, #tpu.memory_space<vmem>>) dst(%dma_wait3A_39 : memref<80xf32, #tpu.memory_space<hbm>>)
    %dma_wait3A_40 = arith.constant 0 : i32
    %dma_wait3A_41 = tpu.memref_slice %arg13[%dma_wait3A_40] : memref<322560xf32, #tpu.memory_space<hbm>> -> memref<80xf32, #tpu.memory_space<hbm>>
    %dma_wait3A_42 = arith.constant 0 : i32
    %dma_wait3A_43 = tpu.memref_slice %arg13[%dma_wait3A_42] : memref<322560xf32, #tpu.memory_space<hbm>> -> memref<80xf32, #tpu.memory_space<hbm>>
    tpu.wait_dma2 semaphore(%arg33 : memref<!tpu.dma_semaphore, #tpu.memory_space<semaphore_mem>>) src(%arg26 : memref<80xf32, #tpu.memory_space<vmem>>) dst(%dma_wait3A_43 : memref<80xf32, #tpu.memory_space<hbm>>)
    %dma_wait3A_44 = arith.constant 0 : i32
    %dma_wait3A_45 = arith.constant 0 : i32
    %dma_wait3A_46 = tpu.memref_slice %arg8[%dma_wait3A_44, %dma_wait3A_45] : memref<322560x128xf32, #tpu.memory_space<hbm>> -> memref<80x128xf32, #tpu.memory_space<hbm>>
    %dma_wait3A_47 = arith.constant 0 : i32
    %dma_wait3A_48 = arith.constant 0 : i32
    %dma_wait3A_49 = tpu.memref_slice %arg8[%dma_wait3A_47, %dma_wait3A_48] : memref<322560x128xf32, #tpu.memory_space<hbm>> -> memref<80x128xf32, #tpu.memory_space<hbm>>
    tpu.wait_dma2 semaphore(%arg34 : memref<!tpu.dma_semaphore, #tpu.memory_space<semaphore_mem>>) src(%arg21 : memref<80x128xf32, #tpu.memory_space<vmem>>) dst(%dma_wait3A_49 : memref<80x128xf32, #tpu.memory_space<hbm>>)
    %dma_wait3A_50 = arith.constant 0 : i32
    %dma_wait3A_51 = arith.constant 0 : i32
    %dma_wait3A_52 = tpu.memref_slice %arg9[%dma_wait3A_50, %dma_wait3A_51] : memref<322560x128xf32, #tpu.memory_space<hbm>> -> memref<80x128xf32, #tpu.memory_space<hbm>>
    %dma_wait3A_53 = arith.constant 0 : i32
    %dma_wait3A_54 = arith.constant 0 : i32
    %dma_wait3A_55 = tpu.memref_slice %arg9[%dma_wait3A_53, %dma_wait3A_54] : memref<322560x128xf32, #tpu.memory_space<hbm>> -> memref<80x128xf32, #tpu.memory_space<hbm>>
    tpu.wait_dma2 semaphore(%arg34 : memref<!tpu.dma_semaphore, #tpu.memory_space<semaphore_mem>>) src(%arg22 : memref<80x128xf32, #tpu.memory_space<vmem>>) dst(%dma_wait3A_55 : memref<80x128xf32, #tpu.memory_space<hbm>>)
    %dma_wait3A_56 = arith.constant 0 : i32
    %dma_wait3A_57 = tpu.memref_slice %arg10[%dma_wait3A_56] : memref<322560xf32, #tpu.memory_space<hbm>> -> memref<80xf32, #tpu.memory_space<hbm>>
    %dma_wait3A_58 = arith.constant 0 : i32
    %dma_wait3A_59 = tpu.memref_slice %arg10[%dma_wait3A_58] : memref<322560xf32, #tpu.memory_space<hbm>> -> memref<80xf32, #tpu.memory_space<hbm>>
    tpu.wait_dma2 semaphore(%arg34 : memref<!tpu.dma_semaphore, #tpu.memory_space<semaphore_mem>>) src(%arg27 : memref<80xf32, #tpu.memory_space<vmem>>) dst(%dma_wait3A_59 : memref<80xf32, #tpu.memory_space<hbm>>)
    %dma_wait3A_60 = arith.constant 0 : i32
    %dma_wait3A_61 = tpu.memref_slice %arg11[%dma_wait3A_60] : memref<322560xf32, #tpu.memory_space<hbm>> -> memref<80xf32, #tpu.memory_space<hbm>>
    %dma_wait3A_62 = arith.constant 0 : i32
    %dma_wait3A_63 = tpu.memref_slice %arg11[%dma_wait3A_62] : memref<322560xf32, #tpu.memory_space<hbm>> -> memref<80xf32, #tpu.memory_space<hbm>>
    tpu.wait_dma2 semaphore(%arg34 : memref<!tpu.dma_semaphore, #tpu.memory_space<semaphore_mem>>) src(%arg28 : memref<80xf32, #tpu.memory_space<vmem>>) dst(%dma_wait3A_63 : memref<80xf32, #tpu.memory_space<hbm>>)
    %dma_wait3A_64 = arith.constant 0 : i32
    %dma_wait3A_65 = tpu.memref_slice %arg12[%dma_wait3A_64] : memref<322560xf32, #tpu.memory_space<hbm>> -> memref<80xf32, #tpu.memory_space<hbm>>
    %dma_wait3A_66 = arith.constant 0 : i32
    %dma_wait3A_67 = tpu.memref_slice %arg12[%dma_wait3A_66] : memref<322560xf32, #tpu.memory_space<hbm>> -> memref<80xf32, #tpu.memory_space<hbm>>
    tpu.wait_dma2 semaphore(%arg34 : memref<!tpu.dma_semaphore, #tpu.memory_space<semaphore_mem>>) src(%arg29 : memref<80xf32, #tpu.memory_space<vmem>>) dst(%dma_wait3A_67 : memref<80xf32, #tpu.memory_space<hbm>>)
    %dma_wait3A_68 = arith.constant 0 : i32
    %dma_wait3A_69 = tpu.memref_slice %arg13[%dma_wait3A_68] : memref<322560xf32, #tpu.memory_space<hbm>> -> memref<80xf32, #tpu.memory_space<hbm>>
    %dma_wait3A_70 = arith.constant 0 : i32
    %dma_wait3A_71 = tpu.memref_slice %arg13[%dma_wait3A_70] : memref<322560xf32, #tpu.memory_space<hbm>> -> memref<80xf32, #tpu.memory_space<hbm>>
    tpu.wait_dma2 semaphore(%arg34 : memref<!tpu.dma_semaphore, #tpu.memory_space<semaphore_mem>>) src(%arg30 : memref<80xf32, #tpu.memory_space<vmem>>) dst(%dma_wait3A_71 : memref<80xf32, #tpu.memory_space<hbm>>)
    return
  }
}

module attributes {stable_mosaic.version = 14 : i64} {
  func.func @_edge_body(%arg0: i32, %arg1: memref<1024x128xf32, #tpu.memory_space<vmem>>, %arg2: memref<1024x128xf32, #tpu.memory_space<vmem>>, %arg3: memref<8x128xf32, #tpu.memory_space<vmem>>, %arg4: memref<8x128xf32, #tpu.memory_space<vmem>>, %arg5: memref<8x128xf32, #tpu.memory_space<vmem>>, %arg6: memref<8x128xf32, #tpu.memory_space<vmem>>, %arg7: memref<128x512xf32, #tpu.memory_space<vmem>>, %arg8: memref<128x512xf32, #tpu.memory_space<vmem>>, %arg9: memref<1x512xf32, #tpu.memory_space<vmem>>, %arg10: memref<1x512xf32, #tpu.memory_space<vmem>>, %arg11: memref<512x8xf32, #tpu.memory_space<vmem>>, %arg12: memref<1x8xf32, #tpu.memory_space<vmem>>, %arg13: memref<1024x8xf32, #tpu.memory_space<vmem>>, %arg14: memref<8x1024xf32, #tpu.memory_space<vmem>>, %arg15: memref<1024x128xf32, #tpu.memory_space<vmem>>, %arg16: memref<8x128xf32, #tpu.memory_space<vmem>>, %arg17: memref<8x128xf32, #tpu.memory_space<vmem>>, %arg18: memref<8x128xf32, #tpu.memory_space<vmem>>, %arg19: memref<8x128xf32, #tpu.memory_space<vmem>>, %arg20: memref<8x128xf32, #tpu.memory_space<vmem>>, %arg21: memref<8x128xf32, #tpu.memory_space<vmem>>) attributes {dimension_semantics = [#tpu.dimension_semantics<arbitrary>], iteration_bounds = array<i64: 315>, scalar_prefetch = 0 : i64, scratch_operands = 0 : i64, tpu.core_type = #tpu.core_type<tc>, window_params = [{transform_indices = @transform_0, window_bounds = array<i64: 1024, 128>}, {transform_indices = @transform_1, window_bounds = array<i64: 1024, 128>}, {transform_indices = @transform_2, window_bounds = array<i64: 8, 128>}, {transform_indices = @transform_3, window_bounds = array<i64: 8, 128>}, {transform_indices = @transform_4, window_bounds = array<i64: 8, 128>}, {transform_indices = @transform_5, window_bounds = array<i64: 8, 128>}, {pipeline_mode = #tpu.pipeline_mode<synchronous>, transform_indices = @transform_6, window_bounds = array<i64: 128, 512>}, {pipeline_mode = #tpu.pipeline_mode<synchronous>, transform_indices = @transform_7, window_bounds = array<i64: 128, 512>}, {pipeline_mode = #tpu.pipeline_mode<synchronous>, transform_indices = @transform_8, window_bounds = array<i64: 1, 512>}, {pipeline_mode = #tpu.pipeline_mode<synchronous>, transform_indices = @transform_9, window_bounds = array<i64: 1, 512>}, {pipeline_mode = #tpu.pipeline_mode<synchronous>, transform_indices = @transform_10, window_bounds = array<i64: 512, 8>}, {pipeline_mode = #tpu.pipeline_mode<synchronous>, transform_indices = @transform_11, window_bounds = array<i64: 1, 8>}, {pipeline_mode = #tpu.pipeline_mode<synchronous>, transform_indices = @transform_12, window_bounds = array<i64: 1024, 8>}, {pipeline_mode = #tpu.pipeline_mode<synchronous>, transform_indices = @transform_13, window_bounds = array<i64: 8, 1024>}, {pipeline_mode = #tpu.pipeline_mode<synchronous>, transform_indices = @transform_14, window_bounds = array<i64: 1024, 128>}, {transform_indices = @transform_15, window_bounds = array<i64: 8, 128>}, {transform_indices = @transform_16, window_bounds = array<i64: 8, 128>}, {transform_indices = @transform_17, window_bounds = array<i64: 8, 128>}, {transform_indices = @transform_18, window_bounds = array<i64: 8, 128>}, {transform_indices = @transform_19, window_bounds = array<i64: 8, 128>}, {transform_indices = @transform_20, window_bounds = array<i64: 8, 128>}]} {
    %get3A = arith.constant 0 : index
    %get3A_0 = arith.constant 0 : index
    %get3A_1 = vector.load %arg6[%get3A, %get3A_0] : memref<8x128xf32, #tpu.memory_space<vmem>>, vector<8x128xf32>
    %sqrt3A = math.sqrt %get3A_1 : vector<8x128xf32>
    %get3A_2 = arith.constant 0 : index
    %get3A_3 = arith.constant 0 : index
    %get3A_4 = vector.load %arg15[%get3A_2, %get3A_3] : memref<1024x128xf32, #tpu.memory_space<vmem>>, vector<1024x128xf32>
    %get3A_5 = arith.constant 0 : index
    %get3A_6 = arith.constant 0 : index
    %get3A_7 = vector.load %arg13[%get3A_5, %get3A_6] : memref<1024x8xf32, #tpu.memory_space<vmem>>, vector<1024x8xf32>
    %dot_general3A = arith.constant dense<0.000000e+00> : vector<1024x128xf32>
    %dot_general3A_8 = tpu.matmul %get3A_7, %sqrt3A, %dot_general3A {dimension_numbers = #tpu.dot_dimension_numbers<[1], [0], [0], [1], [0, 0, 1, 1], [], []>, transpose_lhs_hint = false} : vector<1024x8xf32>, vector<8x128xf32>, vector<1024x128xf32> -> vector<1024x128xf32>
    %mul3A = arith.mulf %dot_general3A_8, %get3A_4 : vector<1024x128xf32>
    %reduce_sum3A = arith.constant dense<0.000000e+00> : vector<1024xf32>
    %reduce_sum3A_9 = vector.multi_reduction <add>, %mul3A, %reduce_sum3A [1] : vector<1024x128xf32> to vector<1024xf32>
    %broadcast_in_dim3A = vector.shape_cast %reduce_sum3A_9 : vector<1024xf32> to vector<1024x1xf32>
    %get3A_10 = arith.constant 0 : index
    %get3A_11 = arith.constant 0 : index
    %get3A_12 = vector.load %arg1[%get3A_10, %get3A_11] : memref<1024x128xf32, #tpu.memory_space<vmem>>, vector<1024x128xf32>
    %get3A_13 = arith.constant 0 : index
    %get3A_14 = arith.constant 0 : index
    %get3A_15 = vector.load %arg7[%get3A_13, %get3A_14] : memref<128x512xf32, #tpu.memory_space<vmem>>, vector<128x512xf32>
    %dot_general3A_16 = arith.constant dense<0.000000e+00> : vector<1024x512xf32>
    %dot_general3A_17 = tpu.matmul %get3A_12, %get3A_15, %dot_general3A_16 {dimension_numbers = #tpu.dot_dimension_numbers<[1], [0], [0], [1], [0, 0, 1, 1], [], []>, transpose_lhs_hint = false} : vector<1024x128xf32>, vector<128x512xf32>, vector<1024x512xf32> -> vector<1024x512xf32>
    %get3A_18 = arith.constant 0 : index
    %get3A_19 = arith.constant 0 : index
    %get3A_20 = vector.load %arg2[%get3A_18, %get3A_19] : memref<1024x128xf32, #tpu.memory_space<vmem>>, vector<1024x128xf32>
    %get3A_21 = arith.constant 0 : index
    %get3A_22 = arith.constant 0 : index
    %get3A_23 = vector.load %arg8[%get3A_21, %get3A_22] : memref<128x512xf32, #tpu.memory_space<vmem>>, vector<128x512xf32>
    %dot_general3A_24 = arith.constant dense<0.000000e+00> : vector<1024x512xf32>
    %dot_general3A_25 = tpu.matmul %get3A_20, %get3A_23, %dot_general3A_24 {dimension_numbers = #tpu.dot_dimension_numbers<[1], [0], [0], [1], [0, 0, 1, 1], [], []>, transpose_lhs_hint = false} : vector<1024x128xf32>, vector<128x512xf32>, vector<1024x512xf32> -> vector<1024x512xf32>
    %add3A = arith.addf %dot_general3A_17, %dot_general3A_25 : vector<1024x512xf32>
    %get3A_26 = arith.constant 0 : index
    %get3A_27 = arith.constant 0 : index
    %get3A_28 = vector.load %arg9[%get3A_26, %get3A_27] : memref<1x512xf32, #tpu.memory_space<vmem>>, vector<1x512xf32>
    %mul3A_29 = vector.broadcast %broadcast_in_dim3A : vector<1024x1xf32> to vector<1024x512xf32>
    %mul3A_30 = vector.broadcast %get3A_28 : vector<1x512xf32> to vector<1024x512xf32>
    %mul3A_31 = arith.mulf %mul3A_29, %mul3A_30 : vector<1024x512xf32>
    %add3A_32 = arith.addf %add3A, %mul3A_31 : vector<1024x512xf32>
    %get3A_33 = arith.constant 0 : index
    %get3A_34 = arith.constant 0 : index
    %get3A_35 = vector.load %arg10[%get3A_33, %get3A_34] : memref<1x512xf32, #tpu.memory_space<vmem>>, vector<1x512xf32>
    %add3A_36 = vector.broadcast %get3A_35 : vector<1x512xf32> to vector<1024x512xf32>
    %add3A_37 = arith.addf %add3A_32, %add3A_36 : vector<1024x512xf32>
    %logistic3A = arith.negf %add3A_37 : vector<1024x512xf32>
    %logistic3A_38 = math.exp %logistic3A : vector<1024x512xf32>
    %logistic3A_39 = arith.constant 1.000000e+00 : f32
    %logistic3A_40 = vector.broadcast %logistic3A_39 : f32 to vector<1024x512xf32>
    %logistic3A_41 = arith.addf %logistic3A_40, %logistic3A_38 : vector<1024x512xf32>
    %logistic3A_42 = arith.divf %logistic3A_40, %logistic3A_41 : vector<1024x512xf32>
    %mul3A_43 = arith.mulf %add3A_37, %logistic3A_42 : vector<1024x512xf32>
    %get3A_44 = arith.constant 0 : index
    %get3A_45 = arith.constant 0 : index
    %get3A_46 = vector.load %arg11[%get3A_44, %get3A_45] : memref<512x8xf32, #tpu.memory_space<vmem>>, vector<512x8xf32>
    %dot_general3A_47 = arith.constant dense<0.000000e+00> : vector<1024x8xf32>
    %dot_general3A_48 = tpu.matmul %mul3A_43, %get3A_46, %dot_general3A_47 {dimension_numbers = #tpu.dot_dimension_numbers<[1], [0], [0], [1], [0, 0, 1, 1], [], []>, transpose_lhs_hint = false} : vector<1024x512xf32>, vector<512x8xf32>, vector<1024x8xf32> -> vector<1024x8xf32>
    %get3A_49 = arith.constant 0 : index
    %get3A_50 = arith.constant 0 : index
    %get3A_51 = vector.load %arg12[%get3A_49, %get3A_50] : memref<1x8xf32, #tpu.memory_space<vmem>>, vector<1x8xf32>
    %add3A_52 = vector.broadcast %get3A_51 : vector<1x8xf32> to vector<1024x8xf32>
    %add3A_53 = arith.addf %dot_general3A_48, %add3A_52 : vector<1024x8xf32>
    %get3A_54 = arith.constant 0 : index
    %get3A_55 = arith.constant 0 : index
    %get3A_56 = vector.load %arg14[%get3A_54, %get3A_55] : memref<8x1024xf32, #tpu.memory_space<vmem>>, vector<8x1024xf32>
    %slice3A = vector.extract_strided_slice %add3A_53 {offsets = [0, 0], sizes = [1024, 1], strides = [1, 1]} : vector<1024x8xf32> to vector<1024x1xf32>
    %mul3A_57 = vector.broadcast %slice3A : vector<1024x1xf32> to vector<1024x128xf32>
    %mul3A_58 = arith.mulf %mul3A_57, %get3A_4 : vector<1024x128xf32>
    %dot_general3A_59 = arith.constant dense<0.000000e+00> : vector<8x128xf32>
    %dot_general3A_60 = tpu.matmul %get3A_56, %mul3A_58, %dot_general3A_59 {dimension_numbers = #tpu.dot_dimension_numbers<[1], [0], [0], [1], [0, 0, 1, 1], [], []>, transpose_lhs_hint = false} : vector<8x1024xf32>, vector<1024x128xf32>, vector<8x128xf32> -> vector<8x128xf32>
    %get3A_61 = arith.constant 0 : index
    %get3A_62 = arith.constant 0 : index
    %get3A_63 = vector.load %arg14[%get3A_61, %get3A_62] : memref<8x1024xf32, #tpu.memory_space<vmem>>, vector<8x1024xf32>
    %slice3A_64 = vector.extract_strided_slice %add3A_53 {offsets = [0, 1], sizes = [1024, 1], strides = [1, 1]} : vector<1024x8xf32> to vector<1024x1xf32>
    %mul3A_65 = vector.broadcast %slice3A_64 : vector<1024x1xf32> to vector<1024x128xf32>
    %mul3A_66 = arith.mulf %mul3A_65, %get3A_4 : vector<1024x128xf32>
    %dot_general3A_67 = arith.constant dense<0.000000e+00> : vector<8x128xf32>
    %dot_general3A_68 = tpu.matmul %get3A_63, %mul3A_66, %dot_general3A_67 {dimension_numbers = #tpu.dot_dimension_numbers<[1], [0], [0], [1], [0, 0, 1, 1], [], []>, transpose_lhs_hint = false} : vector<8x1024xf32>, vector<1024x128xf32>, vector<8x128xf32> -> vector<8x128xf32>
    %mul3A_69 = arith.constant 0.222222224 : f32
    %mul3A_70 = vector.broadcast %mul3A_69 : f32 to vector<8x128xf32>
    %mul3A_71 = arith.mulf %sqrt3A, %mul3A_70 : vector<8x128xf32>
    %mul3A_72 = arith.mulf %mul3A_71, %mul3A_71 : vector<8x128xf32>
    %mul3A_73 = arith.mulf %mul3A_72, %mul3A_72 : vector<8x128xf32>
    %mul3A_74 = arith.mulf %mul3A_73, %mul3A_71 : vector<8x128xf32>
    %mul3A_75 = arith.constant 2.100000e+01 : f32
    %mul3A_76 = vector.broadcast %mul3A_75 : f32 to vector<8x128xf32>
    %mul3A_77 = arith.mulf %mul3A_76, %mul3A_74 : vector<8x128xf32>
    %sub3A = arith.constant 1.000000e+00 : f32
    %sub3A_78 = vector.broadcast %sub3A : f32 to vector<8x128xf32>
    %sub3A_79 = arith.subf %sub3A_78, %mul3A_77 : vector<8x128xf32>
    %mul3A_80 = arith.constant 3.500000e+01 : f32
    %mul3A_81 = vector.broadcast %mul3A_80 : f32 to vector<8x128xf32>
    %mul3A_82 = arith.mulf %mul3A_81, %mul3A_74 : vector<8x128xf32>
    %mul3A_83 = arith.mulf %mul3A_82, %mul3A_71 : vector<8x128xf32>
    %add3A_84 = arith.addf %sub3A_79, %mul3A_83 : vector<8x128xf32>
    %mul3A_85 = arith.constant 1.500000e+01 : f32
    %mul3A_86 = vector.broadcast %mul3A_85 : f32 to vector<8x128xf32>
    %mul3A_87 = arith.mulf %mul3A_86, %mul3A_74 : vector<8x128xf32>
    %mul3A_88 = arith.mulf %mul3A_87, %mul3A_72 : vector<8x128xf32>
    %sub3A_89 = arith.subf %add3A_84, %mul3A_88 : vector<8x128xf32>
    %add3A_90 = arith.constant 9.99999993E-9 : f32
    %add3A_91 = vector.broadcast %add3A_90 : f32 to vector<8x128xf32>
    %add3A_92 = arith.addf %sqrt3A, %add3A_91 : vector<8x128xf32>
    %div3A = arith.divf %sub3A_89, %add3A_92 : vector<8x128xf32>
    %mul3A_93 = arith.mulf %div3A, %dot_general3A_60 : vector<8x128xf32>
    %mul3A_94 = arith.mulf %div3A, %dot_general3A_68 : vector<8x128xf32>
    %get3A_95 = arith.constant 0 : index
    %get3A_96 = arith.constant 0 : index
    %get3A_97 = vector.load %arg3[%get3A_95, %get3A_96] : memref<8x128xf32, #tpu.memory_space<vmem>>, vector<8x128xf32>
    %get3A_98 = arith.constant 0 : index
    %get3A_99 = arith.constant 0 : index
    %get3A_100 = vector.load %arg4[%get3A_98, %get3A_99] : memref<8x128xf32, #tpu.memory_space<vmem>>, vector<8x128xf32>
    %get3A_101 = arith.constant 0 : index
    %get3A_102 = arith.constant 0 : index
    %get3A_103 = vector.load %arg5[%get3A_101, %get3A_102] : memref<8x128xf32, #tpu.memory_space<vmem>>, vector<8x128xf32>
    %mul3A_104 = arith.mulf %get3A_97, %mul3A_93 : vector<8x128xf32>
    %swap3A = arith.constant 0 : index
    %swap3A_105 = arith.constant 0 : index
    %swap3A_106 = vector.load %arg16[%swap3A, %swap3A_105] : memref<8x128xf32, #tpu.memory_space<vmem>>, vector<8x128xf32>
    tpu.vector_store %arg16[%swap3A, %swap3A_105], %mul3A_104 {strides = array<i32>} : memref<8x128xf32, #tpu.memory_space<vmem>>, vector<8x128xf32>,
    %mul3A_107 = arith.mulf %get3A_100, %mul3A_93 : vector<8x128xf32>
    %swap3A_108 = arith.constant 0 : index
    %swap3A_109 = arith.constant 0 : index
    %swap3A_110 = vector.load %arg17[%swap3A_108, %swap3A_109] : memref<8x128xf32, #tpu.memory_space<vmem>>, vector<8x128xf32>
    tpu.vector_store %arg17[%swap3A_108, %swap3A_109], %mul3A_107 {strides = array<i32>} : memref<8x128xf32, #tpu.memory_space<vmem>>, vector<8x128xf32>,
    %mul3A_111 = arith.mulf %get3A_103, %mul3A_93 : vector<8x128xf32>
    %swap3A_112 = arith.constant 0 : index
    %swap3A_113 = arith.constant 0 : index
    %swap3A_114 = vector.load %arg18[%swap3A_112, %swap3A_113] : memref<8x128xf32, #tpu.memory_space<vmem>>, vector<8x128xf32>
    tpu.vector_store %arg18[%swap3A_112, %swap3A_113], %mul3A_111 {strides = array<i32>} : memref<8x128xf32, #tpu.memory_space<vmem>>, vector<8x128xf32>,
    %mul3A_115 = arith.mulf %get3A_97, %mul3A_94 : vector<8x128xf32>
    %swap3A_116 = arith.constant 0 : index
    %swap3A_117 = arith.constant 0 : index
    %swap3A_118 = vector.load %arg19[%swap3A_116, %swap3A_117] : memref<8x128xf32, #tpu.memory_space<vmem>>, vector<8x128xf32>
    tpu.vector_store %arg19[%swap3A_116, %swap3A_117], %mul3A_115 {strides = array<i32>} : memref<8x128xf32, #tpu.memory_space<vmem>>, vector<8x128xf32>,
    %mul3A_119 = arith.mulf %get3A_100, %mul3A_94 : vector<8x128xf32>
    %swap3A_120 = arith.constant 0 : index
    %swap3A_121 = arith.constant 0 : index
    %swap3A_122 = vector.load %arg20[%swap3A_120, %swap3A_121] : memref<8x128xf32, #tpu.memory_space<vmem>>, vector<8x128xf32>
    tpu.vector_store %arg20[%swap3A_120, %swap3A_121], %mul3A_119 {strides = array<i32>} : memref<8x128xf32, #tpu.memory_space<vmem>>, vector<8x128xf32>,
    %mul3A_123 = arith.mulf %get3A_103, %mul3A_94 : vector<8x128xf32>
    %swap3A_124 = arith.constant 0 : index
    %swap3A_125 = arith.constant 0 : index
    %swap3A_126 = vector.load %arg21[%swap3A_124, %swap3A_125] : memref<8x128xf32, #tpu.memory_space<vmem>>, vector<8x128xf32>
    tpu.vector_store %arg21[%swap3A_124, %swap3A_125], %mul3A_123 {strides = array<i32>} : memref<8x128xf32, #tpu.memory_space<vmem>>, vector<8x128xf32>,
    return
  }
  func.func @transform_0(%arg0: i32) -> (i32, i32) {
    %c0_i32 = arith.constant 0 : i32
    %c0_i32_0 = arith.constant 0 : i32
    return %arg0, %c0_i32 : i32, i32
  }
  func.func @transform_1(%arg0: i32) -> (i32, i32) {
    %c0_i32 = arith.constant 0 : i32
    %c0_i32_0 = arith.constant 0 : i32
    return %arg0, %c0_i32 : i32, i32
  }
  func.func @transform_2(%arg0: i32) -> (i32, i32) {
    %c0_i32 = arith.constant 0 : i32
    %c0_i32_0 = arith.constant 0 : i32
    return %arg0, %c0_i32 : i32, i32
  }
  func.func @transform_3(%arg0: i32) -> (i32, i32) {
    %c0_i32 = arith.constant 0 : i32
    %c0_i32_0 = arith.constant 0 : i32
    return %arg0, %c0_i32 : i32, i32
  }
  func.func @transform_4(%arg0: i32) -> (i32, i32) {
    %c0_i32 = arith.constant 0 : i32
    %c0_i32_0 = arith.constant 0 : i32
    return %arg0, %c0_i32 : i32, i32
  }
  func.func @transform_5(%arg0: i32) -> (i32, i32) {
    %c0_i32 = arith.constant 0 : i32
    %c0_i32_0 = arith.constant 0 : i32
    return %arg0, %c0_i32 : i32, i32
  }
  func.func @transform_6(%arg0: i32) -> (i32, i32) {
    %c0_i32 = arith.constant 0 : i32
    %c0_i32_0 = arith.constant 0 : i32
    %c0_i32_1 = arith.constant 0 : i32
    return %c0_i32, %c0_i32_0 : i32, i32
  }
  func.func @transform_7(%arg0: i32) -> (i32, i32) {
    %c0_i32 = arith.constant 0 : i32
    %c0_i32_0 = arith.constant 0 : i32
    %c0_i32_1 = arith.constant 0 : i32
    return %c0_i32, %c0_i32_0 : i32, i32
  }
  func.func @transform_8(%arg0: i32) -> (i32, i32) {
    %c0_i32 = arith.constant 0 : i32
    %c0_i32_0 = arith.constant 0 : i32
    %c0_i32_1 = arith.constant 0 : i32
    return %c0_i32, %c0_i32_0 : i32, i32
  }
  func.func @transform_9(%arg0: i32) -> (i32, i32) {
    %c0_i32 = arith.constant 0 : i32
    %c0_i32_0 = arith.constant 0 : i32
    %c0_i32_1 = arith.constant 0 : i32
    return %c0_i32, %c0_i32_0 : i32, i32
  }
  func.func @transform_10(%arg0: i32) -> (i32, i32) {
    %c0_i32 = arith.constant 0 : i32
    %c0_i32_0 = arith.constant 0 : i32
    %c0_i32_1 = arith.constant 0 : i32
    return %c0_i32, %c0_i32_0 : i32, i32
  }
  func.func @transform_11(%arg0: i32) -> (i32, i32) {
    %c0_i32 = arith.constant 0 : i32
    %c0_i32_0 = arith.constant 0 : i32
    %c0_i32_1 = arith.constant 0 : i32
    return %c0_i32, %c0_i32_0 : i32, i32
  }
  func.func @transform_12(%arg0: i32) -> (i32, i32) {
    %c0_i32 = arith.constant 0 : i32
    %c0_i32_0 = arith.constant 0 : i32
    %c0_i32_1 = arith.constant 0 : i32
    return %c0_i32, %c0_i32_0 : i32, i32
  }
  func.func @transform_13(%arg0: i32) -> (i32, i32) {
    %c0_i32 = arith.constant 0 : i32
    %c0_i32_0 = arith.constant 0 : i32
    %c0_i32_1 = arith.constant 0 : i32
    return %c0_i32, %c0_i32_0 : i32, i32
  }
  func.func @transform_14(%arg0: i32) -> (i32, i32) {
    %c0_i32 = arith.constant 0 : i32
    %c0_i32_0 = arith.constant 0 : i32
    %c0_i32_1 = arith.constant 0 : i32
    return %c0_i32, %c0_i32_0 : i32, i32
  }
  func.func @transform_15(%arg0: i32) -> (i32, i32) {
    %c0_i32 = arith.constant 0 : i32
    %c0_i32_0 = arith.constant 0 : i32
    return %arg0, %c0_i32 : i32, i32
  }
  func.func @transform_16(%arg0: i32) -> (i32, i32) {
    %c0_i32 = arith.constant 0 : i32
    %c0_i32_0 = arith.constant 0 : i32
    return %arg0, %c0_i32 : i32, i32
  }
  func.func @transform_17(%arg0: i32) -> (i32, i32) {
    %c0_i32 = arith.constant 0 : i32
    %c0_i32_0 = arith.constant 0 : i32
    return %arg0, %c0_i32 : i32, i32
  }
  func.func @transform_18(%arg0: i32) -> (i32, i32) {
    %c0_i32 = arith.constant 0 : i32
    %c0_i32_0 = arith.constant 0 : i32
    return %arg0, %c0_i32 : i32, i32
  }
  func.func @transform_19(%arg0: i32) -> (i32, i32) {
    %c0_i32 = arith.constant 0 : i32
    %c0_i32_0 = arith.constant 0 : i32
    return %arg0, %c0_i32 : i32, i32
  }
  func.func @transform_20(%arg0: i32) -> (i32, i32) {
    %c0_i32 = arith.constant 0 : i32
    %c0_i32_0 = arith.constant 0 : i32
    return %arg0, %c0_i32 : i32, i32
  }
}

module attributes {stable_mosaic.version = 14 : i64} {
  func.func @_final_body(%arg0: memref<10000x8xf32, #tpu.memory_space<vmem>>, %arg1: memref<10000x8xf32, #tpu.memory_space<vmem>>, %arg2: memref<10000x9xf32, #tpu.memory_space<vmem>>) attributes {dimension_semantics = [], scalar_prefetch = 0 : i64, scratch_operands = 0 : i64, tpu.core_type = #tpu.core_type<tc>} {
    %get3A = arith.constant 0 : index
    %get3A_0 = arith.constant 0 : index
    %get3A_1 = vector.load %arg0[%get3A, %get3A_0] : memref<10000x8xf32, #tpu.memory_space<vmem>>, vector<10000x8xf32>
    %get3A_2 = arith.constant 0 : index
    %get3A_3 = arith.constant 0 : index
    %get3A_4 = vector.load %arg1[%get3A_2, %get3A_3] : memref<10000x8xf32, #tpu.memory_space<vmem>>, vector<10000x8xf32>
    %add3A = arith.addf %get3A_1, %get3A_4 : vector<10000x8xf32>
    %slice3A = vector.extract_strided_slice %add3A {offsets = [0, 0], sizes = [10000, 4], strides = [1, 1]} : vector<10000x8xf32> to vector<10000x4xf32>
    %slice3A_5 = vector.extract_strided_slice %add3A {offsets = [0, 4], sizes = [10000, 4], strides = [1, 1]} : vector<10000x8xf32> to vector<10000x4xf32>
    %mul3A = arith.mulf %slice3A, %slice3A : vector<10000x4xf32>
    %slice3A_6 = vector.extract_strided_slice %mul3A {offsets = [0, 0], sizes = [10000, 1], strides = [1, 1]} : vector<10000x4xf32> to vector<10000x1xf32>
    %slice3A_7 = vector.extract_strided_slice %mul3A {offsets = [0, 1], sizes = [10000, 1], strides = [1, 1]} : vector<10000x4xf32> to vector<10000x1xf32>
    %add3A_8 = arith.addf %slice3A_6, %slice3A_7 : vector<10000x1xf32>
    %slice3A_9 = vector.extract_strided_slice %mul3A {offsets = [0, 2], sizes = [10000, 1], strides = [1, 1]} : vector<10000x4xf32> to vector<10000x1xf32>
    %add3A_10 = arith.addf %add3A_8, %slice3A_9 : vector<10000x1xf32>
    %sqrt3A = math.sqrt %add3A_10 : vector<10000x1xf32>
    %add3A_11 = arith.constant 9.99999993E-9 : f32
    %add3A_12 = vector.broadcast %add3A_11 : f32 to vector<10000x1xf32>
    %add3A_13 = arith.addf %sqrt3A, %add3A_12 : vector<10000x1xf32>
    %div3A = vector.broadcast %add3A_13 : vector<10000x1xf32> to vector<10000x4xf32>
    %div3A_14 = arith.divf %slice3A, %div3A : vector<10000x4xf32>
    %mul3A_15 = arith.mulf %div3A_14, %slice3A_5 : vector<10000x4xf32>
    %slice3A_16 = vector.extract_strided_slice %mul3A_15 {offsets = [0, 0], sizes = [10000, 1], strides = [1, 1]} : vector<10000x4xf32> to vector<10000x1xf32>
    %slice3A_17 = vector.extract_strided_slice %mul3A_15 {offsets = [0, 1], sizes = [10000, 1], strides = [1, 1]} : vector<10000x4xf32> to vector<10000x1xf32>
    %add3A_18 = arith.addf %slice3A_16, %slice3A_17 : vector<10000x1xf32>
    %slice3A_19 = vector.extract_strided_slice %mul3A_15 {offsets = [0, 2], sizes = [10000, 1], strides = [1, 1]} : vector<10000x4xf32> to vector<10000x1xf32>
    %add3A_20 = arith.addf %add3A_18, %slice3A_19 : vector<10000x1xf32>
    %mul3A_21 = vector.broadcast %add3A_20 : vector<10000x1xf32> to vector<10000x4xf32>
    %mul3A_22 = arith.mulf %mul3A_21, %div3A_14 : vector<10000x4xf32>
    %sub3A = arith.subf %slice3A_5, %mul3A_22 : vector<10000x4xf32>
    %mul3A_23 = arith.mulf %sub3A, %sub3A : vector<10000x4xf32>
    %slice3A_24 = vector.extract_strided_slice %mul3A_23 {offsets = [0, 0], sizes = [10000, 1], strides = [1, 1]} : vector<10000x4xf32> to vector<10000x1xf32>
    %slice3A_25 = vector.extract_strided_slice %mul3A_23 {offsets = [0, 1], sizes = [10000, 1], strides = [1, 1]} : vector<10000x4xf32> to vector<10000x1xf32>
    %add3A_26 = arith.addf %slice3A_24, %slice3A_25 : vector<10000x1xf32>
    %slice3A_27 = vector.extract_strided_slice %mul3A_23 {offsets = [0, 2], sizes = [10000, 1], strides = [1, 1]} : vector<10000x4xf32> to vector<10000x1xf32>
    %add3A_28 = arith.addf %add3A_26, %slice3A_27 : vector<10000x1xf32>
    %sqrt3A_29 = math.sqrt %add3A_28 : vector<10000x1xf32>
    %add3A_30 = arith.constant 9.99999993E-9 : f32
    %add3A_31 = vector.broadcast %add3A_30 : f32 to vector<10000x1xf32>
    %add3A_32 = arith.addf %sqrt3A_29, %add3A_31 : vector<10000x1xf32>
    %div3A_33 = vector.broadcast %add3A_32 : vector<10000x1xf32> to vector<10000x4xf32>
    %div3A_34 = arith.divf %sub3A, %div3A_33 : vector<10000x4xf32>
    %slice3A_35 = vector.extract_strided_slice %div3A_14 {offsets = [0, 1], sizes = [10000, 1], strides = [1, 1]} : vector<10000x4xf32> to vector<10000x1xf32>
    %slice3A_36 = vector.extract_strided_slice %div3A_34 {offsets = [0, 2], sizes = [10000, 1], strides = [1, 1]} : vector<10000x4xf32> to vector<10000x1xf32>
    %mul3A_37 = arith.mulf %slice3A_35, %slice3A_36 : vector<10000x1xf32>
    %slice3A_38 = vector.extract_strided_slice %div3A_14 {offsets = [0, 2], sizes = [10000, 1], strides = [1, 1]} : vector<10000x4xf32> to vector<10000x1xf32>
    %slice3A_39 = vector.extract_strided_slice %div3A_34 {offsets = [0, 1], sizes = [10000, 1], strides = [1, 1]} : vector<10000x4xf32> to vector<10000x1xf32>
    %mul3A_40 = arith.mulf %slice3A_38, %slice3A_39 : vector<10000x1xf32>
    %sub3A_41 = arith.subf %mul3A_37, %mul3A_40 : vector<10000x1xf32>
    %slice3A_42 = vector.extract_strided_slice %div3A_14 {offsets = [0, 2], sizes = [10000, 1], strides = [1, 1]} : vector<10000x4xf32> to vector<10000x1xf32>
    %slice3A_43 = vector.extract_strided_slice %div3A_34 {offsets = [0, 0], sizes = [10000, 1], strides = [1, 1]} : vector<10000x4xf32> to vector<10000x1xf32>
    %mul3A_44 = arith.mulf %slice3A_42, %slice3A_43 : vector<10000x1xf32>
    %slice3A_45 = vector.extract_strided_slice %div3A_14 {offsets = [0, 0], sizes = [10000, 1], strides = [1, 1]} : vector<10000x4xf32> to vector<10000x1xf32>
    %slice3A_46 = vector.extract_strided_slice %div3A_34 {offsets = [0, 2], sizes = [10000, 1], strides = [1, 1]} : vector<10000x4xf32> to vector<10000x1xf32>
    %mul3A_47 = arith.mulf %slice3A_45, %slice3A_46 : vector<10000x1xf32>
    %sub3A_48 = arith.subf %mul3A_44, %mul3A_47 : vector<10000x1xf32>
    %slice3A_49 = vector.extract_strided_slice %div3A_14 {offsets = [0, 0], sizes = [10000, 1], strides = [1, 1]} : vector<10000x4xf32> to vector<10000x1xf32>
    %slice3A_50 = vector.extract_strided_slice %div3A_34 {offsets = [0, 1], sizes = [10000, 1], strides = [1, 1]} : vector<10000x4xf32> to vector<10000x1xf32>
    %mul3A_51 = arith.mulf %slice3A_49, %slice3A_50 : vector<10000x1xf32>
    %slice3A_52 = vector.extract_strided_slice %div3A_14 {offsets = [0, 1], sizes = [10000, 1], strides = [1, 1]} : vector<10000x4xf32> to vector<10000x1xf32>
    %slice3A_53 = vector.extract_strided_slice %div3A_34 {offsets = [0, 0], sizes = [10000, 1], strides = [1, 1]} : vector<10000x4xf32> to vector<10000x1xf32>
    %mul3A_54 = arith.mulf %slice3A_52, %slice3A_53 : vector<10000x1xf32>
    %sub3A_55 = arith.subf %mul3A_51, %mul3A_54 : vector<10000x1xf32>
    %slice3A_56 = vector.extract_strided_slice %div3A_14 {offsets = [0, 0], sizes = [10000, 3], strides = [1, 1]} : vector<10000x4xf32> to vector<10000x3xf32>
    %slice3A_57 = vector.extract_strided_slice %div3A_34 {offsets = [0, 0], sizes = [10000, 3], strides = [1, 1]} : vector<10000x4xf32> to vector<10000x3xf32>
    %concatenate3A = tpu.concatenate %slice3A_56, %slice3A_57, %sub3A_41, %sub3A_48, %sub3A_55 in 1 : vector<10000x3xf32>, vector<10000x3xf32>, vector<10000x1xf32>, vector<10000x1xf32>, vector<10000x1xf32> -> vector<10000x9xf32>
    %swap3A = arith.constant 0 : index
    %swap3A_58 = arith.constant 0 : index
    %swap3A_59 = vector.load %arg2[%swap3A, %swap3A_58] : memref<10000x9xf32, #tpu.memory_space<vmem>>, vector<10000x9xf32>
    tpu.vector_store %arg2[%swap3A, %swap3A_58], %concatenate3A {strides = array<i32>} : memref<10000x9xf32, #tpu.memory_space<vmem>>, vector<10000x9xf32>,
    return
  }
}

</mosaic_0001>

<sc_bundles>
// kernel: kernel.6.cloned.1.call-start
scs
__scs_entry_jumppad:
0x0: {  	(pc) =	sbr.rel $0x88, $3  }
0x1: {  	(tag) =	ssettag $0x0;
	lr =	simm.s32 $0x1  }
0x2: {  	[smem:$0x3F96] =	sst lr;
	_ =	strace $0xD0000000  }
0x3: {  	_ = 	snop  }
0x4: {  	_ = 	snop  }
0x5: {  	_ = 	snop  }
0x6: {  	_ = 	snop  }
0x7: {  	_ = 	snop  }
__scs_overlays_trampoline_lowered:
0x8: {  	[smem:$0x3FA5] =	sst s0  }
0x9: {  	[smem:$0x3FA6] =	sst s1  }
0xa: {  	[smem:$0x3FA7] =	sst s2  }
0xb: {  	[smem:$0x3FA8] =	sst s3  }
0xc: {  	[smem:$0x3FA9] =	sst s4  }
0xd: {  	[smem:$0x3FAA] =	sst s5  }
0xe: {  	[smem:$0x3FAB] =	sst s6  }
0xf: {  	[smem:$0x3FAC] =	sst s7  }
0x10: {  	[smem:$0x3FAD] =	sst s8  }
0x11: {  	[smem:$0x3FAE] =	sst s9;
	s0 =	simm.s32 @!p0 $0x0  }
0x12: {  	s1 =	sld [smem:$0x3F94];
	s0 =	simm.s32 @p0 $0x1  }
0x13: {  	[smem:$0x3FAF] =	sst s0;
	s0 =	simm.s32 @!p1 $0x0  }
0x14: {  	s2 =	sld [smem:$0x3F93];
	s0 =	simm.s32 @p1 $0x1  }
0x15: {  	[smem:$0x3FB0] =	sst s0;
	s0 =	simm.s32 @!p2 $0x0  }
0x16: {  	s3 =	sld [smem:$0x3FDB];
	s0 =	simm.s32 @p2 $0x1  }
0x17: {  	s4 =	simm.s32 $0x1BF5;
	[smem:$0x3FB2] =	sst s0  }
0x18: {  	s0 =	sld [smem:$0x3F95];
	_ =	swait.ge [sflag:s4], $0x0  }
0x19: {  	s7 =	sld [smem:$0x3F96]  }
0x1a: {  	s8 =	sadd.s32 $0xFFFFE003, lr  }
0x1b: {  	s9 =	sadd.s32 $0xFFFFFEF7, lr;
	s5 =	simm.s32 $0xFFFFFFFF;
	p2 =	slt.u32 s8, $0xFFFFF086  }
0x1c: {  	p1 =	slt.u32 s9, $0xF7A;
	s5 =	simm.s32 @!p2 $0x0  }
0x1d: {  	s5 =	simm.s32 @p1 $0x1;
	p0 =	seq.s32 s7, s2  }
0x1e: {  	s7 =	smul.u32 @!p0 $0xF7A, s2;
	p2 =	seq.s32 @!p0 s5, $0x0  }
0x1f: {  	s9 =	smul.u32 $0xF7A, s1;
	s8 =	simm.s32 @!p0 $0x1BF5;
	p2 =	por !p2, p0  }
0x20: {  	[sflag:s8] =	ssyncset.s32 @!p0 $0xFFFFF086;
	s6 =	sadd.s32 @!p0 s3, s7;
	s7 =	simm.s32 @!p0 $0x108  }
0x21: {  	s3 =	sadd.s32 s3, s9;
	s6 =	sadd.s32 @!p0 $0x88, s6;
	s7 =	simm.s32 @p2 $0x1082  }
0x22: {  	[simem:s7], [sflag:s8] =	dma.local @!p0 [hbm:s6], $0xF7A  }
0x23: {  	s9 =	sor.u32 $0xD0000000, s2;
	s6 =	simm.s32 $0x108;
	_ =	swait.ge @!p0 [sflag:s8], $0x0  }
0x24: {  	s3 =	sadd.s32 $0x88, s3;
	s6 =	simm.s32 @!p1 $0x1082;
	[sflag:s4] =	ssyncset.s32 $0xFFFFF086  }
0x25: {  	[simem:s6], [sflag:s4] =	dma.local [hbm:s3], $0xF7A  }
0x26: {  	[smem:$0x3F96] =	sst s1;
	(tag) =	ssettag s2;
	_ =	strace s9  }
0x27: {  	s1 =	sld [smem:$0x3FA6]  }
0x28: {  	s2 =	sld [smem:$0x3FA7]  }
0x29: {  	s4 =	sld [smem:$0x3FA9]  }
0x2a: {  	p0 =	seq.s32 s5, $0x0;
	s5 =	sld [smem:$0x3FAA]  }
0x2b: {  	s6 =	sld [smem:$0x3FAB]  }
0x2c: {  	s7 =	sld [smem:$0x3FAC]  }
0x2d: {  	s3 =	simm.s32 $0x108;
	s8 =	sld [smem:$0x3FAD]  }
0x2e: {  	s3 =	simm.s32 @!p0 $0x1082;
	s9 =	sld [smem:$0x3FAE]  }
0x2f: {  	lr =	sadd.s32 s0, s3;
	s0 =	sld [smem:$0x3FA5]  }
0x30: {  	s3 =	sld [smem:$0x3FA8]  }
0x31: {  	[smem:$0x3FB1] =	sst s10  }
0x32: {  	s10 =	sld [smem:$0x3FAF];
	_ =	sdelay $0x3  }
0x33: {  	p0 =	seq.s32 s10, $0x1;
	s10 =	sld [smem:$0x3FB1];
	_ =	sdelay $0x3  }
0x34: {  	[smem:$0x3FB1] =	sst s10  }
0x35: {  	s10 =	sld [smem:$0x3FB0];
	_ =	sdelay $0x3  }
0x36: {  	p1 =	seq.s32 s10, $0x1;
	s10 =	sld [smem:$0x3FB1];
	_ =	sdelay $0x3  }
0x37: {  	[smem:$0x3FB1] =	sst s10  }
0x38: {  	s10 =	sld [smem:$0x3FB2]  }
0x39: {  	_ = 	snop;
	(pc) =	sbr.ind lr, $3  }
0x3a: {  	_ = 	snop  }
0x3b: {  	_ = 	snop  }
0x3c: {  	p2 =	seq.s32 s10, $0x1;
	s10 =	sld [smem:$0x3FB1]  }
0x3d: {  	_ =	shalt  }
0x3e: {  	_ =	shalt  }
0x3f: {  	_ =	shalt  }
0x40: {  	_ =	shalt  }
0x41: {  	_ =	shalt  }
0x42: {  	_ =	shalt  }
0x43: {  	_ =	shalt  }
0x44: {  	_ =	shalt  }
0x45: {  	_ =	shalt  }
0x46: {  	_ =	shalt  }
0x47: {  	_ =	shalt  }
0x48: {  	_ =	shalt  }
0x49: {  	_ =	shalt  }
0x4a: {  	_ =	shalt  }
0x4b: {  	_ =	shalt  }
0x4c: {  	_ =	shalt  }
0x4d: {  	_ =	shalt  }
0x4e: {  	_ =	shalt  }
0x4f: {  	_ =	shalt  }
0x50: {  	_ =	shalt  }
0x51: {  	_ =	shalt  }
0x52: {  	_ =	shalt  }
0x53: {  	_ =	shalt  }
0x54: {  	_ =	shalt  }
0x55: {  	_ =	shalt  }
0x56: {  	_ =	shalt  }
0x57: {  	_ =	shalt  }
0x58: {  	_ =	shalt  }
0x59: {  	_ =	shalt  }
0x5a: {  	_ =	shalt  }
0x5b: {  	_ =	shalt  }
0x5c: {  	_ =	shalt  }
0x5d: {  	_ =	shalt  }
0x5e: {  	_ =	shalt  }
0x5f: {  	_ =	shalt  }
0x60: {  	_ =	shalt  }
0x61: {  	_ =	shalt  }
0x62: {  	_ =	shalt  }
0x63: {  	_ =	shalt  }
0x64: {  	_ =	shalt  }
0x65: {  	_ =	shalt  }
0x66: {  	_ =	shalt  }
0x67: {  	_ =	shalt  }
0x68: {  	_ =	shalt  }
0x69: {  	_ =	shalt  }
0x6a: {  	_ =	shalt  }
0x6b: {  	_ =	shalt  }
0x6c: {  	_ =	shalt  }
0x6d: {  	_ =	shalt  }
0x6e: {  	_ =	shalt  }
0x6f: {  	_ =	shalt  }
0x70: {  	_ =	shalt  }
0x71: {  	_ =	shalt  }
0x72: {  	_ =	shalt  }
0x73: {  	_ =	shalt  }
0x74: {  	_ =	shalt  }
0x75: {  	_ =	shalt  }
0x76: {  	_ =	shalt  }
0x77: {  	_ =	shalt  }
0x78: {  	_ =	shalt  }
0x79: {  	_ =	shalt  }
0x7a: {  	_ =	shalt  }
0x7b: {  	_ =	shalt  }
0x7c: {  	_ =	shalt  }
0x7d: {  	_ =	shalt  }
0x7e: {  	_ =	shalt  }
0x7f: {  	_ =	shalt  }
0x80: {  	_ =	shalt  }
0x81: {  	_ =	shalt  }
0x82: {  	_ =	shalt  }
0x83: {  	_ =	shalt  }
0x84: {  	_ =	shalt  }
0x85: {  	_ =	shalt  }
0x86: {  	_ =	shalt  }
0x87: {  	_ =	shalt  }
.Lfunc_end0:
.L_simem_size_0:
called_computation_lowered:
.L_overlay_start_0:
0x88: {  	s2 =	sld [smem:$0x3FD9]  }
0x89: {  	s3 =	sld [smem:$0x3FFE];
	_ =	sdelay $0x1  }
0x8a: {  	s1 =	srdreg.scid  }
0x8b: {  	s0 =	sand.u32 $0x1, s1  }
0x8c: {  	s17 =	sshll.u32 s0, $0xA;
	s2 =	sadd.s32 s3, s2  }
0x8d: {  	s2 =	sadd.s32 s2, s17  }
0x8e: {  	[smem:$0x3FBD] =	sst s2  }
0x8f: {  	_ = 	snop  }
0x90: {  	s2 =	sld [smem:$0x3FC9]  }
0x91: {  	s18 =	sld [smem:$0x3FD0];
	(tm) =	ssettm $0x1  }
0x92: {  	s4 =	sld [smem:$0x3FFB];
	_ =	sdelay $0x3  }
0x93: {  	_ =	strace s4  }
0x94: {  	s4 =	sld [smem:$0x3FFC];
	_ =	sdelay $0x3  }
0x95: {  	_ =	strace s4  }
0x96: {  	s4 =	sld [smem:$0x3FFD];
	_ =	sdelay $0x3  }
0x97: {  	_ =	strace s4  }
0x98: {  	_ =	strace $0x8FFFFFFF  }
0x99: {  	s19 =	sld [smem:$0x3FDB];
	_ =	sdelay $0x1  }
0x9a: {  	s5 =	simm.s32 $_scs_section_size  }
0x9b: {  	s6 =	simm.s32 $_size__tile_overlayer_lowered;
	s7 =	simm.s32 $_tile_overlayer_lowered  }
0x9c: {  	s22 =	simm.s32 $0x1BFF;
	s21 =	sshll.u32 s7, $0x1;
	s4 =	sadd.s32 s5, s19  }
0x9d: {  	s8 =	simm.s32 $0x0;
	s20 =	sshll.u32 s6, $0x1;
	s6 =	sadd.s32 s21, s4  }
0x9e: {  	[timem:s8], [sflag:s22] =	dma.local [hbm:s6], s20  }
0x9f: {  	_ =	swait.ge [sflag:s22], s20  }
0xa0: {  	s5 =	ssub.s32 $0x0, s20;
	[sflag:s22] =	ssyncset.done $0x0  }
0xa1: {  	[sflag:s22] =	ssyncadd.s32 s5;
	_ =	sdelay $0x1  }
0xa2: {  	s23 =	simm.s32 $0x1B8B  }
0xa3: {  	_ =	swait.ge [sflag:s23], $0x1  }
0xa4: {  	[sflag:s23] =	ssyncset.done $0x0  }
0xa5: {  	s25 =	simm.s32 $0x1B8E;
	s24 =	sld [smem:$0x3FFE];
	[sflag:s23] =	ssyncadd.s32 $0xFFFFFFFF  }
0xa6: {  	s26 =	simm.s32 $execute0_lowered;
	[smem:$0x3FD2] =	sst s25  }
0xa7: {  	s6 =	sshll.u32 s26, $0x1;
	_ =	strace $0x80000046;
	[dreg:$0x1] =	wrdreg $0xFFFFFFFF  }
0xa8: {  	s28 =	simm.s32 $_size_execute0_lowered;
	s4 =	sadd.s32 s4, s6;
	[dreg:$0x0] =	wrdreg $0x0  }
0xa9: {  	s6 =	sshll.u32 s28, $0x1;
	[dreg:$0x2] =	wrdreg s4  }
0xaa: {  	[dreg:$0x3] =	wrdreg s6  }
0xab: {  	[dreg:$0x4] =	wrdreg $0xC0  }
0xac: {  	_ =	task [dreg:s8], $0x5FFFF  }
0xad: {  	[dreg:$0x1] =	wrdreg $0xFFFFFFFF  }
0xae: {  	[dreg:$0x0] =	wrdreg $0x60  }
0xaf: {  	[dreg:$0x2] =	wrdreg s2  }
0xb0: {  	[dreg:$0x3] =	wrdreg s24  }
0xb1: {  	[dreg:$0x4] =	wrdreg s18  }
0xb2: {  	[dreg:$0x5] =	wrdreg $0x9  }
0xb3: {  	_ =	task.clear_ibuf [dreg:s8], $0x6FFFF;
	_ =	strace $0x90000046  }
0xb4: {  	s29 =	simm.s32 $0x9;
	_ =	strace $0x80000048  }
0xb5: {  	_ =	swait.ge [sflag:s29], $0x1  }
0xb6: {  	[sflag:s29] =	ssyncadd.s32 $0xFFFFFFFF  }
0xb7: {  	_ =	strace $0x90000048  }
0xb8: {  	_ =	sfence  }
0xb9: {  	s30 =	sld [smem:$0x0];
	_ =	sdelay $0x2  }
0xba: {  	s31 =	sshll.u32 s1, $0xD;
	s1 =	sshrl.u32 s1, $0x2  }
0xbb: {  	s3 =	sand.u32 $0x4000, s31;
	s1 =	sadd.s32 s1, s30  }
0xbc: {  	s0 =	sor.u32 s3, s0;
	s1 =	sshll.u32 s1, $0x11  }
0xbd: {  	s0 =	sor.u32 s1, s0  }
0xbe: {  	s0 =	sadd.s32 $0x8F2B, s0  }
0xbf: {  	[sflag:s0] =	ssyncadd.remote.s32 $0x1  }
0xc0: {  	_ =	sfence.sel $0xFFFF  }
0xc1: {  	[dreg:$0x0] =	wrdreg $0xFFFFFFFF;
	(pc) =	sbr.abs _section_cstart, $3  }
0xc2: {  	[dreg:$0x1] =	wrdreg $0xFFFFFFFF  }
0xc3: {  	_ =	task.clear_ibuf [dreg:s8], $0x2FFFF;
	_ =	strace $0x9FFFFFFF  }
0xc4: {  	(tm) =	ssettm $0x7FFFFFFF  }
0xc5: {  	_ =	shalt  }
tec
execute0_lowered:
.L_overlay_start_1:
0x0: {  	(tag) =	ssettag $0x1  }
0x1: {  	s0 =	srdreg.scid  }
0x2: {  	s3 =	stileid.u32;
	s1 =	rddreg [dreg:$0x0]  }
0x3: {  	s7 =	rddreg [dreg:$0x1];
	s4 =	simm.s32 $0x0;
	s23 =	simm.s32 $0x16580  }
0x4: {  	s24 =	simm.s32 $0x16600;
	s25 =	simm.s32 $0x16680;
	s26 =	simm.s32 $0x16700  }
0x5: {  	s28 =	simm.s32 $0x16780;
	[smem:$0x7FF] =	sst s4;
	s29 =	sadd.s32 $0x2200, s7  }
0x6: {  	s30 =	sadd.s32 $0x1C00, s7;
	_ =	strace $0x80000047;
	[dreg:$0x14] =	wrdreg s29  }
0x7: {  	s0 =	sand.u32 $0x1, s0;
	s8 =	smul.u32 $0x4EC00, s3;
	[dreg:$0x15] =	wrdreg s30  }
0x8: {  	s2 =	sshll.u32 s3, $0x1;
	s9 =	smul.u32 $0x4EC0, s3;
	[dreg:$0xc] =	wrdreg s23  }
0x9: {  	s12 =	sadd.s32 $0x16400, s7;
	s31 =	sadd.s32 $0x20200, s7;
	[dreg:$0xd] =	wrdreg s24  }
0xa: {  	s14 =	sadd.s32 $0x2A000, s7;
	s16 =	sadd.s32 $0x33E00, s7;
	[dreg:$0xe] =	wrdreg s25  }
0xb: {  	s2 =	sor.u32 s0, s2;
	s10 =	smul.u32 $0x2760, s0;
	[dreg:$0xf] =	wrdreg s26  }
0xc: {  	s3 =	ssub.s32 $0x2, s0;
	s0 =	smul.u32 $0x27600, s0;
	[dreg:$0x10] =	wrdreg s28  }
0xd: {  	s29 =	simm.s32 $0x16800;
	s30 =	simm.s32 $0x16880;
	s23 =	simm.s32 $0x2  }
0xe: {  	s24 =	simm.s32 $0x3;
	s25 =	simm.s32 $0x4;
	s26 =	simm.s32 $0x0  }
0xf: {  	s2 =	smul.u32 $0x2760, s2;
	s11 =	sadd.s32 s8, s7;
	[dreg:$0x11] =	wrdreg s29  }
0x10: {  	s15 =	sshrl.u32 s3, $0x1;
	[dreg:$0x12] =	wrdreg s30;
	s9 =	sadd.s32 s10, s9  }
0x11: {  	s15 =	ssub.s32 s3, s15;
	s0 =	sadd.s32 s0, s11;
	s2 =	sshrl.u32 s2, $0x3  }
0x12: {  	s13 =	sadd.s32 $0x50, s9;
	s18 =	sshrl.u32 s9, $0x3;
	s9 =	smax.u32 s15, $0x1  }
0x13: {  	s10 =	sadd.s32 $0x52A100, s0;
	s11 =	sadd.s32 $0x3E100, s0;
	s15 =	simm.s32 $0x7680  }
0x14: {  	s2 =	sadd.s32 s2, s7;
	s13 =	sshrl.u32 s13, $0x3;
	s19 =	sadd.s32 s18, s16  }
0x15: {  	s20 =	sadd.s32 s18, s14;
	s21 =	sadd.s32 s18, s31;
	[dreg:$0x8] =	wrdreg s19  }
0x16: {  	s22 =	sadd.s32 s18, s12;
	s18 =	simm.s32 $0xC580;
	[dreg:$0x9] =	wrdreg s20  }
0x17: {  	s5 =	sadd.s32 s13, s12;
	s6 =	sadd.s32 $0xC600, s2;
	[dreg:$0xa] =	wrdreg s21  }
0x18: {  	s17 =	sadd.s32 s13, s31;
	s8 =	sadd.s32 $0x2800, s2;
	[dreg:$0xb] =	wrdreg s22  }
0x19: {  	s7 =	sadd.s32 s13, s14;
	s12 =	simm.s32 $0x5;
	[dreg:$0x16] =	wrdreg s6  }
0x1a: {  	s14 =	simm.s32 $0x4F00;
	s19 =	simm.s32 $0xED80;
	[dreg:$0x4] =	wrdreg s5  }
0x1b: {  	s20 =	simm.s32 $0x11580;
	s21 =	simm.s32 $0x13D80;
	[dreg:$0x5] =	wrdreg s17  }
0x1c: {  	s31 =	simm.s32 $0x16900;
	s22 =	simm.s32 $0x1;
	[dreg:$0x6] =	wrdreg s7  }
0x1d: {  	s17 =	sadd.s32 s13, s16;
	s13 =	simm.s32 $0x2780;
	[dreg:$0x13] =	wrdreg s31  }
0x1e: {  	s16 =	simm.s32 $0x9E00;
	[dreg:$0x7] =	wrdreg s17;
	s17 =	simm.s32 $0x50  }
.LBB2_1:
0x1f: {  	s0 =	rddreg [dreg:$0x16]  }
0x20: {  	[tilespmem:s4], [sflag:$0x5] =	stream.linear.gather [hbm4b:s0+s4], $0x2760, $0x38;
	[tilespmem:$0x16980] =	vst v63  }
0x21: {  	_ =	swait.ge [sflag:s12], $0x2760  }
0x22: {  	[sflag:s12] =	ssyncset.done $0x0  }
0x23: {  	[sflag:s12] =	ssyncadd.s32 $0xFFFFD8A0  }
0x24: {  	[tilespmem:s13], [sflag:$0x5] =	stream.linear.gather [hbm4b:s8+s4], $0x2760, $0x38;
	[tilespmem:$0x16980] =	vst v63  }
0x25: {  	_ =	swait.ge [sflag:s12], $0x2760  }
0x26: {  	[sflag:s12] =	ssyncset.done $0x0  }
0x27: {  	s5 =	rddreg [dreg:$0x14];
	[sflag:s12] =	ssyncadd.s32 $0xFFFFD8A0  }
0x28: {  	[tilespmem:s14], [sflag:$0x5] =	stream.linear.gather [hbm4b:s5+s4], $0x2780, $0x38;
	[tilespmem:$0x16980] =	vst v63  }
0x29: {  	_ =	swait.ge [sflag:s12], $0x2780  }
0x2a: {  	[sflag:s12] =	ssyncset.done $0x0  }
0x2b: {  	s6 =	rddreg [dreg:$0x15];
	[sflag:s12] =	ssyncadd.s32 $0xFFFFD880  }
0x2c: {  	[tilespmem:s15], [sflag:$0x5] =	stream.linear.gather [hbm4b:s6+s4], $0x2780, $0x38;
	[tilespmem:$0x16980] =	vst v63  }
0x2d: {  	_ =	swait.ge [sflag:s12], $0x2780  }
0x2e: {  	[sflag:s12] =	ssyncset.done $0x0  }
0x2f: {  	[sflag:s12] =	ssyncadd.s32 $0xFFFFD880  }
0x30: {  	s7 =	rddreg [dreg:$0x2]  }
0x31: {  	[tilespmem:s16], [sflag:$0x5] =	stream.linear.gather [hbm4b:s7+s4], $0x2780, $0x38;
	[tilespmem:$0x16980] =	vst v63  }
0x32: {  	_ =	swait.ge [sflag:s12], $0x2780  }
0x33: {  	[sflag:s12] =	ssyncset.done $0x0  }
0x34: {  	s28 =	smov.u32 s11;
	s29 =	smov.u32 s10;
	[sflag:s12] =	ssyncadd.s32 $0xFFFFD880  }
0x35: {  	[tilespmem:s18], [sflag:$0x1] =	stream.indirect.gather [hbm4b:s1+s17], $0x80, s4, s17, $0xb8;
	[tilespmem:$0x16980] =	vst v63  }
0x36: {  	s30 =	simm.s32 $0x0;
	s31 =	simm.s32 $0x0;
	s2 =	simm.s32 $0x0  }
0x37: {  	[tilespmem:s19], [sflag:$0x1] =	stream.indirect.gather [hbm4b:s1+s17], $0x80, s13, s17, $0xb8;
	[tilespmem:$0x16980] =	vst v63  }
.LBB2_2:
0x38: {  	p0 =	seq.s32 s2, $0x0  }
0x39: {  	s3 =	simm.s32 @!p0 $0x4  }
0x3a: {  	_ =	swait.ge @!p0 [sflag:s3], $0x2800  }
0x3b: {  	[sflag:s3] =	ssyncset.done @!p0 $0x0  }
0x3c: {  	[sflag:s3] =	ssyncadd.s32 @!p0 $0xFFFFD800  }
0x3d: {  	_ =	swait.ge @!p0 [sflag:s3], $0x2800  }
0x3e: {  	[sflag:s3] =	ssyncset.done @!p0 $0x0  }
0x3f: {  	[sflag:s3] =	ssyncadd.s32 @!p0 $0xFFFFD800  }
0x40: {  	_ =	swait.ge @!p0 [sflag:s3], $0x50  }
0x41: {  	[sflag:s3] =	ssyncset.done @!p0 $0x0  }
0x42: {  	[sflag:s3] =	ssyncadd.s32 @!p0 $0xFFFFFFB0  }
0x43: {  	_ =	swait.ge @!p0 [sflag:s3], $0x50  }
0x44: {  	[sflag:s3] =	ssyncset.done @!p0 $0x0  }
0x45: {  	[sflag:s3] =	ssyncadd.s32 @!p0 $0xFFFFFFB0  }
0x46: {  	_ =	swait.ge @!p0 [sflag:s3], $0x50  }
0x47: {  	[sflag:s3] =	ssyncset.done @!p0 $0x0  }
0x48: {  	[sflag:s3] =	ssyncadd.s32 @!p0 $0xFFFFFFB0  }
0x49: {  	_ =	swait.ge @!p0 [sflag:s3], $0x50  }
0x4a: {  	s0 =	sshra.s32 s30, $0x2;
	[sflag:s3] =	ssyncset.done @!p0 $0x0  }
0x4b: {  	s6 =	sadd.s32 $0x50, s0;
	[sflag:s3] =	ssyncadd.s32 @!p0 $0xFFFFFFB0  }
0x4c: {  	[tilespmem:s20], [sflag:$0x2] =	stream.indirect.gather [hbm4b:s1+s17], $0x80, s6, s17, $0xb8;
	[tilespmem:$0x16980] =	vst v63  }
0x4d: {  	s7 =	sadd.s32 $0x27D0, s0  }
0x4e: {  	[tilespmem:s21], [sflag:$0x2] =	stream.indirect.gather [hbm4b:s1+s17], $0x80, s7, s17, $0xb8;
	[tilespmem:$0x16980] =	vst v63  }
0x4f: {  	_ =	swait.ge [sflag:s22], $0x2800  }
0x50: {  	[sflag:s22] =	ssyncset.done $0x0  }
0x51: {  	[sflag:s22] =	ssyncadd.s32 $0xFFFFD800  }
0x52: {  	_ =	swait.ge [sflag:s22], $0x2800  }
0x53: {  	[sflag:s22] =	ssyncset.done $0x0  }
0x54: {  	[sflag:s22] =	ssyncadd.s32 $0xFFFFD800  }
0x55: {  	v0 =	vld [tilespmem:s0+$0x0]  }
0x56: {  	v1 =	vld [tilespmem:s0+$0x2780];
	_ =	sdelay $0x6  }
0x57: {  	v2 =	vld.idx.msk [tilespmem:v0+s14+$0x0], $0xffff  }
0x58: {  	v3 =	vld.idx.msk [tilespmem:v1+s14+$0x0], $0xffff  }
0x59: {  	v4 =	vld.idx.msk [tilespmem:v0+s15+$0x0], $0xffff  }
0x5a: {  	v5 =	vld.idx.msk [tilespmem:v1+s15+$0x0], $0xffff  }
0x5b: {  	v0 =	vld.idx.msk [tilespmem:v0+s16+$0x0], $0xffff  }
0x5c: {  	v1 =	vld.idx.msk [tilespmem:v1+s16+$0x0], $0xffff;
	_ =	sdelay $0x2  }
0x5d: {  	v2 =	vsub.f32 v2, v3;
	v12 =	vsub.f32 v4, v5;
	_ =	sdelay $0x1  }
0x5e: {  	v0 =	vsub.f32 v0, v1;
	v13 =	vmul.f32 v2, v2;
	v4 =	vmul.f32 v12, v12;
	_ =	sdelay $0x1  }
0x5f: {  	v14 =	vmul.f32 v0, v0;
	v1 =	vadd.f32 v4, v13  }
0x60: {  	[tilespmem:$0x16580] =	vst v2  }
0x61: {  	[tilespmem:$0x16600] =	vst v12;
	v1 =	vadd.f32 v14, v1  }
0x62: {  	[tilespmem:$0x16680] =	vst v0  }
0x63: {  	[tilespmem:$0x16700] =	vst v1  }
0x64: {  	v0 =	vld [tilespmem:s0+$0x10]  }
0x65: {  	v1 =	vld [tilespmem:s0+$0x2790];
	_ =	sdelay $0x6  }
0x66: {  	v2 =	vld.idx.msk [tilespmem:v0+s14+$0x0], $0xffff  }
0x67: {  	v3 =	vld.idx.msk [tilespmem:v1+s14+$0x0], $0xffff  }
0x68: {  	v15 =	vld.idx.msk [tilespmem:v0+s15+$0x0], $0xffff  }
0x69: {  	v16 =	vld.idx.msk [tilespmem:v1+s15+$0x0], $0xffff  }
0x6a: {  	v0 =	vld.idx.msk [tilespmem:v0+s16+$0x0], $0xffff  }
0x6b: {  	v1 =	vld.idx.msk [tilespmem:v1+s16+$0x0], $0xffff;
	_ =	sdelay $0x2  }
0x6c: {  	v2 =	vsub.f32 v2, v3;
	v17 =	vsub.f32 v15, v16;
	_ =	sdelay $0x1  }
0x6d: {  	v0 =	vsub.f32 v0, v1;
	v18 =	vmul.f32 v2, v2;
	v4 =	vmul.f32 v17, v17;
	_ =	sdelay $0x1  }
0x6e: {  	v19 =	vmul.f32 v0, v0;
	v1 =	vadd.f32 v4, v18  }
0x6f: {  	[tilespmem:$0x16590] =	vst v2  }
0x70: {  	[tilespmem:$0x16610] =	vst v17;
	v1 =	vadd.f32 v19, v1  }
0x71: {  	[tilespmem:$0x16690] =	vst v0  }
0x72: {  	[tilespmem:$0x16710] =	vst v1  }
0x73: {  	v0 =	vld [tilespmem:s0+$0x20]  }
0x74: {  	v1 =	vld [tilespmem:s0+$0x27A0];
	_ =	sdelay $0x6  }
0x75: {  	v2 =	vld.idx.msk [tilespmem:v0+s14+$0x0], $0xffff  }
0x76: {  	v3 =	vld.idx.msk [tilespmem:v1+s14+$0x0], $0xffff  }
0x77: {  	v20 =	vld.idx.msk [tilespmem:v0+s15+$0x0], $0xffff  }
0x78: {  	v21 =	vld.idx.msk [tilespmem:v1+s15+$0x0], $0xffff  }
0x79: {  	v0 =	vld.idx.msk [tilespmem:v0+s16+$0x0], $0xffff  }
0x7a: {  	v1 =	vld.idx.msk [tilespmem:v1+s16+$0x0], $0xffff;
	_ =	sdelay $0x2  }
0x7b: {  	v2 =	vsub.f32 v2, v3;
	v22 =	vsub.f32 v20, v21;
	_ =	sdelay $0x1  }
0x7c: {  	v0 =	vsub.f32 v0, v1;
	v23 =	vmul.f32 v2, v2;
	v4 =	vmul.f32 v22, v22;
	_ =	sdelay $0x1  }
0x7d: {  	v24 =	vmul.f32 v0, v0;
	v1 =	vadd.f32 v4, v23  }
0x7e: {  	[tilespmem:$0x165A0] =	vst v2  }
0x7f: {  	[tilespmem:$0x16620] =	vst v22;
	v1 =	vadd.f32 v24, v1  }
0x80: {  	[tilespmem:$0x166A0] =	vst v0  }
0x81: {  	[tilespmem:$0x16720] =	vst v1  }
0x82: {  	v0 =	vld [tilespmem:s0+$0x30]  }
0x83: {  	v1 =	vld [tilespmem:s0+$0x27B0];
	_ =	sdelay $0x6  }
0x84: {  	v2 =	vld.idx.msk [tilespmem:v0+s14+$0x0], $0xffff  }
0x85: {  	v3 =	vld.idx.msk [tilespmem:v1+s14+$0x0], $0xffff  }
0x86: {  	v25 =	vld.idx.msk [tilespmem:v0+s15+$0x0], $0xffff  }
0x87: {  	v26 =	vld.idx.msk [tilespmem:v1+s15+$0x0], $0xffff  }
0x88: {  	v0 =	vld.idx.msk [tilespmem:v0+s16+$0x0], $0xffff  }
0x89: {  	v1 =	vld.idx.msk [tilespmem:v1+s16+$0x0], $0xffff;
	_ =	sdelay $0x2  }
0x8a: {  	v2 =	vsub.f32 v2, v3;
	v27 =	vsub.f32 v25, v26;
	_ =	sdelay $0x1  }
0x8b: {  	v0 =	vsub.f32 v0, v1;
	v28 =	vmul.f32 v2, v2;
	v4 =	vmul.f32 v27, v27;
	_ =	sdelay $0x1  }
0x8c: {  	v29 =	vmul.f32 v0, v0;
	v1 =	vadd.f32 v4, v28  }
0x8d: {  	[tilespmem:$0x165B0] =	vst v2  }
0x8e: {  	[tilespmem:$0x16630] =	vst v27;
	v1 =	vadd.f32 v29, v1  }
0x8f: {  	[tilespmem:$0x166B0] =	vst v0  }
0x90: {  	[tilespmem:$0x16730] =	vst v1  }
0x91: {  	v0 =	vld [tilespmem:s0+$0x40]  }
0x92: {  	v1 =	vld [tilespmem:s0+$0x27C0];
	_ =	sdelay $0x6  }
0x93: {  	v2 =	vld.idx.msk [tilespmem:v0+s14+$0x0], $0xffff  }
0x94: {  	v3 =	vld.idx.msk [tilespmem:v1+s14+$0x0], $0xffff  }
0x95: {  	v30 =	vld.idx.msk [tilespmem:v0+s15+$0x0], $0xffff  }
0x96: {  	v31 =	vld.idx.msk [tilespmem:v1+s15+$0x0], $0xffff  }
0x97: {  	v0 =	vld.idx.msk [tilespmem:v0+s16+$0x0], $0xffff  }
0x98: {  	v1 =	vld.idx.msk [tilespmem:v1+s16+$0x0], $0xffff;
	_ =	sdelay $0x2  }
0x99: {  	v2 =	vsub.f32 v2, v3;
	v32 =	vsub.f32 v30, v31;
	_ =	sdelay $0x1  }
0x9a: {  	v0 =	vsub.f32 v0, v1;
	v33 =	vmul.f32 v2, v2;
	v4 =	vmul.f32 v32, v32;
	_ =	sdelay $0x1  }
0x9b: {  	v34 =	vmul.f32 v0, v0;
	v1 =	vadd.f32 v4, v33  }
0x9c: {  	[tilespmem:$0x165C0] =	vst v2  }
0x9d: {  	[tilespmem:$0x16640] =	vst v32;
	v1 =	vadd.f32 v34, v1  }
0x9e: {  	s7 =	rddreg [dreg:$0xb];
	[tilespmem:$0x166C0] =	vst v0  }
0x9f: {  	s5 =	sadd.s32 $0xFFFFFB00, s28;
	s3 =	sadd.s32 s2, s7;
	s7 =	rddreg [dreg:$0xd];
	[tilespmem:$0x16740] =	vst v1  }
0xa0: {  	[hbm4b:s5+s4] =	stream.linear.scatter [tilespmem:s18], [sflag:$0x3], $0x2800, $0x38;
	[tilespmem:$0x16980] =	vst v63  }
0xa1: {  	s6 =	sadd.s32 $0xFFFFFB00, s29;
	s5 =	rddreg [dreg:$0xc]  }
0xa2: {  	[hbm4b:s6+s4] =	stream.linear.scatter [tilespmem:s19], [sflag:$0x3], $0x2800, $0x38;
	[tilespmem:$0x16980] =	vst v63  }
0xa3: {  	s6 =	rddreg [dreg:$0xa]  }
0xa4: {  	[hbm4b:s3+s4] =	stream.linear.scatter [tilespmem:s5], [sflag:$0x3], $0x50, $0x38;
	[tilespmem:$0x16980] =	vst v63  }
0xa5: {  	s6 =	sadd.s32 s2, s6;
	s5 =	rddreg [dreg:$0xe]  }
0xa6: {  	[hbm4b:s6+s4] =	stream.linear.scatter [tilespmem:s7], [sflag:$0x3], $0x50, $0x38;
	[tilespmem:$0x16980] =	vst v63  }
0xa7: {  	s7 =	rddreg [dreg:$0x9]  }
0xa8: {  	s6 =	rddreg [dreg:$0x8];
	s3 =	sadd.s32 s2, s7  }
0xa9: {  	[hbm4b:s3+s4] =	stream.linear.scatter [tilespmem:s5], [sflag:$0x3], $0x50, $0x38;
	[tilespmem:$0x16980] =	vst v63  }
0xaa: {  	s7 =	rddreg [dreg:$0xf];
	s6 =	sadd.s32 s2, s6  }
0xab: {  	[hbm4b:s6+s4] =	stream.linear.scatter [tilespmem:s7], [sflag:$0x3], $0x50, $0x38;
	[tilespmem:$0x16980] =	vst v63  }
0xac: {  	_ =	swait.ge [sflag:s23], $0x2800  }
0xad: {  	[sflag:s23] =	ssyncset.done $0x0  }
0xae: {  	[sflag:s23] =	ssyncadd.s32 $0xFFFFD800  }
0xaf: {  	_ =	swait.ge [sflag:s23], $0x2800  }
0xb0: {  	[sflag:s23] =	ssyncset.done $0x0  }
0xb1: {  	[sflag:s23] =	ssyncadd.s32 $0xFFFFD800  }
0xb2: {  	v35 =	vld [tilespmem:s0+$0x50]  }
0xb3: {  	v36 =	vld [tilespmem:s0+$0x27D0];
	_ =	sdelay $0x6  }
0xb4: {  	v37 =	vld.idx.msk [tilespmem:v35+s14+$0x0], $0xffff  }
0xb5: {  	v38 =	vld.idx.msk [tilespmem:v36+s14+$0x0], $0xffff  }
0xb6: {  	v39 =	vld.idx.msk [tilespmem:v35+s15+$0x0], $0xffff  }
0xb7: {  	v40 =	vld.idx.msk [tilespmem:v36+s15+$0x0], $0xffff  }
0xb8: {  	v0 =	vld.idx.msk [tilespmem:v35+s16+$0x0], $0xffff  }
0xb9: {  	v1 =	vld.idx.msk [tilespmem:v36+s16+$0x0], $0xffff;
	_ =	sdelay $0x2  }
0xba: {  	v2 =	vsub.f32 v37, v38;
	v41 =	vsub.f32 v39, v40;
	_ =	sdelay $0x1  }
0xbb: {  	v0 =	vsub.f32 v0, v1;
	v42 =	vmul.f32 v2, v2;
	v4 =	vmul.f32 v41, v41;
	_ =	sdelay $0x1  }
0xbc: {  	v43 =	vmul.f32 v0, v0;
	v1 =	vadd.f32 v4, v42  }
0xbd: {  	[tilespmem:$0x16780] =	vst v2  }
0xbe: {  	[tilespmem:$0x16800] =	vst v41;
	v1 =	vadd.f32 v43, v1  }
0xbf: {  	[tilespmem:$0x16880] =	vst v0  }
0xc0: {  	[tilespmem:$0x16900] =	vst v1  }
0xc1: {  	v0 =	vld [tilespmem:s0+$0x60]  }
0xc2: {  	v1 =	vld [tilespmem:s0+$0x27E0];
	_ =	sdelay $0x6  }
0xc3: {  	v2 =	vld.idx.msk [tilespmem:v0+s14+$0x0], $0xffff  }
0xc4: {  	v3 =	vld.idx.msk [tilespmem:v1+s14+$0x0], $0xffff  }
0xc5: {  	v44 =	vld.idx.msk [tilespmem:v0+s15+$0x0], $0xffff  }
0xc6: {  	v45 =	vld.idx.msk [tilespmem:v1+s15+$0x0], $0xffff  }
0xc7: {  	v0 =	vld.idx.msk [tilespmem:v0+s16+$0x0], $0xffff  }
0xc8: {  	v1 =	vld.idx.msk [tilespmem:v1+s16+$0x0], $0xffff;
	_ =	sdelay $0x2  }
0xc9: {  	v2 =	vsub.f32 v2, v3;
	v46 =	vsub.f32 v44, v45;
	_ =	sdelay $0x1  }
0xca: {  	v0 =	vsub.f32 v0, v1;
	v47 =	vmul.f32 v2, v2;
	v4 =	vmul.f32 v46, v46;
	_ =	sdelay $0x1  }
0xcb: {  	v48 =	vmul.f32 v0, v0;
	v1 =	vadd.f32 v4, v47  }
0xcc: {  	[tilespmem:$0x16790] =	vst v2  }
0xcd: {  	[tilespmem:$0x16810] =	vst v46;
	v1 =	vadd.f32 v48, v1  }
0xce: {  	[tilespmem:$0x16890] =	vst v0  }
0xcf: {  	[tilespmem:$0x16910] =	vst v1  }
0xd0: {  	v0 =	vld [tilespmem:s0+$0x70]  }
0xd1: {  	v1 =	vld [tilespmem:s0+$0x27F0];
	_ =	sdelay $0x6  }
0xd2: {  	v2 =	vld.idx.msk [tilespmem:v0+s14+$0x0], $0xffff  }
0xd3: {  	v3 =	vld.idx.msk [tilespmem:v1+s14+$0x0], $0xffff  }
0xd4: {  	v49 =	vld.idx.msk [tilespmem:v0+s15+$0x0], $0xffff  }
0xd5: {  	v50 =	vld.idx.msk [tilespmem:v1+s15+$0x0], $0xffff  }
0xd6: {  	v0 =	vld.idx.msk [tilespmem:v0+s16+$0x0], $0xffff  }
0xd7: {  	v1 =	vld.idx.msk [tilespmem:v1+s16+$0x0], $0xffff;
	_ =	sdelay $0x2  }
0xd8: {  	v2 =	vsub.f32 v2, v3;
	v51 =	vsub.f32 v49, v50;
	_ =	sdelay $0x1  }
0xd9: {  	v0 =	vsub.f32 v0, v1;
	v52 =	vmul.f32 v2, v2;
	v4 =	vmul.f32 v51, v51;
	_ =	sdelay $0x1  }
0xda: {  	v53 =	vmul.f32 v0, v0;
	v1 =	vadd.f32 v4, v52  }
0xdb: {  	[tilespmem:$0x167A0] =	vst v2  }
0xdc: {  	[tilespmem:$0x16820] =	vst v51;
	v1 =	vadd.f32 v53, v1  }
0xdd: {  	[tilespmem:$0x168A0] =	vst v0  }
0xde: {  	s7 =	sand.u32 $0x3FE0, s31;
	[tilespmem:$0x16920] =	vst v1  }
0xdf: {  	v0 =	vld [tilespmem:s7+$0x80]  }
0xe0: {  	v1 =	vld [tilespmem:s7+$0x2800];
	_ =	sdelay $0x6  }
0xe1: {  	v2 =	vld.idx.msk [tilespmem:v0+s14+$0x0], $0xffff  }
0xe2: {  	v3 =	vld.idx.msk [tilespmem:v1+s14+$0x0], $0xffff  }
0xe3: {  	v54 =	vld.idx.msk [tilespmem:v0+s15+$0x0], $0xffff  }
0xe4: {  	v55 =	vld.idx.msk [tilespmem:v1+s15+$0x0], $0xffff  }
0xe5: {  	v0 =	vld.idx.msk [tilespmem:v0+s16+$0x0], $0xffff  }
0xe6: {  	v1 =	vld.idx.msk [tilespmem:v1+s16+$0x0], $0xffff;
	_ =	sdelay $0x2  }
0xe7: {  	v2 =	vsub.f32 v2, v3;
	v56 =	vsub.f32 v54, v55;
	_ =	sdelay $0x1  }
0xe8: {  	v0 =	vsub.f32 v0, v1;
	v57 =	vmul.f32 v2, v2;
	v4 =	vmul.f32 v56, v56;
	_ =	sdelay $0x1  }
0xe9: {  	v58 =	vmul.f32 v0, v0;
	v1 =	vadd.f32 v4, v57  }
0xea: {  	[tilespmem:$0x167B0] =	vst v2  }
0xeb: {  	[tilespmem:$0x16830] =	vst v56;
	v1 =	vadd.f32 v58, v1  }
0xec: {  	[tilespmem:$0x168B0] =	vst v0  }
0xed: {  	[tilespmem:$0x16930] =	vst v1  }
0xee: {  	v0 =	vld [tilespmem:s0+$0x90]  }
0xef: {  	v1 =	vld [tilespmem:s0+$0x2810];
	_ =	sdelay $0x6  }
0xf0: {  	v2 =	vld.idx.msk [tilespmem:v0+s14+$0x0], $0xffff  }
0xf1: {  	v3 =	vld.idx.msk [tilespmem:v1+s14+$0x0], $0xffff  }
0xf2: {  	v59 =	vld.idx.msk [tilespmem:v0+s15+$0x0], $0xffff  }
0xf3: {  	v60 =	vld.idx.msk [tilespmem:v1+s15+$0x0], $0xffff  }
0xf4: {  	v0 =	vld.idx.msk [tilespmem:v0+s16+$0x0], $0xffff  }
0xf5: {  	v1 =	vld.idx.msk [tilespmem:v1+s16+$0x0], $0xffff;
	_ =	sdelay $0x2  }
0xf6: {  	v2 =	vsub.f32 v2, v3;
	v61 =	vsub.f32 v59, v60;
	_ =	sdelay $0x1  }
0xf7: {  	v0 =	vsub.f32 v0, v1;
	v62 =	vmul.f32 v2, v2;
	v4 =	vmul.f32 v61, v61;
	_ =	sdelay $0x1  }
0xf8: {  	v63 =	vmul.f32 v0, v0;
	v1 =	vadd.f32 v4, v62  }
0xf9: {  	[tilespmem:$0x167C0] =	vst v2  }
0xfa: {  	[tilespmem:$0x16840] =	vst v61;
	v1 =	vadd.f32 v63, v1  }
0xfb: {  	p0 =	seq.s32 s2, $0x4D8;
	[tilespmem:$0x168C0] =	vst v0  }
0xfc: {  	s0 =	simm.s32 @!p0 $0x3;
	[tilespmem:$0x16940] =	vst v1  }
0xfd: {  	_ =	swait.ge @!p0 [sflag:s0], $0x2800  }
0xfe: {  	[sflag:s0] =	ssyncset.done @!p0 $0x0  }
0xff: {  	[sflag:s0] =	ssyncadd.s32 @!p0 $0xFFFFD800  }
0x100: {  	_ =	swait.ge @!p0 [sflag:s0], $0x2800  }
0x101: {  	[sflag:s0] =	ssyncset.done @!p0 $0x0  }
0x102: {  	[sflag:s0] =	ssyncadd.s32 @!p0 $0xFFFFD800  }
0x103: {  	_ =	swait.ge @!p0 [sflag:s0], $0x50  }
0x104: {  	[sflag:s0] =	ssyncset.done @!p0 $0x0  }
0x105: {  	[sflag:s0] =	ssyncadd.s32 @!p0 $0xFFFFFFB0  }
0x106: {  	_ =	swait.ge @!p0 [sflag:s0], $0x50  }
0x107: {  	[sflag:s0] =	ssyncset.done @!p0 $0x0  }
0x108: {  	[sflag:s0] =	ssyncadd.s32 @!p0 $0xFFFFFFB0  }
0x109: {  	_ =	swait.ge @!p0 [sflag:s0], $0x50  }
0x10a: {  	[sflag:s0] =	ssyncset.done @!p0 $0x0  }
0x10b: {  	[sflag:s0] =	ssyncadd.s32 @!p0 $0xFFFFFFB0  }
0x10c: {  	_ =	swait.ge @!p0 [sflag:s0], $0x50  }
0x10d: {  	[sflag:s0] =	ssyncset.done @!p0 $0x0  }
0x10e: {  	[sflag:s0] =	ssyncadd.s32 @!p0 $0xFFFFFFB0;
	s0 =	sshra.s32 @!p0 s30, $0x2  }
0x10f: {  	s5 =	simm.s32 @!p0 $0x50;
	s6 =	simm.s32 @!p0 $0xC580;
	s3 =	sadd.s32 @!p0 $0xA0, s0  }
0x110: {  	[tilespmem:s6], [sflag:$0x1] =	stream.indirect.gather @!p0 [hbm4b:s1+s5], $0x80, s3, s5, $0xb8;
	[tilespmem:$0x16980] =	vst v63  }
0x111: {  	s7 =	rddreg [dreg:$0x5];
	s0 =	sadd.s32 @!p0 $0x2820, s0;
	s3 =	simm.s32 @!p0 $0xED80  }
0x112: {  	[tilespmem:s3], [sflag:$0x1] =	stream.indirect.gather @!p0 [hbm4b:s1+s5], $0x80, s0, s5, $0xb8;
	[tilespmem:$0x16980] =	vst v63  }
0x113: {  	s6 =	rddreg [dreg:$0x11]  }
0x114: {  	[hbm4b:s28+s4] =	stream.linear.scatter [tilespmem:s20], [sflag:$0x4], $0x2800, $0x38;
	[tilespmem:$0x16980] =	vst v63  }
0x115: {  	s3 =	rddreg [dreg:$0x4]  }
0x116: {  	[hbm4b:s29+s4] =	stream.linear.scatter [tilespmem:s21], [sflag:$0x4], $0x2800, $0x38;
	[tilespmem:$0x16980] =	vst v63  }
0x117: {  	s5 =	rddreg [dreg:$0x10];
	s0 =	sadd.s32 s2, s3  }
0x118: {  	[hbm4b:s0+s4] =	stream.linear.scatter [tilespmem:s5], [sflag:$0x4], $0x50, $0x38;
	[tilespmem:$0x16980] =	vst v63  }
0x119: {  	s7 =	sadd.s32 s2, s7;
	s3 =	rddreg [dreg:$0x6]  }
0x11a: {  	[hbm4b:s7+s4] =	stream.linear.scatter [tilespmem:s6], [sflag:$0x4], $0x50, $0x38;
	[tilespmem:$0x16980] =	vst v63  }
0x11b: {  	s7 =	rddreg [dreg:$0x7]  }
0x11c: {  	s0 =	sadd.s32 s2, s3;
	s7 =	sadd.s32 s2, s7;
	s2 =	sadd.s32 $0x14, s2  }
0x11d: {  	p0 =	sne.s32 s2, $0x4EC  }
.Ltmp0:
0x11e: {  	_ = 	snop;
	(pc) =	sbr.rel @p0 .LBB2_2-.Ltmp0, $4  }
0x11f: {  	s31 =	sadd.s32 $0xA0, s31;
	s30 =	sadd.s32 $0x280, s30;
	s5 =	rddreg [dreg:$0x12]  }
0x120: {  	[hbm4b:s0+s4] =	stream.linear.scatter [tilespmem:s5], [sflag:$0x4], $0x50, $0x38;
	[tilespmem:$0x16980] =	vst v63  }
0x121: {  	s28 =	sadd.s32 $0xA00, s28;
	s29 =	sadd.s32 $0xA00, s29;
	s6 =	rddreg [dreg:$0x13]  }
0x122: {  	[hbm4b:s7+s4] =	stream.linear.scatter [tilespmem:s6], [sflag:$0x4], $0x50, $0x38;
	[tilespmem:$0x16980] =	vst v63  }
0x123: {  	_ =	swait.ge [sflag:s24], $0x2800  }
0x124: {  	[sflag:s24] =	ssyncset.done $0x0  }
0x125: {  	[sflag:s24] =	ssyncadd.s32 $0xFFFFD800  }
0x126: {  	_ =	swait.ge [sflag:s24], $0x2800  }
0x127: {  	[sflag:s24] =	ssyncset.done $0x0  }
0x128: {  	[sflag:s24] =	ssyncadd.s32 $0xFFFFD800  }
0x129: {  	_ =	swait.ge [sflag:s24], $0x50  }
0x12a: {  	[sflag:s24] =	ssyncset.done $0x0  }
0x12b: {  	[sflag:s24] =	ssyncadd.s32 $0xFFFFFFB0  }
0x12c: {  	_ =	swait.ge [sflag:s24], $0x50  }
0x12d: {  	[sflag:s24] =	ssyncset.done $0x0  }
0x12e: {  	[sflag:s24] =	ssyncadd.s32 $0xFFFFFFB0  }
0x12f: {  	_ =	swait.ge [sflag:s24], $0x50  }
0x130: {  	[sflag:s24] =	ssyncset.done $0x0  }
0x131: {  	[sflag:s24] =	ssyncadd.s32 $0xFFFFFFB0  }
0x132: {  	_ =	swait.ge [sflag:s24], $0x50  }
0x133: {  	[sflag:s24] =	ssyncset.done $0x0  }
0x134: {  	[sflag:s24] =	ssyncadd.s32 $0xFFFFFFB0  }
0x135: {  	_ =	swait.ge [sflag:s25], $0x2800  }
0x136: {  	[sflag:s25] =	ssyncset.done $0x0  }
0x137: {  	[sflag:s25] =	ssyncadd.s32 $0xFFFFD800  }
0x138: {  	_ =	swait.ge [sflag:s25], $0x2800  }
0x139: {  	[sflag:s25] =	ssyncset.done $0x0  }
0x13a: {  	[sflag:s25] =	ssyncadd.s32 $0xFFFFD800  }
0x13b: {  	_ =	swait.ge [sflag:s25], $0x50  }
0x13c: {  	[sflag:s25] =	ssyncset.done $0x0  }
0x13d: {  	[sflag:s25] =	ssyncadd.s32 $0xFFFFFFB0  }
0x13e: {  	_ =	swait.ge [sflag:s25], $0x50  }
0x13f: {  	[sflag:s25] =	ssyncset.done $0x0  }
0x140: {  	s26 =	sadd.s32 $0x1, s26;
	[sflag:s25] =	ssyncadd.s32 $0xFFFFFFB0  }
0x141: {  	p0 =	sne.s32 s26, s9;
	_ =	swait.ge [sflag:s25], $0x50  }
.Ltmp1:
0x142: {  	[sflag:s25] =	ssyncset.done $0x0;
	(pc) =	sbr.rel @p0 .LBB2_1-.Ltmp1, $4  }
0x143: {  	[sflag:s25] =	ssyncadd.s32 $0xFFFFFFB0  }
0x144: {  	_ =	swait.ge [sflag:s25], $0x50  }
0x145: {  	[sflag:s25] =	ssyncset.done $0x0  }
0x146: {  	[sflag:s25] =	ssyncadd.s32 $0xFFFFFFB0  }
0x147: {  	_ =	sfence.sel $0x180000  }
0x148: {  	[bflag:$0x0] =	sbarrier.arrive $0xFFFF  }
0x149: {  	_ =	strace $0x90000047  }
0x14a: {  	s0 =	stileid.u32;
	[bflag:$0x2] =	sbarrier.arrive $0xFFFF  }
0x14b: {  	p0 =	sne.s32 s0, $0x0;
	s0 =	rddreg [dreg:$0x3]  }
0x14c: {  	s0 =	sadd.s32 @!p0 $0x100000, s0  }
0x14d: {  	[sflag:s0] =	ssyncadd.tile.s32 @!p0 $0x1;
	_ =	shalt  }
.Lfunc_end2:
_tile_overlayer_lowered:
.L_overlay_start_2:
0x14e: {  	(tag) =	ssettag $0x2  }
0x14f: {  	s0 =	rddreg [dreg:$0x0];
	s2 =	stileid.u32  }
0x150: {  	s1 =	rddreg [dreg:$0x1];
	p0 =	sne.s32 s2, $0x0  }
0x151: {  	s3 =	rddreg [dreg:$0x2];
	[bflag:$0x3] =	sbarrier.arrive $0xFFFF;
	s2 =	simm.s32 @!p0 $0x1C05  }
0x152: {  	[timem:s3], [sflag:s2] =	dma.local @!p0 [hbm:s0], s1  }
0x153: {  	s0 =	simm.s32 @!p0 $0x5  }
0x154: {  	_ =	swait.ge @!p0 [sflag:s0], s1  }
0x155: {  	s1 =	ssub.s32 @!p0 $0x0, s1;
	[sflag:s0] =	ssyncset.done @!p0 $0x0  }
0x156: {  	[sflag:s0] =	ssyncadd.s32 @!p0 s1  }
0x157: {  	[bflag:$0x3] =	sbarrier.arrive $0xFFFF  }
0x158: {  	_ =	shalt  }

// kernel: kernel.9.cloned.1.call-start
scs
__scs_entry_jumppad:
0x0: {  	(pc) =	sbr.rel $0x88, $3  }
0x1: {  	(tag) =	ssettag $0x0;
	lr =	simm.s32 $0x1  }
0x2: {  	[smem:$0x3F96] =	sst lr;
	_ =	strace $0xD0000000  }
0x3: {  	_ = 	snop  }
0x4: {  	_ = 	snop  }
0x5: {  	_ = 	snop  }
0x6: {  	_ = 	snop  }
0x7: {  	_ = 	snop  }
__scs_overlays_trampoline_lowered:
0x8: {  	[smem:$0x3FA5] =	sst s0  }
0x9: {  	[smem:$0x3FA6] =	sst s1  }
0xa: {  	[smem:$0x3FA7] =	sst s2  }
0xb: {  	[smem:$0x3FA8] =	sst s3  }
0xc: {  	[smem:$0x3FA9] =	sst s4  }
0xd: {  	[smem:$0x3FAA] =	sst s5  }
0xe: {  	[smem:$0x3FAB] =	sst s6  }
0xf: {  	[smem:$0x3FAC] =	sst s7  }
0x10: {  	[smem:$0x3FAD] =	sst s8  }
0x11: {  	[smem:$0x3FAE] =	sst s9;
	s0 =	simm.s32 @!p0 $0x0  }
0x12: {  	s1 =	sld [smem:$0x3F94];
	s0 =	simm.s32 @p0 $0x1  }
0x13: {  	[smem:$0x3FAF] =	sst s0;
	s0 =	simm.s32 @!p1 $0x0  }
0x14: {  	s2 =	sld [smem:$0x3F93];
	s0 =	simm.s32 @p1 $0x1  }
0x15: {  	[smem:$0x3FB0] =	sst s0;
	s0 =	simm.s32 @!p2 $0x0  }
0x16: {  	s3 =	sld [smem:$0x3FDB];
	s0 =	simm.s32 @p2 $0x1  }
0x17: {  	s4 =	simm.s32 $0x1BF5;
	[smem:$0x3FB2] =	sst s0  }
0x18: {  	s0 =	sld [smem:$0x3F95];
	_ =	swait.ge [sflag:s4], $0x0  }
0x19: {  	s7 =	sld [smem:$0x3F96]  }
0x1a: {  	s8 =	sadd.s32 $0xFFFFE003, lr  }
0x1b: {  	s9 =	sadd.s32 $0xFFFFFEF7, lr;
	s5 =	simm.s32 $0xFFFFFFFF;
	p2 =	slt.u32 s8, $0xFFFFF086  }
0x1c: {  	p1 =	slt.u32 s9, $0xF7A;
	s5 =	simm.s32 @!p2 $0x0  }
0x1d: {  	s5 =	simm.s32 @p1 $0x1;
	p0 =	seq.s32 s7, s2  }
0x1e: {  	s7 =	smul.u32 @!p0 $0xF7A, s2;
	p2 =	seq.s32 @!p0 s5, $0x0  }
0x1f: {  	s9 =	smul.u32 $0xF7A, s1;
	s8 =	simm.s32 @!p0 $0x1BF5;
	p2 =	por !p2, p0  }
0x20: {  	[sflag:s8] =	ssyncset.s32 @!p0 $0xFFFFF086;
	s6 =	sadd.s32 @!p0 s3, s7;
	s7 =	simm.s32 @!p0 $0x108  }
0x21: {  	s3 =	sadd.s32 s3, s9;
	s6 =	sadd.s32 @!p0 $0x88, s6;
	s7 =	simm.s32 @p2 $0x1082  }
0x22: {  	[simem:s7], [sflag:s8] =	dma.local @!p0 [hbm:s6], $0xF7A  }
0x23: {  	s9 =	sor.u32 $0xD0000000, s2;
	s6 =	simm.s32 $0x108;
	_ =	swait.ge @!p0 [sflag:s8], $0x0  }
0x24: {  	s3 =	sadd.s32 $0x88, s3;
	s6 =	simm.s32 @!p1 $0x1082;
	[sflag:s4] =	ssyncset.s32 $0xFFFFF086  }
0x25: {  	[simem:s6], [sflag:s4] =	dma.local [hbm:s3], $0xF7A  }
0x26: {  	[smem:$0x3F96] =	sst s1;
	(tag) =	ssettag s2;
	_ =	strace s9  }
0x27: {  	s1 =	sld [smem:$0x3FA6]  }
0x28: {  	s2 =	sld [smem:$0x3FA7]  }
0x29: {  	s4 =	sld [smem:$0x3FA9]  }
0x2a: {  	p0 =	seq.s32 s5, $0x0;
	s5 =	sld [smem:$0x3FAA]  }
0x2b: {  	s6 =	sld [smem:$0x3FAB]  }
0x2c: {  	s7 =	sld [smem:$0x3FAC]  }
0x2d: {  	s3 =	simm.s32 $0x108;
	s8 =	sld [smem:$0x3FAD]  }
0x2e: {  	s3 =	simm.s32 @!p0 $0x1082;
	s9 =	sld [smem:$0x3FAE]  }
0x2f: {  	lr =	sadd.s32 s0, s3;
	s0 =	sld [smem:$0x3FA5]  }
0x30: {  	s3 =	sld [smem:$0x3FA8]  }
0x31: {  	[smem:$0x3FB1] =	sst s10  }
0x32: {  	s10 =	sld [smem:$0x3FAF];
	_ =	sdelay $0x3  }
0x33: {  	p0 =	seq.s32 s10, $0x1;
	s10 =	sld [smem:$0x3FB1];
	_ =	sdelay $0x3  }
0x34: {  	[smem:$0x3FB1] =	sst s10  }
0x35: {  	s10 =	sld [smem:$0x3FB0];
	_ =	sdelay $0x3  }
0x36: {  	p1 =	seq.s32 s10, $0x1;
	s10 =	sld [smem:$0x3FB1];
	_ =	sdelay $0x3  }
0x37: {  	[smem:$0x3FB1] =	sst s10  }
0x38: {  	s10 =	sld [smem:$0x3FB2]  }
0x39: {  	_ = 	snop;
	(pc) =	sbr.ind lr, $3  }
0x3a: {  	_ = 	snop  }
0x3b: {  	_ = 	snop  }
0x3c: {  	p2 =	seq.s32 s10, $0x1;
	s10 =	sld [smem:$0x3FB1]  }
0x3d: {  	_ =	shalt  }
0x3e: {  	_ =	shalt  }
0x3f: {  	_ =	shalt  }
0x40: {  	_ =	shalt  }
0x41: {  	_ =	shalt  }
0x42: {  	_ =	shalt  }
0x43: {  	_ =	shalt  }
0x44: {  	_ =	shalt  }
0x45: {  	_ =	shalt  }
0x46: {  	_ =	shalt  }
0x47: {  	_ =	shalt  }
0x48: {  	_ =	shalt  }
0x49: {  	_ =	shalt  }
0x4a: {  	_ =	shalt  }
0x4b: {  	_ =	shalt  }
0x4c: {  	_ =	shalt  }
0x4d: {  	_ =	shalt  }
0x4e: {  	_ =	shalt  }
0x4f: {  	_ =	shalt  }
0x50: {  	_ =	shalt  }
0x51: {  	_ =	shalt  }
0x52: {  	_ =	shalt  }
0x53: {  	_ =	shalt  }
0x54: {  	_ =	shalt  }
0x55: {  	_ =	shalt  }
0x56: {  	_ =	shalt  }
0x57: {  	_ =	shalt  }
0x58: {  	_ =	shalt  }
0x59: {  	_ =	shalt  }
0x5a: {  	_ =	shalt  }
0x5b: {  	_ =	shalt  }
0x5c: {  	_ =	shalt  }
0x5d: {  	_ =	shalt  }
0x5e: {  	_ =	shalt  }
0x5f: {  	_ =	shalt  }
0x60: {  	_ =	shalt  }
0x61: {  	_ =	shalt  }
0x62: {  	_ =	shalt  }
0x63: {  	_ =	shalt  }
0x64: {  	_ =	shalt  }
0x65: {  	_ =	shalt  }
0x66: {  	_ =	shalt  }
0x67: {  	_ =	shalt  }
0x68: {  	_ =	shalt  }
0x69: {  	_ =	shalt  }
0x6a: {  	_ =	shalt  }
0x6b: {  	_ =	shalt  }
0x6c: {  	_ =	shalt  }
0x6d: {  	_ =	shalt  }
0x6e: {  	_ =	shalt  }
0x6f: {  	_ =	shalt  }
0x70: {  	_ =	shalt  }
0x71: {  	_ =	shalt  }
0x72: {  	_ =	shalt  }
0x73: {  	_ =	shalt  }
0x74: {  	_ =	shalt  }
0x75: {  	_ =	shalt  }
0x76: {  	_ =	shalt  }
0x77: {  	_ =	shalt  }
0x78: {  	_ =	shalt  }
0x79: {  	_ =	shalt  }
0x7a: {  	_ =	shalt  }
0x7b: {  	_ =	shalt  }
0x7c: {  	_ =	shalt  }
0x7d: {  	_ =	shalt  }
0x7e: {  	_ =	shalt  }
0x7f: {  	_ =	shalt  }
0x80: {  	_ =	shalt  }
0x81: {  	_ =	shalt  }
0x82: {  	_ =	shalt  }
0x83: {  	_ =	shalt  }
0x84: {  	_ =	shalt  }
0x85: {  	_ =	shalt  }
0x86: {  	_ =	shalt  }
0x87: {  	_ =	shalt  }
.Lfunc_end0:
.L_simem_size_0:
called_computation.1_lowered:
.L_overlay_start_0:
0x88: {  	s2 =	sld [smem:$0x3FD9]  }
0x89: {  	s3 =	sld [smem:$0x3FFE];
	_ =	sdelay $0x1  }
0x8a: {  	s1 =	srdreg.scid  }
0x8b: {  	s0 =	sand.u32 $0x1, s1  }
0x8c: {  	s17 =	sshll.u32 s0, $0xA;
	s2 =	sadd.s32 s3, s2  }
0x8d: {  	s2 =	sadd.s32 s2, s17  }
0x8e: {  	[smem:$0x3FBD] =	sst s2  }
0x8f: {  	_ = 	snop  }
0x90: {  	s2 =	sld [smem:$0x3FD0];
	(tm) =	ssettm $0x1  }
0x91: {  	s18 =	sld [smem:$0x3FFB];
	_ =	sdelay $0x3  }
0x92: {  	_ =	strace s18  }
0x93: {  	s3 =	sld [smem:$0x3FFC];
	_ =	sdelay $0x3  }
0x94: {  	_ =	strace s3  }
0x95: {  	s3 =	sld [smem:$0x3FFD];
	_ =	sdelay $0x3  }
0x96: {  	_ =	strace s3  }
0x97: {  	_ =	strace $0x8FFFFFFF  }
0x98: {  	s19 =	sld [smem:$0x3FDB];
	_ =	sdelay $0x1  }
0x99: {  	s4 =	simm.s32 $_scs_section_size  }
0x9a: {  	s5 =	simm.s32 $_size__tile_overlayer_lowered;
	s6 =	simm.s32 $_tile_overlayer_lowered  }
0x9b: {  	s22 =	simm.s32 $0x1BFF;
	s21 =	sshll.u32 s6, $0x1;
	s3 =	sadd.s32 s4, s19  }
0x9c: {  	s7 =	simm.s32 $0x0;
	s20 =	sshll.u32 s5, $0x1;
	s5 =	sadd.s32 s21, s3  }
0x9d: {  	[timem:s7], [sflag:s22] =	dma.local [hbm:s5], s20  }
0x9e: {  	_ =	swait.ge [sflag:s22], s20  }
0x9f: {  	s4 =	ssub.s32 $0x0, s20;
	[sflag:s22] =	ssyncset.done $0x0  }
0xa0: {  	[sflag:s22] =	ssyncadd.s32 s4;
	_ =	sdelay $0x1  }
0xa1: {  	s23 =	simm.s32 $0x1B8B  }
0xa2: {  	_ =	swait.ge [sflag:s23], $0x1  }
0xa3: {  	[sflag:s23] =	ssyncset.done $0x0  }
0xa4: {  	s25 =	simm.s32 $0x1B8E;
	s24 =	sld [smem:$0x3FFE];
	[sflag:s23] =	ssyncadd.s32 $0xFFFFFFFF  }
0xa5: {  	s26 =	simm.s32 $execute0_lowered;
	[smem:$0x3FD2] =	sst s25  }
0xa6: {  	s5 =	sshll.u32 s26, $0x1;
	_ =	strace $0x80000049;
	[dreg:$0x1] =	wrdreg $0xFFFFFFFF  }
0xa7: {  	s28 =	simm.s32 $_size_execute0_lowered;
	s3 =	sadd.s32 s3, s5;
	[dreg:$0x0] =	wrdreg $0x0  }
0xa8: {  	s5 =	sshll.u32 s28, $0x1;
	[dreg:$0x2] =	wrdreg s3  }
0xa9: {  	[dreg:$0x3] =	wrdreg s5  }
0xaa: {  	[dreg:$0x4] =	wrdreg $0xC0  }
0xab: {  	_ =	task [dreg:s7], $0x5FFFF  }
0xac: {  	[dreg:$0x1] =	wrdreg $0xFFFFFFFF  }
0xad: {  	[dreg:$0x0] =	wrdreg $0x60  }
0xae: {  	[dreg:$0x2] =	wrdreg s24  }
0xaf: {  	[dreg:$0x3] =	wrdreg s2  }
0xb0: {  	[dreg:$0x4] =	wrdreg $0x116200  }
0xb1: {  	[dreg:$0x5] =	wrdreg $0x9  }
0xb2: {  	_ =	task.clear_ibuf [dreg:s7], $0x6FFFF;
	_ =	strace $0x90000049  }
0xb3: {  	s29 =	simm.s32 $0x9;
	_ =	strace $0x8000004B  }
0xb4: {  	_ =	swait.ge [sflag:s29], $0x1  }
0xb5: {  	[sflag:s29] =	ssyncadd.s32 $0xFFFFFFFF  }
0xb6: {  	_ =	strace $0x9000004B  }
0xb7: {  	_ =	sfence  }
0xb8: {  	s30 =	sld [smem:$0x0];
	_ =	sdelay $0x2  }
0xb9: {  	s31 =	sshll.u32 s1, $0xD;
	s1 =	sshrl.u32 s1, $0x2  }
0xba: {  	s3 =	sand.u32 $0x4000, s31;
	s1 =	sadd.s32 s1, s30  }
0xbb: {  	s0 =	sor.u32 s3, s0;
	s1 =	sshll.u32 s1, $0x11  }
0xbc: {  	s0 =	sor.u32 s1, s0  }
0xbd: {  	s0 =	sadd.s32 $0x8F2B, s0  }
0xbe: {  	[sflag:s0] =	ssyncadd.remote.s32 $0x1  }
0xbf: {  	_ =	sfence.sel $0xFFFF  }
0xc0: {  	[dreg:$0x0] =	wrdreg $0xFFFFFFFF;
	(pc) =	sbr.abs _section_cstart, $3  }
0xc1: {  	[dreg:$0x1] =	wrdreg $0xFFFFFFFF  }
0xc2: {  	_ =	task.clear_ibuf [dreg:s7], $0x2FFFF;
	_ =	strace $0x9FFFFFFF  }
0xc3: {  	(tm) =	ssettm $0x7FFFFFFF  }
tec
execute0_lowered:
.L_overlay_start_1:
0x0: {  	(tag) =	ssettag $0x1  }
0x1: {  	s4 =	rddreg [dreg:$0x0];
	v0 =	vlaneseq.u32  }
0x2: {  	s0 =	rddreg [dreg:$0x1];
	s1 =	srdreg.scid;
	v0 =	vmul.u32 $0x8, v0  }
0x3: {  	s2 =	rddreg [dreg:$0x2];
	s12 =	stileid.u32;
	s3 =	simm.s32 $0x0;
	v2 =	vimm.f32 $0.0e+00  }
0x4: {  	s14 =	simm.s32 $0x1;
	s15 =	simm.s32 $0x2760;
	s16 =	simm.s32 $0x4EC0;
	v1 =	vor.u32 $0x3, v0;
	v3 =	vor.u32 $0x7, v0;
	v4 =	vor.u32 $0x83, v0  }
0x5: {  	s17 =	simm.s32 $0x7620;
	s18 =	simm.s32 $0x9D80;
	s19 =	simm.s32 $0xC4E0;
	v5 =	vor.u32 $0x87, v0;
	v6 =	vor.u32 $0x103, v0;
	v7 =	vor.u32 $0x107, v0  }
0x6: {  	s20 =	simm.s32 $0xEC40;
	s21 =	simm.s32 $0x113A0;
	s7 =	smul.u32 $0x2760, s12;
	v8 =	vor.u32 $0x183, v0;
	v9 =	vor.u32 $0x187, v0;
	v10 =	vor.u32 $0x203, v0  }
0x7: {  	s22 =	simm.s32 $0x50;
	s5 =	sand.u32 $0x1, s1;
	s29 =	smul.u32 $0x4EC, s12;
	v11 =	vor.u32 $0x207, v0;
	v12 =	vor.u32 $0x1, v0;
	v13 =	vor.u32 $0x2, v0  }
0x8: {  	s23 =	simm.s32 $0x0;
	s1 =	rddreg [dreg:$0x3];
	s6 =	smul.u32 $0x27600, s5;
	v14 =	vor.u32 $0x4, v0;
	v15 =	vor.u32 $0x5, v0;
	v16 =	vor.u32 $0x6, v0  }
0x9: {  	[smem:$0x7FF] =	sst s3;
	p0 =	sne.s32 s12, $0x0;
	s8 =	smul.u32 $0x4EC0, s5;
	v17 =	vor.u32 $0x80, v0;
	v18 =	vor.u32 $0x81, v0;
	v19 =	vor.u32 $0x82, v0  }
0xa: {  	_ =	strace $0x8000004A;
	s9 =	smul.u32 $0x2710, s5;
	s5 =	ssub.s32 $0x2, s5;
	v20 =	vor.u32 $0x84, v0;
	v21 =	vor.u32 $0x85, v0;
	v22 =	vor.u32 $0x86, v0  }
0xb: {  	s31 =	sshrl.u32 s5, $0x1;
	v23 =	vor.u32 $0x100, v0;
	v24 =	vor.u32 $0x101, v0;
	v25 =	vor.u32 $0x102, v0;
	s6 =	sadd.s32 s7, s6;
	s30 =	sadd.s32 s29, s8  }
0xc: {  	v26 =	vor.u32 $0x104, v0;
	v27 =	vor.u32 $0x105, v0;
	v28 =	vor.u32 $0x106, v0;
	s11 =	sadd.s32 s9, s4;
	s13 =	ssub.s32 s5, s31;
	s6 =	sshrl.u32 s6, $0x3  }
0xd: {  	v29 =	vor.u32 $0x180, v0;
	v30 =	vor.u32 $0x181, v0;
	v31 =	vor.u32 $0x182, v0;
	s11 =	sadd.s32 $0x47A00, s11;
	s10 =	sadd.s32 s6, s4;
	s6 =	sadd.s32 s30, s4  }
0xe: {  	v32 =	vor.u32 $0x184, v0;
	v33 =	vor.u32 $0x185, v0;
	v34 =	vor.u32 $0x186, v0;
	s12 =	smax.u32 s13, $0x1;
	s13 =	sshrl.u32 @!p0 s2, $0x3;
	s4 =	sadd.s32 $0x2800, s6  }
0xf: {  	v35 =	vor.u32 $0x200, v0;
	v36 =	vor.u32 $0x201, v0;
	v37 =	vor.u32 $0x202, v0;
	s5 =	sadd.s32 $0xC600, s10;
	s6 =	sadd.s32 $0x16400, s10;
	s7 =	sadd.s32 $0x20200, s10  }
0x10: {  	v38 =	vor.u32 $0x204, v0;
	v39 =	vor.u32 $0x205, v0;
	v40 =	vor.u32 $0x206, v0;
	s8 =	sadd.s32 $0x2A000, s10;
	s9 =	sadd.s32 $0x33E00, s10;
	s10 =	sadd.s32 $0x3DC00, s10  }
.LBB2_1:
0x11: {  	s24 =	simm.s32 @!p0 $0x1C01  }
0x12: {  	[spmem:s13], [sflag:s24] =	dma.local @!p0 [hbm:s0], $0x2710  }
0x13: {  	s24 =	simm.s32 @!p0 $0x1  }
0x14: {  	_ =	swait.ge @!p0 [sflag:s24], $0x2710  }
0x15: {  	[sflag:s24] =	ssyncset.done @!p0 $0x0  }
0x16: {  	[sflag:s24] =	ssyncadd.s32 @!p0 $0xFFFFD8F0  }
0x17: {  	[tilespmem:s3], [sflag:$0x1] =	stream.linear.gather [hbm4b:s4+s3], $0x2760, $0x38;
	[tilespmem:$0x129A8] =	vst v63  }
0x18: {  	_ =	swait.ge [sflag:s14], $0x2760  }
0x19: {  	[sflag:s14] =	ssyncset.done $0x0  }
0x1a: {  	[sflag:s14] =	ssyncadd.s32 $0xFFFFD8A0  }
0x1b: {  	[tilespmem:s15], [sflag:$0x1] =	stream.linear.gather [hbm4b:s5+s3], $0x2760, $0x38;
	[tilespmem:$0x129A8] =	vst v63  }
0x1c: {  	_ =	swait.ge [sflag:s14], $0x2760  }
0x1d: {  	[sflag:s14] =	ssyncset.done $0x0  }
0x1e: {  	[sflag:s14] =	ssyncadd.s32 $0xFFFFD8A0  }
0x1f: {  	[tilespmem:s16], [sflag:$0x1] =	stream.linear.gather [hbm4b:s6+s3], $0x2760, $0x38;
	[tilespmem:$0x129A8] =	vst v63  }
0x20: {  	_ =	swait.ge [sflag:s14], $0x2760  }
0x21: {  	[sflag:s14] =	ssyncset.done $0x0  }
0x22: {  	[sflag:s14] =	ssyncadd.s32 $0xFFFFD8A0  }
0x23: {  	[tilespmem:s17], [sflag:$0x1] =	stream.linear.gather [hbm4b:s7+s3], $0x2760, $0x38;
	[tilespmem:$0x129A8] =	vst v63  }
0x24: {  	_ =	swait.ge [sflag:s14], $0x2760  }
0x25: {  	[sflag:s14] =	ssyncset.done $0x0  }
0x26: {  	[sflag:s14] =	ssyncadd.s32 $0xFFFFD8A0  }
0x27: {  	[tilespmem:s18], [sflag:$0x1] =	stream.linear.gather [hbm4b:s8+s3], $0x2760, $0x38;
	[tilespmem:$0x129A8] =	vst v63  }
0x28: {  	_ =	swait.ge [sflag:s14], $0x2760  }
0x29: {  	[sflag:s14] =	ssyncset.done $0x0  }
0x2a: {  	[sflag:s14] =	ssyncadd.s32 $0xFFFFD8A0  }
0x2b: {  	[tilespmem:s19], [sflag:$0x1] =	stream.linear.gather [hbm4b:s9+s3], $0x2760, $0x38;
	[tilespmem:$0x129A8] =	vst v63  }
0x2c: {  	_ =	swait.ge [sflag:s14], $0x2760  }
0x2d: {  	[sflag:s14] =	ssyncset.done $0x0  }
0x2e: {  	[sflag:s14] =	ssyncadd.s32 $0xFFFFD8A0  }
0x2f: {  	[tilespmem:s20], [sflag:$0x1] =	stream.linear.gather [hbm4b:s10+s3], $0x2760, $0x38;
	[tilespmem:$0x129A8] =	vst v63  }
0x30: {  	_ =	swait.ge [sflag:s14], $0x2760  }
0x31: {  	[sflag:s14] =	ssyncset.done $0x0  }
0x32: {  	[sflag:s14] =	ssyncadd.s32 $0xFFFFD8A0  }
0x33: {  	[bflag:$0x0] =	sbarrier.arrive $0xFFFF  }
0x34: {  	[tilespmem:v1+s21+$0x0] =	vst.idx.msk $0xffff, v2  }
0x35: {  	[tilespmem:v3+s21+$0x0] =	vst.idx.msk $0xffff, v2  }
0x36: {  	[tilespmem:v4+s21+$0x0] =	vst.idx.msk $0xffff, v2  }
0x37: {  	[tilespmem:v5+s21+$0x0] =	vst.idx.msk $0xffff, v2  }
0x38: {  	[tilespmem:v6+s21+$0x0] =	vst.idx.msk $0xffff, v2  }
0x39: {  	[tilespmem:v7+s21+$0x0] =	vst.idx.msk $0xffff, v2  }
0x3a: {  	[tilespmem:v8+s21+$0x0] =	vst.idx.msk $0xffff, v2  }
0x3b: {  	[tilespmem:v9+s21+$0x0] =	vst.idx.msk $0xffff, v2  }
0x3c: {  	[tilespmem:v10+s21+$0x0] =	vst.idx.msk $0xffff, v2  }
0x3d: {  	s31 =	simm.s32 $0x0;
	[tilespmem:v11+s21+$0x0] =	vst.idx.msk $0xffff, v2  }
0x3e: {  	v41 =	vld [tilespmem:s31+$0x2760];
	_ =	sdelay $0x4  }
0x3f: {  	[tilespmem:v0+s21+$0x0] =	vst.idx.msk $0xffff, v41  }
0x40: {  	v41 =	vld [tilespmem:s31+$0x4EC0];
	_ =	sdelay $0x4  }
0x41: {  	[tilespmem:v12+s21+$0x0] =	vst.idx.msk $0xffff, v41  }
0x42: {  	v41 =	vld [tilespmem:s31+$0x7620];
	_ =	sdelay $0x4  }
0x43: {  	[tilespmem:v13+s21+$0x0] =	vst.idx.msk $0xffff, v41  }
0x44: {  	v41 =	vld [tilespmem:s31+$0x9D80];
	_ =	sdelay $0x4  }
0x45: {  	[tilespmem:v14+s21+$0x0] =	vst.idx.msk $0xffff, v41  }
0x46: {  	v41 =	vld [tilespmem:s31+$0xC4E0];
	_ =	sdelay $0x4  }
0x47: {  	[tilespmem:v15+s21+$0x0] =	vst.idx.msk $0xffff, v41  }
0x48: {  	v41 =	vld [tilespmem:s31+$0xEC40];
	_ =	sdelay $0x4  }
0x49: {  	[tilespmem:v16+s21+$0x0] =	vst.idx.msk $0xffff, v41  }
0x4a: {  	v41 =	vld [tilespmem:s31+$0x2770];
	_ =	sdelay $0x4  }
0x4b: {  	[tilespmem:v17+s21+$0x0] =	vst.idx.msk $0xffff, v41  }
0x4c: {  	v41 =	vld [tilespmem:s31+$0x4ED0];
	_ =	sdelay $0x4  }
0x4d: {  	[tilespmem:v18+s21+$0x0] =	vst.idx.msk $0xffff, v41  }
0x4e: {  	v41 =	vld [tilespmem:s31+$0x7630];
	_ =	sdelay $0x4  }
0x4f: {  	[tilespmem:v19+s21+$0x0] =	vst.idx.msk $0xffff, v41  }
0x50: {  	v41 =	vld [tilespmem:s31+$0x9D90];
	_ =	sdelay $0x4  }
0x51: {  	[tilespmem:v20+s21+$0x0] =	vst.idx.msk $0xffff, v41  }
0x52: {  	v41 =	vld [tilespmem:s31+$0xC4F0];
	_ =	sdelay $0x4  }
0x53: {  	[tilespmem:v21+s21+$0x0] =	vst.idx.msk $0xffff, v41  }
0x54: {  	v41 =	vld [tilespmem:s31+$0xEC50];
	_ =	sdelay $0x4  }
0x55: {  	[tilespmem:v22+s21+$0x0] =	vst.idx.msk $0xffff, v41  }
0x56: {  	v41 =	vld [tilespmem:s31+$0x2780];
	_ =	sdelay $0x4  }
0x57: {  	[tilespmem:v23+s21+$0x0] =	vst.idx.msk $0xffff, v41  }
0x58: {  	v41 =	vld [tilespmem:s31+$0x4EE0];
	_ =	sdelay $0x4  }
0x59: {  	[tilespmem:v24+s21+$0x0] =	vst.idx.msk $0xffff, v41  }
0x5a: {  	v41 =	vld [tilespmem:s31+$0x7640];
	_ =	sdelay $0x4  }
0x5b: {  	[tilespmem:v25+s21+$0x0] =	vst.idx.msk $0xffff, v41  }
0x5c: {  	v41 =	vld [tilespmem:s31+$0x9DA0];
	_ =	sdelay $0x4  }
0x5d: {  	[tilespmem:v26+s21+$0x0] =	vst.idx.msk $0xffff, v41  }
0x5e: {  	v41 =	vld [tilespmem:s31+$0xC500];
	_ =	sdelay $0x4  }
0x5f: {  	[tilespmem:v27+s21+$0x0] =	vst.idx.msk $0xffff, v41  }
0x60: {  	v41 =	vld [tilespmem:s31+$0xEC60];
	_ =	sdelay $0x4  }
0x61: {  	[tilespmem:v28+s21+$0x0] =	vst.idx.msk $0xffff, v41  }
0x62: {  	v41 =	vld [tilespmem:s31+$0x2790];
	_ =	sdelay $0x4  }
0x63: {  	[tilespmem:v29+s21+$0x0] =	vst.idx.msk $0xffff, v41  }
0x64: {  	v41 =	vld [tilespmem:s31+$0x4EF0];
	_ =	sdelay $0x4  }
0x65: {  	[tilespmem:v30+s21+$0x0] =	vst.idx.msk $0xffff, v41  }
0x66: {  	v41 =	vld [tilespmem:s31+$0x7650];
	_ =	sdelay $0x4  }
0x67: {  	[tilespmem:v31+s21+$0x0] =	vst.idx.msk $0xffff, v41  }
0x68: {  	v41 =	vld [tilespmem:s31+$0x9DB0];
	_ =	sdelay $0x4  }
0x69: {  	[tilespmem:v32+s21+$0x0] =	vst.idx.msk $0xffff, v41  }
0x6a: {  	v41 =	vld [tilespmem:s31+$0xC510];
	_ =	sdelay $0x4  }
0x6b: {  	[tilespmem:v33+s21+$0x0] =	vst.idx.msk $0xffff, v41  }
0x6c: {  	v41 =	vld [tilespmem:s31+$0xEC70];
	_ =	sdelay $0x4  }
0x6d: {  	[tilespmem:v34+s21+$0x0] =	vst.idx.msk $0xffff, v41  }
0x6e: {  	v41 =	vld [tilespmem:s31+$0x27A0];
	_ =	sdelay $0x4  }
0x6f: {  	[tilespmem:v35+s21+$0x0] =	vst.idx.msk $0xffff, v41  }
0x70: {  	v41 =	vld [tilespmem:s31+$0x4F00];
	_ =	sdelay $0x4  }
0x71: {  	[tilespmem:v36+s21+$0x0] =	vst.idx.msk $0xffff, v41  }
0x72: {  	v41 =	vld [tilespmem:s31+$0x7660];
	_ =	sdelay $0x4  }
0x73: {  	[tilespmem:v37+s21+$0x0] =	vst.idx.msk $0xffff, v41  }
0x74: {  	v41 =	vld [tilespmem:s31+$0x9DC0];
	_ =	sdelay $0x4  }
0x75: {  	[tilespmem:v38+s21+$0x0] =	vst.idx.msk $0xffff, v41  }
0x76: {  	v41 =	vld [tilespmem:s31+$0xC520];
	_ =	sdelay $0x4  }
0x77: {  	[tilespmem:v39+s21+$0x0] =	vst.idx.msk $0xffff, v41  }
0x78: {  	v41 =	vld [tilespmem:s31+$0xEC80];
	_ =	sdelay $0x4  }
0x79: {  	[tilespmem:v40+s21+$0x0] =	vst.idx.msk $0xffff, v41  }
0x7a: {  	[spmem:s2] =	stream.indirect.scatter.add.f32 [tilespmem:s21], [sflag:$0x1], $0x8, s31, s22, $0xb8;
	[tilespmem:$0x129A8] =	vst v63  }
0x7b: {  	_ =	swait.ge [sflag:s14], $0x280  }
0x7c: {  	s28 =	simm.s32 $0x280;
	s24 =	simm.s32 $0x140;
	[sflag:s14] =	ssyncset.done $0x0  }
.LBB2_2:
0x7d: {  	s26 =	sshra.s32 s24, $0x2  }
0x7e: {  	[sflag:s14] =	ssyncadd.s32 $0xFFFFFD80;
	s24 =	smov.u32 s28;
	s25 =	sadd.s32 $0x140, s28  }
0x7f: {  	p1 =	sne.s32 s28, $0x9C40;
	v41 =	vld [tilespmem:s26+$0x2760];
	_ =	sdelay $0x4  }
0x80: {  	[tilespmem:v0+s21+$0x0] =	vst.idx.msk $0xffff, v41  }
0x81: {  	v41 =	vld [tilespmem:s26+$0x4EC0];
	_ =	sdelay $0x4  }
0x82: {  	[tilespmem:v12+s21+$0x0] =	vst.idx.msk $0xffff, v41  }
0x83: {  	v41 =	vld [tilespmem:s26+$0x7620];
	_ =	sdelay $0x4  }
0x84: {  	[tilespmem:v13+s21+$0x0] =	vst.idx.msk $0xffff, v41  }
0x85: {  	v41 =	vld [tilespmem:s26+$0x9D80];
	_ =	sdelay $0x4  }
0x86: {  	[tilespmem:v14+s21+$0x0] =	vst.idx.msk $0xffff, v41  }
0x87: {  	v41 =	vld [tilespmem:s26+$0xC4E0];
	_ =	sdelay $0x4  }
0x88: {  	[tilespmem:v15+s21+$0x0] =	vst.idx.msk $0xffff, v41  }
0x89: {  	v41 =	vld [tilespmem:s26+$0xEC40];
	_ =	sdelay $0x4  }
0x8a: {  	[tilespmem:v16+s21+$0x0] =	vst.idx.msk $0xffff, v41  }
0x8b: {  	v41 =	vld [tilespmem:s26+$0x2770];
	_ =	sdelay $0x4  }
0x8c: {  	[tilespmem:v17+s21+$0x0] =	vst.idx.msk $0xffff, v41  }
0x8d: {  	v41 =	vld [tilespmem:s26+$0x4ED0];
	_ =	sdelay $0x4  }
0x8e: {  	[tilespmem:v18+s21+$0x0] =	vst.idx.msk $0xffff, v41  }
0x8f: {  	v41 =	vld [tilespmem:s26+$0x7630];
	_ =	sdelay $0x4  }
0x90: {  	[tilespmem:v19+s21+$0x0] =	vst.idx.msk $0xffff, v41  }
0x91: {  	v41 =	vld [tilespmem:s26+$0x9D90];
	_ =	sdelay $0x4  }
0x92: {  	[tilespmem:v20+s21+$0x0] =	vst.idx.msk $0xffff, v41  }
0x93: {  	v41 =	vld [tilespmem:s26+$0xC4F0];
	_ =	sdelay $0x4  }
0x94: {  	[tilespmem:v21+s21+$0x0] =	vst.idx.msk $0xffff, v41  }
0x95: {  	v41 =	vld [tilespmem:s26+$0xEC50];
	_ =	sdelay $0x4  }
0x96: {  	[tilespmem:v22+s21+$0x0] =	vst.idx.msk $0xffff, v41  }
0x97: {  	v41 =	vld [tilespmem:s26+$0x2780];
	_ =	sdelay $0x4  }
0x98: {  	[tilespmem:v23+s21+$0x0] =	vst.idx.msk $0xffff, v41  }
0x99: {  	v41 =	vld [tilespmem:s26+$0x4EE0];
	_ =	sdelay $0x4  }
0x9a: {  	[tilespmem:v24+s21+$0x0] =	vst.idx.msk $0xffff, v41  }
0x9b: {  	v41 =	vld [tilespmem:s26+$0x7640];
	_ =	sdelay $0x4  }
0x9c: {  	[tilespmem:v25+s21+$0x0] =	vst.idx.msk $0xffff, v41  }
0x9d: {  	v41 =	vld [tilespmem:s26+$0x9DA0];
	_ =	sdelay $0x4  }
0x9e: {  	[tilespmem:v26+s21+$0x0] =	vst.idx.msk $0xffff, v41  }
0x9f: {  	v41 =	vld [tilespmem:s26+$0xC500];
	_ =	sdelay $0x4  }
0xa0: {  	[tilespmem:v27+s21+$0x0] =	vst.idx.msk $0xffff, v41  }
0xa1: {  	v41 =	vld [tilespmem:s26+$0xEC60];
	_ =	sdelay $0x4  }
0xa2: {  	[tilespmem:v28+s21+$0x0] =	vst.idx.msk $0xffff, v41  }
0xa3: {  	v41 =	vld [tilespmem:s26+$0x2790];
	_ =	sdelay $0x4  }
0xa4: {  	[tilespmem:v29+s21+$0x0] =	vst.idx.msk $0xffff, v41  }
0xa5: {  	v41 =	vld [tilespmem:s26+$0x4EF0];
	_ =	sdelay $0x4  }
0xa6: {  	[tilespmem:v30+s21+$0x0] =	vst.idx.msk $0xffff, v41  }
0xa7: {  	v41 =	vld [tilespmem:s26+$0x7650];
	_ =	sdelay $0x4  }
0xa8: {  	[tilespmem:v31+s21+$0x0] =	vst.idx.msk $0xffff, v41  }
0xa9: {  	v41 =	vld [tilespmem:s26+$0x9DB0];
	_ =	sdelay $0x4  }
0xaa: {  	[tilespmem:v32+s21+$0x0] =	vst.idx.msk $0xffff, v41  }
0xab: {  	v41 =	vld [tilespmem:s26+$0xC510];
	_ =	sdelay $0x4  }
0xac: {  	[tilespmem:v33+s21+$0x0] =	vst.idx.msk $0xffff, v41  }
0xad: {  	v41 =	vld [tilespmem:s26+$0xEC70];
	_ =	sdelay $0x4  }
0xae: {  	[tilespmem:v34+s21+$0x0] =	vst.idx.msk $0xffff, v41  }
0xaf: {  	v41 =	vld [tilespmem:s26+$0x27A0];
	_ =	sdelay $0x4  }
0xb0: {  	[tilespmem:v35+s21+$0x0] =	vst.idx.msk $0xffff, v41  }
0xb1: {  	v41 =	vld [tilespmem:s26+$0x4F00];
	_ =	sdelay $0x4  }
0xb2: {  	[tilespmem:v36+s21+$0x0] =	vst.idx.msk $0xffff, v41  }
0xb3: {  	v41 =	vld [tilespmem:s26+$0x7660];
	_ =	sdelay $0x4  }
0xb4: {  	[tilespmem:v37+s21+$0x0] =	vst.idx.msk $0xffff, v41  }
0xb5: {  	v41 =	vld [tilespmem:s26+$0x9DC0];
	_ =	sdelay $0x4  }
0xb6: {  	[tilespmem:v38+s21+$0x0] =	vst.idx.msk $0xffff, v41  }
0xb7: {  	v41 =	vld [tilespmem:s26+$0xC520];
	_ =	sdelay $0x4  }
0xb8: {  	[tilespmem:v39+s21+$0x0] =	vst.idx.msk $0xffff, v41  }
0xb9: {  	v41 =	vld [tilespmem:s26+$0xEC80];
	_ =	sdelay $0x3  }
.Ltmp0:
0xba: {  	(pc) =	sbr.rel @p1 .LBB2_2-.Ltmp0, $4  }
0xbb: {  	[tilespmem:v40+s21+$0x0] =	vst.idx.msk $0xffff, v41  }
0xbc: {  	[spmem:s2] =	stream.indirect.scatter.add.f32 [tilespmem:s21], [sflag:$0x1], $0x8, s26, s22, $0xb8;
	[tilespmem:$0x129A8] =	vst v63  }
0xbd: {  	_ =	swait.ge [sflag:s14], $0x280  }
0xbe: {  	s28 =	smov.u32 s25;
	[sflag:s14] =	ssyncset.done $0x0  }
0xbf: {  	s24 =	sshra.s32 s24, $0x2;
	[sflag:s14] =	ssyncadd.s32 $0xFFFFFD80  }
0xc0: {  	v41 =	vld [tilespmem:s24+$0x2760];
	_ =	sdelay $0x4  }
0xc1: {  	[tilespmem:v0+s21+$0x0] =	vst.idx.msk $0xffff, v41  }
0xc2: {  	v41 =	vld [tilespmem:s24+$0x4EC0];
	_ =	sdelay $0x4  }
0xc3: {  	[tilespmem:v12+s21+$0x0] =	vst.idx.msk $0xffff, v41  }
0xc4: {  	v41 =	vld [tilespmem:s24+$0x7620];
	_ =	sdelay $0x4  }
0xc5: {  	[tilespmem:v13+s21+$0x0] =	vst.idx.msk $0xffff, v41  }
0xc6: {  	v41 =	vld [tilespmem:s24+$0x9D80];
	_ =	sdelay $0x4  }
0xc7: {  	[tilespmem:v14+s21+$0x0] =	vst.idx.msk $0xffff, v41  }
0xc8: {  	v41 =	vld [tilespmem:s24+$0xC4E0];
	_ =	sdelay $0x4  }
0xc9: {  	[tilespmem:v15+s21+$0x0] =	vst.idx.msk $0xffff, v41  }
0xca: {  	v41 =	vld [tilespmem:s24+$0xEC40];
	_ =	sdelay $0x4  }
0xcb: {  	[tilespmem:v16+s21+$0x0] =	vst.idx.msk $0xffff, v41  }
0xcc: {  	v41 =	vld [tilespmem:s24+$0x2770];
	_ =	sdelay $0x4  }
0xcd: {  	[tilespmem:v17+s21+$0x0] =	vst.idx.msk $0xffff, v41  }
0xce: {  	v41 =	vld [tilespmem:s24+$0x4ED0];
	_ =	sdelay $0x4  }
0xcf: {  	[tilespmem:v18+s21+$0x0] =	vst.idx.msk $0xffff, v41  }
0xd0: {  	v41 =	vld [tilespmem:s24+$0x7630];
	_ =	sdelay $0x4  }
0xd1: {  	[tilespmem:v19+s21+$0x0] =	vst.idx.msk $0xffff, v41  }
0xd2: {  	v41 =	vld [tilespmem:s24+$0x9D90];
	_ =	sdelay $0x4  }
0xd3: {  	[tilespmem:v20+s21+$0x0] =	vst.idx.msk $0xffff, v41  }
0xd4: {  	v41 =	vld [tilespmem:s24+$0xC4F0];
	_ =	sdelay $0x4  }
0xd5: {  	[tilespmem:v21+s21+$0x0] =	vst.idx.msk $0xffff, v41  }
0xd6: {  	v41 =	vld [tilespmem:s24+$0xEC50];
	_ =	sdelay $0x4  }
0xd7: {  	[tilespmem:v22+s21+$0x0] =	vst.idx.msk $0xffff, v41  }
0xd8: {  	v41 =	vld [tilespmem:s24+$0x2780];
	_ =	sdelay $0x4  }
0xd9: {  	[tilespmem:v23+s21+$0x0] =	vst.idx.msk $0xffff, v41  }
0xda: {  	v41 =	vld [tilespmem:s24+$0x4EE0];
	_ =	sdelay $0x4  }
0xdb: {  	[tilespmem:v24+s21+$0x0] =	vst.idx.msk $0xffff, v41  }
0xdc: {  	v41 =	vld [tilespmem:s24+$0x7640];
	_ =	sdelay $0x4  }
0xdd: {  	[tilespmem:v25+s21+$0x0] =	vst.idx.msk $0xffff, v41  }
0xde: {  	v41 =	vld [tilespmem:s24+$0x9DA0];
	_ =	sdelay $0x4  }
0xdf: {  	[tilespmem:v26+s21+$0x0] =	vst.idx.msk $0xffff, v41  }
0xe0: {  	v41 =	vld [tilespmem:s24+$0xC500];
	_ =	sdelay $0x4  }
0xe1: {  	[tilespmem:v27+s21+$0x0] =	vst.idx.msk $0xffff, v41  }
0xe2: {  	v41 =	vld [tilespmem:s24+$0xEC60];
	_ =	sdelay $0x4  }
0xe3: {  	[tilespmem:v28+s21+$0x0] =	vst.idx.msk $0xffff, v41  }
0xe4: {  	v41 =	vld [tilespmem:s24+$0x2790];
	_ =	sdelay $0x4  }
0xe5: {  	[tilespmem:v29+s21+$0x0] =	vst.idx.msk $0xffff, v41  }
0xe6: {  	v41 =	vld [tilespmem:s24+$0x4EF0];
	_ =	sdelay $0x4  }
0xe7: {  	[tilespmem:v30+s21+$0x0] =	vst.idx.msk $0xffff, v41  }
0xe8: {  	v41 =	vld [tilespmem:s24+$0x7650];
	_ =	sdelay $0x4  }
0xe9: {  	[tilespmem:v31+s21+$0x0] =	vst.idx.msk $0xffff, v41  }
0xea: {  	v41 =	vld [tilespmem:s24+$0x9DB0];
	_ =	sdelay $0x4  }
0xeb: {  	[tilespmem:v32+s21+$0x0] =	vst.idx.msk $0xffff, v41  }
0xec: {  	v41 =	vld [tilespmem:s24+$0xC510];
	_ =	sdelay $0x4  }
0xed: {  	[tilespmem:v33+s21+$0x0] =	vst.idx.msk $0xffff, v41  }
0xee: {  	v41 =	vld [tilespmem:s24+$0xEC70];
	_ =	sdelay $0x4  }
0xef: {  	[tilespmem:v34+s21+$0x0] =	vst.idx.msk $0xffff, v41  }
0xf0: {  	v41 =	vld [tilespmem:s24+$0x27A0];
	_ =	sdelay $0x4  }
0xf1: {  	[tilespmem:v35+s21+$0x0] =	vst.idx.msk $0xffff, v41  }
0xf2: {  	v41 =	vld [tilespmem:s24+$0x4F00];
	_ =	sdelay $0x4  }
0xf3: {  	[tilespmem:v36+s21+$0x0] =	vst.idx.msk $0xffff, v41  }
0xf4: {  	v41 =	vld [tilespmem:s24+$0x7660];
	_ =	sdelay $0x4  }
0xf5: {  	[tilespmem:v37+s21+$0x0] =	vst.idx.msk $0xffff, v41  }
0xf6: {  	v41 =	vld [tilespmem:s24+$0x9DC0];
	_ =	sdelay $0x4  }
0xf7: {  	[tilespmem:v38+s21+$0x0] =	vst.idx.msk $0xffff, v41  }
0xf8: {  	v41 =	vld [tilespmem:s24+$0xC520];
	_ =	sdelay $0x4  }
0xf9: {  	[tilespmem:v39+s21+$0x0] =	vst.idx.msk $0xffff, v41  }
0xfa: {  	v41 =	vld [tilespmem:s24+$0xEC80];
	_ =	sdelay $0x4  }
0xfb: {  	[tilespmem:v40+s21+$0x0] =	vst.idx.msk $0xffff, v41  }
0xfc: {  	[spmem:s2] =	stream.indirect.scatter.add.f32 [tilespmem:s21], [sflag:$0x1], $0x8, s24, s22, $0xb8;
	[tilespmem:$0x129A8] =	vst v63  }
0xfd: {  	_ =	swait.ge [sflag:s14], $0x280  }
0xfe: {  	[sflag:s14] =	ssyncset.done $0x0  }
0xff: {  	s23 =	sadd.s32 $0x1, s23;
	[sflag:s14] =	ssyncadd.s32 $0xFFFFFD80  }
0x100: {  	p1 =	sne.s32 s23, s12;
	s24 =	simm.s32 @!p0 $0x1C01;
	[bflag:$0x0] =	sbarrier.arrive $0xFFFF  }
0x101: {  	[hbm:s11], [sflag:s24] =	dma.local @!p0 [spmem:s13], $0x2710  }
.Ltmp1:
0x102: {  	_ = 	snop;
	(pc) =	sbr.rel @p1 .LBB2_1-.Ltmp1, $4  }
0x103: {  	s24 =	simm.s32 @!p0 $0x1  }
0x104: {  	_ =	swait.ge @!p0 [sflag:s24], $0x2710  }
0x105: {  	[sflag:s24] =	ssyncset.done @!p0 $0x0  }
0x106: {  	[sflag:s24] =	ssyncadd.s32 @!p0 $0xFFFFD8F0  }
0x107: {  	_ =	sfence.sel $0x180000  }
0x108: {  	[bflag:$0x0] =	sbarrier.arrive $0xFFFF  }
0x109: {  	_ =	strace $0x9000004A  }
0x10a: {  	s0 =	sadd.s32 @!p0 $0x100000, s1;
	[bflag:$0x2] =	sbarrier.arrive $0xFFFF  }
0x10b: {  	[sflag:s0] =	ssyncadd.tile.s32 @!p0 $0x1;
	_ =	shalt  }
.Lfunc_end2:
_tile_overlayer_lowered:
.L_overlay_start_2:
0x10c: {  	(tag) =	ssettag $0x2  }
0x10d: {  	s0 =	rddreg [dreg:$0x0];
	s2 =	stileid.u32  }
0x10e: {  	s1 =	rddreg [dreg:$0x1];
	p0 =	sne.s32 s2, $0x0  }
0x10f: {  	s3 =	rddreg [dreg:$0x2];
	[bflag:$0x3] =	sbarrier.arrive $0xFFFF;
	s2 =	simm.s32 @!p0 $0x1C01  }
0x110: {  	[timem:s3], [sflag:s2] =	dma.local @!p0 [hbm:s0], s1  }
0x111: {  	s0 =	simm.s32 @!p0 $0x1  }
0x112: {  	_ =	swait.ge @!p0 [sflag:s0], s1  }
0x113: {  	s1 =	ssub.s32 @!p0 $0x0, s1;
	[sflag:s0] =	ssyncset.done @!p0 $0x0  }
0x114: {  	[sflag:s0] =	ssyncadd.s32 @!p0 s1  }
0x115: {  	[bflag:$0x3] =	sbarrier.arrive $0xFFFF  }
0x116: {  	_ =	shalt  }

</sc_bundles>
